<compile_context>
chip_gen: v7x
topology: tpu7x:2x2x1
jax: 0.10.2.dev20260603
libtpu: 0.0.44.dev20260713+nightly
codegen_flags: <defaults>
</compile_context>

<pallas_src>
import functools

import jax
import jax.numpy as jnp
from jax import lax
from jax.experimental import pallas as pl
from jax.experimental.pallas import tpu as pltpu
from jax.experimental.pallas import tpu_sc as plsc

N = 10000
E = 320000
DIN = 128
HID = 64
H1 = 5
C1 = H1 * HID
CH = C1 // 2
NC = 2
NS = 16
L = 16
SR = N // NS
B = 80
NB1 = E // NS // B
NB2 = E // (NC * NS) // B
NBLK = 10
NR = N // NBLK

@functools.cache
def _mesh():
    return plsc.VectorSubcoreMesh(core_axis_name="c", subcore_axis_name="s",
                                  num_cores=NC, num_subcores=NS)


def _leaky(x):
    return jnp.where(x >= 0, x, 0.2 * x)


def _tc1_body(x_ref, w1_ref, as_ref, ad_ref, h1t_ref, s_ref, d_ref):
    h = jnp.dot(x_ref[...], w1_ref[...], preferred_element_type=jnp.float32)
    h1t_ref[0] = h[:, :CH]
    h1t_ref[1] = h[:, CH:]
    s_ref[...] = jnp.dot(h, as_ref[...], preferred_element_type=jnp.float32)
    d_ref[...] = jnp.dot(h, ad_ref[...], preferred_element_type=jnp.float32)


def _tc1(x, W1, As16, Ad16):
    return pl.pallas_call(
        _tc1_body,
        grid=(NBLK,),
        in_specs=[
            pl.BlockSpec((NR, DIN), lambda i: (i, 0)),
            pl.BlockSpec((DIN, C1), lambda i: (0, 0)),
            pl.BlockSpec((C1, 16), lambda i: (0, 0)),
            pl.BlockSpec((C1, 16), lambda i: (0, 0)),
        ],
        out_specs=[
            pl.BlockSpec((2, NR, CH), lambda i: (0, i, 0)),
            pl.BlockSpec((NR, 16), lambda i: (i, 0)),
            pl.BlockSpec((NR, 16), lambda i: (i, 0)),
        ],
        out_shape=[
            jax.ShapeDtypeStruct((2, N, CH), jnp.float32),
            jax.ShapeDtypeStruct((N, 16), jnp.float32),
            jax.ShapeDtypeStruct((N, 16), jnp.float32),
        ],
    )(x, W1, As16, Ad16)


def _zero_vmem(ref, nrows, ncols):
    z = jnp.zeros((L,), jnp.float32)

    def row(r, _):
        for v in range(ncols // L):
            ref[r, pl.ds(v * L, L)] = z
        return 0

    lax.fori_loop(0, nrows, row, 0)


def _sc1_block(off, base, src_hbm, dst_hbm, h1t_hbm, s_tab, d_tab,
               src_v, dst_v, adj_v, s_rows, d_rows, ex_v, rows_v,
               sems, do_den, den_sh, accum_sh, ncols, hv_list):
    nv = ncols // L
    pltpu.sync_copy(src_hbm.at[pl.ds(base, B)], src_v)
    pltpu.sync_copy(dst_hbm.at[pl.ds(base, B)], dst_v)
    if off:
        for i in range(B // L):
            adj_v[pl.ds(i * L, L)] = src_v[pl.ds(i * L, L)] + off
        idx_ref = adj_v
    else:
        idx_ref = src_v
    g0 = pltpu.async_copy(s_tab.at[src_v], s_rows, sems[0])
    g1 = pltpu.async_copy(d_tab.at[dst_v], d_rows, sems[1])
    g2 = pltpu.async_copy(h1t_hbm.at[idx_ref], rows_v, sems[2])
    g0.wait()
    g1.wait()

    def exbody(e, _):
        a = s_rows[e] + d_rows[e]
        ex_v[e] = jnp.exp(_leaky(a))
        return 0

    lax.fori_loop(0, B, exbody, 0)
    if do_den:
        pltpu.sync_copy(ex_v, den_sh.at[dst_v], add=True)
    g2.wait()

    def mulbody(e, _):
        ex_row = ex_v[e]
        for v in range(nv):
            ev = ex_row[hv_list[v]]
            rows_v[e, pl.ds(v * L, L)] = rows_v[e, pl.ds(v * L, L)] * ev
        return 0

    lax.fori_loop(0, B, mulbody, 0)
    pltpu.sync_copy(rows_v, accum_sh.at[dst_v], add=True)


def _zero_stripe(rows_v, ex_v, accum_sh, den_sh, s, ncols):
    _zero_vmem(rows_v, B, ncols)
    _zero_vmem(ex_v, B, 16)
    for j in range(SR // B):
        pltpu.sync_copy(rows_v, accum_sh.at[pl.ds(s * SR + j * B, B)])
        pltpu.sync_copy(ex_v, den_sh.at[pl.ds(s * SR + j * B, B)])
    rem = SR % B
    base = s * SR + (SR // B) * B
    pltpu.sync_copy(rows_v.at[pl.ds(0, rem)], accum_sh.at[pl.ds(base, rem)])
    pltpu.sync_copy(ex_v.at[pl.ds(0, rem)], den_sh.at[pl.ds(base, rem)])


def _sc1_kernel(src_hbm, dst_hbm, h1t_hbm, s_tab, d_tab,
                num_hbm, den_hbm,
                accum_sh, den_sh,
                src_v, dst_v, adj_v, s_rows, d_rows, ex_v, rows_v,
                sem0, sem1, sem2):
    c = lax.axis_index("c")
    s = lax.axis_index("s")
    _zero_stripe(rows_v, ex_v, accum_sh, den_sh, s, CH)
    plsc.subcore_barrier()

    sems = (sem0, sem1, sem2)

    def run(off, hv_list, do_den):
        def blk(b, _):
            base = s * (E // NS) + b * B
            _sc1_block(off, base, src_hbm, dst_hbm, h1t_hbm, s_tab, d_tab,
                       src_v, dst_v, adj_v, s_rows, d_rows, ex_v, rows_v,
                       sems, do_den, den_sh, accum_sh, CH, hv_list)
            return 0

        lax.fori_loop(0, NB1, blk, 0)

    @pl.when(c == 0)
    def _():
        run(0, [v // 4 for v in range(CH // L)], True)

    @pl.when(c == 1)
    def _():
        run(N, [(10 + v) // 4 for v in range(CH // L)], False)
    plsc.subcore_barrier()
    row0 = c * N + s * SR
    pltpu.sync_copy(accum_sh.at[pl.ds(s * SR, SR)], num_hbm.at[pl.ds(row0, SR)])

    @pl.when(c == 0)
    def _():
        pltpu.sync_copy(den_sh.at[pl.ds(s * SR, SR)], den_hbm.at[pl.ds(s * SR, SR)])


def _sc1(src, dst, h1t_flat, s_tab, d_tab):
    f = functools.partial(
        pl.kernel,
        out_type=(
            jax.ShapeDtypeStruct((2 * N, CH), jnp.float32),
            jax.ShapeDtypeStruct((N, 16), jnp.float32),
        ),
        mesh=_mesh(),
        compiler_params=pltpu.CompilerParams(use_tc_tiling_on_sc=False),
        scratch_types=[
            pltpu.VMEM_SHARED((N, CH), jnp.float32),
            pltpu.VMEM_SHARED((N, 16), jnp.float32),
            pltpu.VMEM((B,), jnp.int32),
            pltpu.VMEM((B,), jnp.int32),
            pltpu.VMEM((B,), jnp.int32),
            pltpu.VMEM((B, 16), jnp.float32),
            pltpu.VMEM((B, 16), jnp.float32),
            pltpu.VMEM((B, 16), jnp.float32),
            pltpu.VMEM((B, CH), jnp.float32),
            pltpu.SemaphoreType.DMA,
            pltpu.SemaphoreType.DMA,
            pltpu.SemaphoreType.DMA,
        ],
    )(_sc1_kernel)
    return f(src, dst, h1t_flat, s_tab, d_tab)


def _sc2_kernel(src_hbm, dst_hbm, h2t_hbm, s2_tab, d2_tab,
                num_hbm, den_hbm,
                accum_sh, den_sh,
                src_v, dst_v, adj_v, s_rows, d_rows, ex_v, rows_v,
                sem0, sem1, sem2):
    c = lax.axis_index("c")
    s = lax.axis_index("s")
    _zero_stripe(rows_v, ex_v, accum_sh, den_sh, s, HID)
    plsc.subcore_barrier()

    sems = (sem0, sem1, sem2)
    wid = s * NC + c

    def blk(b, _):
        base = wid * (E // (NC * NS)) + b * B
        _sc1_block(0, base, src_hbm, dst_hbm, h2t_hbm, s2_tab, d2_tab,
                   src_v, dst_v, adj_v, s_rows, d_rows, ex_v, rows_v,
                   sems, True, den_sh, accum_sh, HID, [0] * (HID // L))
        return 0

    lax.fori_loop(0, NB2, blk, 0)
    plsc.subcore_barrier()
    row0 = c * N + s * SR
    pltpu.sync_copy(accum_sh.at[pl.ds(s * SR, SR)], num_hbm.at[pl.ds(row0, SR)])
    pltpu.sync_copy(den_sh.at[pl.ds(s * SR, SR)], den_hbm.at[pl.ds(row0, SR)])


def _sc2(src, dst, h2t, s2_tab, d2_tab):
    f = functools.partial(
        pl.kernel,
        out_type=(
            jax.ShapeDtypeStruct((2 * N, HID), jnp.float32),
            jax.ShapeDtypeStruct((2 * N, 16), jnp.float32),
        ),
        mesh=_mesh(),
        compiler_params=pltpu.CompilerParams(use_tc_tiling_on_sc=False),
        scratch_types=[
            pltpu.VMEM_SHARED((N, HID), jnp.float32),
            pltpu.VMEM_SHARED((N, 16), jnp.float32),
            pltpu.VMEM((B,), jnp.int32),
            pltpu.VMEM((B,), jnp.int32),
            pltpu.VMEM((B,), jnp.int32),
            pltpu.VMEM((B, 16), jnp.float32),
            pltpu.VMEM((B, 16), jnp.float32),
            pltpu.VMEM((B, 16), jnp.float32),
            pltpu.VMEM((B, HID), jnp.float32),
            pltpu.SemaphoreType.DMA,
            pltpu.SemaphoreType.DMA,
            pltpu.SemaphoreType.DMA,
        ],
    )(_sc2_kernel)
    return f(src, dst, h2t, s2_tab, d2_tab)


_SEQ_A = ((0, 64), (1, 64), (2, 32))
_SEQ_B = ((2, 32), (3, 64), (4, 64))


def _expand(vals, seq):
    return jnp.concatenate(
        [jnp.broadcast_to(vals[:, h:h + 1], (vals.shape[0], w)) for h, w in seq],
        axis=1)


def _tc2_body(na_ref, nb_ref, den_ref, s_ref, d_ref, ha_ref, hb_ref,
              w2_ref, as2_ref, ad2_ref, b1_ref,
              h2_ref, s2_ref, d2_ref):
    alpha = s_ref[...] + d_ref[...]
    exs = jnp.exp(_leaky(alpha))
    denom = den_ref[...] + exs
    fa = (na_ref[...] + _expand(exs, _SEQ_A) * ha_ref[...]) / _expand(denom, _SEQ_A)
    fb = (nb_ref[...] + _expand(exs, _SEQ_B) * hb_ref[...]) / _expand(denom, _SEQ_B)
    hr = jnp.maximum(jnp.concatenate([fa, fb], axis=1) + b1_ref[...], 0.0)
    h2 = jnp.dot(hr, w2_ref[...], preferred_element_type=jnp.float32)
    h2_ref[...] = h2
    s2_ref[...] = jnp.dot(h2, as2_ref[...], preferred_element_type=jnp.float32)
    d2_ref[...] = jnp.dot(h2, ad2_ref[...], preferred_element_type=jnp.float32)


def _tc2(num, den, s_tab, d_tab, h1t_flat, W2, As2, Ad2, b1r):
    return pl.pallas_call(
        _tc2_body,
        grid=(NBLK,),
        in_specs=[
            pl.BlockSpec((NR, CH), lambda i: (i, 0)),
            pl.BlockSpec((NR, CH), lambda i: (NBLK + i, 0)),
            pl.BlockSpec((NR, 16), lambda i: (i, 0)),
            pl.BlockSpec((NR, 16), lambda i: (i, 0)),
            pl.BlockSpec((NR, 16), lambda i: (i, 0)),
            pl.BlockSpec((NR, CH), lambda i: (i, 0)),
            pl.BlockSpec((NR, CH), lambda i: (NBLK + i, 0)),
            pl.BlockSpec((C1, HID), lambda i: (0, 0)),
            pl.BlockSpec((HID, 16), lambda i: (0, 0)),
            pl.BlockSpec((HID, 16), lambda i: (0, 0)),
            pl.BlockSpec((1, C1), lambda i: (0, 0)),
        ],
        out_specs=[
            pl.BlockSpec((NR, HID), lambda i: (i, 0)),
            pl.BlockSpec((NR, 16), lambda i: (i, 0)),
            pl.BlockSpec((NR, 16), lambda i: (i, 0)),
        ],
        out_shape=[
            jax.ShapeDtypeStruct((N, HID), jnp.float32),
            jax.ShapeDtypeStruct((N, 16), jnp.float32),
            jax.ShapeDtypeStruct((N, 16), jnp.float32),
        ],
    )(num, num, den, s_tab, d_tab, h1t_flat, h1t_flat, W2, As2, Ad2, b1r)


def _tc3_body(na_ref, nb_ref, da_ref, db_ref, s2_ref, d2_ref, h2_ref,
              b2_ref, out_ref):
    alpha = s2_ref[...] + d2_ref[...]
    exs = jnp.exp(_leaky(alpha))
    e = exs[:, 0:1]
    numv = na_ref[...] + nb_ref[...] + e * h2_ref[...]
    denv = da_ref[:, 0:1] + db_ref[:, 0:1] + e
    out_ref[...] = jnp.maximum(numv / denv + b2_ref[...], 0.0)


def _tc3(num2, den2, s2_tab, d2_tab, h2t, b2r):
    return pl.pallas_call(
        _tc3_body,
        grid=(NBLK,),
        in_specs=[
            pl.BlockSpec((NR, HID), lambda i: (i, 0)),
            pl.BlockSpec((NR, HID), lambda i: (NBLK + i, 0)),
            pl.BlockSpec((NR, 16), lambda i: (i, 0)),
            pl.BlockSpec((NR, 16), lambda i: (NBLK + i, 0)),
            pl.BlockSpec((NR, 16), lambda i: (i, 0)),
            pl.BlockSpec((NR, 16), lambda i: (i, 0)),
            pl.BlockSpec((NR, HID), lambda i: (i, 0)),
            pl.BlockSpec((1, HID), lambda i: (0, 0)),
        ],
        out_specs=pl.BlockSpec((NR, HID), lambda i: (i, 0)),
        out_shape=jax.ShapeDtypeStruct((N, HID), jnp.float32),
    )(num2, num2, den2, den2, s2_tab, d2_tab, h2t, b2r)


def kernel(x, edge_index, W1, a_src1, a_dst1, b1, W2, a_src2, a_dst2, b2):
    src = edge_index[0]
    dst = edge_index[1]
    eye = jnp.eye(H1, dtype=jnp.float32)
    As = (eye[:, None, :] * a_src1[:, :, None]).reshape(C1, H1)
    Ad = (eye[:, None, :] * a_dst1[:, :, None]).reshape(C1, H1)
    As16 = jnp.pad(As, ((0, 0), (0, 16 - H1)))
    Ad16 = jnp.pad(Ad, ((0, 0), (0, 16 - H1)))
    As2 = jnp.pad(a_src2.T, ((0, 0), (0, 15)))
    Ad2 = jnp.pad(a_dst2.T, ((0, 0), (0, 15)))

    h1t, s_tab, d_tab = _tc1(x, W1, As16, Ad16)
    h1t_flat = h1t.reshape(2 * N, CH)
    num, den = _sc1(src, dst, h1t_flat, s_tab, d_tab)
    h2t, s2_tab, d2_tab = _tc2(num, den, s_tab, d_tab, h1t_flat,
                               W2, As2, Ad2, b1.reshape(1, C1))
    num2, den2 = _sc2(src, dst, h2t, s2_tab, d2_tab)
    return _tc3(num2, den2, s2_tab, d2_tab, h2t, b2.reshape(1, HID))

# --- scband reference (transcript-rebuilt; emitter-appended) ---
"""Pipeline reference for scband-gatblock-58282706206740 (READ-ONLY COPY).

The authoritative reference and input builder live on the scoring server;
editing this copy changes nothing except your own understanding.
"""

import jax, jax.numpy as jnp
import numpy as np

N_NODES = 10000
N_EDGES = 320000
D_IN = 128
HID = 64
HEADS1 = 5

def _gat_conv(x, src, dst, W, a_src, a_dst, bias, heads, out_ch, concat):
    N = x.shape[0]
    h = (x @ W).reshape(N, heads, out_ch)
    alpha_src = jnp.sum(h * a_src[None, :, :], axis=-1)  # [N, H]
    alpha_dst = jnp.sum(h * a_dst[None, :, :], axis=-1)  # [N, H]
    alpha = jax.nn.leaky_relu(alpha_src[src] + alpha_dst[dst], negative_slope=0.2)  # [E, H]
    amax = jax.ops.segment_max(alpha, dst, num_segments=N)
    amax = jnp.where(jnp.isfinite(amax), amax, 0.0)
    ex = jnp.exp(alpha - amax[dst])
    denom = jax.ops.segment_sum(ex, dst, num_segments=N)
    coef = ex / (denom[dst] + 1e-16)
    out = jax.ops.segment_sum(h[src] * coef[:, :, None], dst, num_segments=N)  # [N, H, C]
    if concat:
        out = out.reshape(N, heads * out_ch)
    else:
        out = jnp.mean(out, axis=1)
    return out + bias

def _forward(x, edge_index, W1, a_src1, a_dst1, b1, W2, a_src2, a_dst2, b2):
    N = x.shape[0]
    loop = jnp.arange(N, dtype=edge_index.dtype)
    src = jnp.concatenate([edge_index[0], loop])  # add self loops (PyG default)
    dst = jnp.concatenate([edge_index[1], loop])
    h = jax.nn.relu(_gat_conv(x, src, dst, W1, a_src1, a_dst1, b1, HEADS1, HID, True))
    out = jax.nn.relu(_gat_conv(h, src, dst, W2, a_src2, a_dst2, b2, 1, HID, False))
    # F.dropout with training=False is identity (eval mode)
    return out

def setup_inputs(seed: int = 0):
    key = jax.random.key(seed)
    ks = jax.random.split(key, 10)
    x = jax.random.normal(ks[0], (N_NODES, D_IN), dtype=jnp.float32)
    edge_index = jax.random.randint(ks[1], (2, N_EDGES), 0, N_NODES, dtype=jnp.int32)
    W1 = jax.random.normal(ks[2], (D_IN, HEADS1 * HID), dtype=jnp.float32) * (1.0 / np.sqrt(D_IN))
    a_src1 = jax.random.normal(ks[3], (HEADS1, HID), dtype=jnp.float32) * 0.1
    a_dst1 = jax.random.normal(ks[4], (HEADS1, HID), dtype=jnp.float32) * 0.1
    b1 = jnp.zeros((HEADS1 * HID,), dtype=jnp.float32)
    W2 = jax.random.normal(ks[5], (HEADS1 * HID, HID), dtype=jnp.float32) * (1.0 / np.sqrt(HEADS1 * HID))
    a_src2 = jax.random.normal(ks[6], (1, HID), dtype=jnp.float32) * 0.1
    a_dst2 = jax.random.normal(ks[7], (1, HID), dtype=jnp.float32) * 0.1
    b2 = jnp.zeros((HID,), dtype=jnp.float32)
    return {"x": x, "edge_index": edge_index, "W1": W1, "a_src1": a_src1, "a_dst1": a_dst1, "b1": b1, "W2": W2, "a_src2": a_src2, "a_dst2": a_dst2, "b2": b2}

def reference(x, edge_index, W1, a_src1, a_dst1, b1, W2, a_src2, a_dst2, b2):
    return _forward(x, edge_index, W1, a_src1, a_dst1, b1, W2, a_src2, a_dst2, b2)

if __name__ == "__main__":
    import jax
    _d = setup_inputs()
    print(jax.jit(kernel)(*tuple(_d.values())))

</pallas_src>

<mosaic_0001>
#map = affine_map<(d0, d1) -> (0)>
#map1 = affine_map<(d0, d1) -> (0, 0)>
module attributes {stable_mosaic.version = 14 : i64} {
  func.func @_sc1_kernel(%arg0: i32, %arg1: i32, %arg2: memref<320000xi32, #tpu.memory_space<hbm>>, %arg3: memref<320000xi32, #tpu.memory_space<hbm>>, %arg4: memref<20000x160xf32, #tpu.memory_space<hbm>>, %arg5: memref<10000x16xf32, #tpu.memory_space<hbm>>, %arg6: memref<10000x16xf32, #tpu.memory_space<hbm>>, %arg7: memref<20000x160xf32, #tpu.memory_space<hbm>>, %arg8: memref<10000x16xf32, #tpu.memory_space<hbm>>, %arg9: memref<10000x160xf32, #tpu.memory_space<vmem_shared>>, %arg10: memref<10000x16xf32, #tpu.memory_space<vmem_shared>>, %arg11: memref<80xi32, #tpu.memory_space<vmem>>, %arg12: memref<80xi32, #tpu.memory_space<vmem>>, %arg13: memref<80xi32, #tpu.memory_space<vmem>>, %arg14: memref<80x16xf32, #tpu.memory_space<vmem>>, %arg15: memref<80x16xf32, #tpu.memory_space<vmem>>, %arg16: memref<80x16xf32, #tpu.memory_space<vmem>>, %arg17: memref<80x160xf32, #tpu.memory_space<vmem>>, %arg18: memref<!tpu.dma_semaphore, #tpu.memory_space<semaphore_mem>>, %arg19: memref<!tpu.dma_semaphore, #tpu.memory_space<semaphore_mem>>, %arg20: memref<!tpu.dma_semaphore, #tpu.memory_space<semaphore_mem>>) attributes {dimension_semantics = [#tpu.dimension_semantics<core_parallel>, #tpu.dimension_semantics<subcore_parallel>], iteration_bounds = array<i64: 2, 16>, scalar_prefetch = 0 : i64, scratch_operands = 12 : i64, tpu.core_type = #tpu.core_type<sc_vector_subcore>, window_params = [{transform_indices = #map}, {transform_indices = #map}, {transform_indices = #map1}, {transform_indices = #map1}, {transform_indices = #map1}, {transform_indices = #map1}, {transform_indices = #map1}]} {
    %broadcast_in_dim3A = arith.constant 0.000000e+00 : f32
    %broadcast_in_dim3A_0 = vector.broadcast %broadcast_in_dim3A : f32 to vector<16xf32>
    %scan3A = arith.constant 0 : i32
    %scan3A_1 = arith.constant 0 : i32
    %scan3A_2 = arith.constant 80 : i32
    %scan3A_3 = arith.addi %scan3A_1, %scan3A_2 : i32
    %scan3A_4 = arith.constant 1 : i32
    %scan3A_5 = scf.for %scan3A_94 = %scan3A_1 to %scan3A_3 step %scan3A_4 iter_args(%scan3A_95 = %scan3A) -> (i32)  : i32 {
      %swap3A = arith.index_cast %scan3A_94 : i32 to index
      %swap3A_96 = arith.constant 0 : index
      %swap3A_97 = tpu.vector_load %arg17[%swap3A, %swap3A_96] {strides = array<i32>} : memref<80x160xf32, #tpu.memory_space<vmem>>, vector<1x16xf32>,
      %swap3A_98 = vector.shape_cast %swap3A_97 : vector<1x16xf32> to vector<16xf32>
      %swap3A_99 = vector.shape_cast %broadcast_in_dim3A_0 : vector<16xf32> to vector<1x16xf32>
      tpu.vector_store %arg17[%swap3A, %swap3A_96], %swap3A_99 {strides = array<i32>} : memref<80x160xf32, #tpu.memory_space<vmem>>, vector<1x16xf32>,
      %swap3A_100 = arith.index_cast %scan3A_94 : i32 to index
      %swap3A_101 = arith.constant 16 : index
      %swap3A_102 = tpu.vector_load %arg17[%swap3A_100, %swap3A_101] {strides = array<i32>} : memref<80x160xf32, #tpu.memory_space<vmem>>, vector<1x16xf32>,
      %swap3A_103 = vector.shape_cast %swap3A_102 : vector<1x16xf32> to vector<16xf32>
      %swap3A_104 = vector.shape_cast %broadcast_in_dim3A_0 : vector<16xf32> to vector<1x16xf32>
      tpu.vector_store %arg17[%swap3A_100, %swap3A_101], %swap3A_104 {strides = array<i32>} : memref<80x160xf32, #tpu.memory_space<vmem>>, vector<1x16xf32>,
      %swap3A_105 = arith.index_cast %scan3A_94 : i32 to index
      %swap3A_106 = arith.constant 32 : index
      %swap3A_107 = tpu.vector_load %arg17[%swap3A_105, %swap3A_106] {strides = array<i32>} : memref<80x160xf32, #tpu.memory_space<vmem>>, vector<1x16xf32>,
      %swap3A_108 = vector.shape_cast %swap3A_107 : vector<1x16xf32> to vector<16xf32>
      %swap3A_109 = vector.shape_cast %broadcast_in_dim3A_0 : vector<16xf32> to vector<1x16xf32>
      tpu.vector_store %arg17[%swap3A_105, %swap3A_106], %swap3A_109 {strides = array<i32>} : memref<80x160xf32, #tpu.memory_space<vmem>>, vector<1x16xf32>,
      %swap3A_110 = arith.index_cast %scan3A_94 : i32 to index
      %swap3A_111 = arith.constant 48 : index
      %swap3A_112 = tpu.vector_load %arg17[%swap3A_110, %swap3A_111] {strides = array<i32>} : memref<80x160xf32, #tpu.memory_space<vmem>>, vector<1x16xf32>,
      %swap3A_113 = vector.shape_cast %swap3A_112 : vector<1x16xf32> to vector<16xf32>
      %swap3A_114 = vector.shape_cast %broadcast_in_dim3A_0 : vector<16xf32> to vector<1x16xf32>
      tpu.vector_store %arg17[%swap3A_110, %swap3A_111], %swap3A_114 {strides = array<i32>} : memref<80x160xf32, #tpu.memory_space<vmem>>, vector<1x16xf32>,
      %swap3A_115 = arith.index_cast %scan3A_94 : i32 to index
      %swap3A_116 = arith.constant 64 : index
      %swap3A_117 = tpu.vector_load %arg17[%swap3A_115, %swap3A_116] {strides = array<i32>} : memref<80x160xf32, #tpu.memory_space<vmem>>, vector<1x16xf32>,
      %swap3A_118 = vector.shape_cast %swap3A_117 : vector<1x16xf32> to vector<16xf32>
      %swap3A_119 = vector.shape_cast %broadcast_in_dim3A_0 : vector<16xf32> to vector<1x16xf32>
      tpu.vector_store %arg17[%swap3A_115, %swap3A_116], %swap3A_119 {strides = array<i32>} : memref<80x160xf32, #tpu.memory_space<vmem>>, vector<1x16xf32>,
      %swap3A_120 = arith.index_cast %scan3A_94 : i32 to index
      %swap3A_121 = arith.constant 80 : index
      %swap3A_122 = tpu.vector_load %arg17[%swap3A_120, %swap3A_121] {strides = array<i32>} : memref<80x160xf32, #tpu.memory_space<vmem>>, vector<1x16xf32>,
      %swap3A_123 = vector.shape_cast %swap3A_122 : vector<1x16xf32> to vector<16xf32>
      %swap3A_124 = vector.shape_cast %broadcast_in_dim3A_0 : vector<16xf32> to vector<1x16xf32>
      tpu.vector_store %arg17[%swap3A_120, %swap3A_121], %swap3A_124 {strides = array<i32>} : memref<80x160xf32, #tpu.memory_space<vmem>>, vector<1x16xf32>,
      %swap3A_125 = arith.index_cast %scan3A_94 : i32 to index
      %swap3A_126 = arith.constant 96 : index
      %swap3A_127 = tpu.vector_load %arg17[%swap3A_125, %swap3A_126] {strides = array<i32>} : memref<80x160xf32, #tpu.memory_space<vmem>>, vector<1x16xf32>,
      %swap3A_128 = vector.shape_cast %swap3A_127 : vector<1x16xf32> to vector<16xf32>
      %swap3A_129 = vector.shape_cast %broadcast_in_dim3A_0 : vector<16xf32> to vector<1x16xf32>
      tpu.vector_store %arg17[%swap3A_125, %swap3A_126], %swap3A_129 {strides = array<i32>} : memref<80x160xf32, #tpu.memory_space<vmem>>, vector<1x16xf32>,
      %swap3A_130 = arith.index_cast %scan3A_94 : i32 to index
      %swap3A_131 = arith.constant 112 : index
      %swap3A_132 = tpu.vector_load %arg17[%swap3A_130, %swap3A_131] {strides = array<i32>} : memref<80x160xf32, #tpu.memory_space<vmem>>, vector<1x16xf32>,
      %swap3A_133 = vector.shape_cast %swap3A_132 : vector<1x16xf32> to vector<16xf32>
      %swap3A_134 = vector.shape_cast %broadcast_in_dim3A_0 : vector<16xf32> to vector<1x16xf32>
      tpu.vector_store %arg17[%swap3A_130, %swap3A_131], %swap3A_134 {strides = array<i32>} : memref<80x160xf32, #tpu.memory_space<vmem>>, vector<1x16xf32>,
      %swap3A_135 = arith.index_cast %scan3A_94 : i32 to index
      %swap3A_136 = arith.constant 128 : index
      %swap3A_137 = tpu.vector_load %arg17[%swap3A_135, %swap3A_136] {strides = array<i32>} : memref<80x160xf32, #tpu.memory_space<vmem>>, vector<1x16xf32>,
      %swap3A_138 = vector.shape_cast %swap3A_137 : vector<1x16xf32> to vector<16xf32>
      %swap3A_139 = vector.shape_cast %broadcast_in_dim3A_0 : vector<16xf32> to vector<1x16xf32>
      tpu.vector_store %arg17[%swap3A_135, %swap3A_136], %swap3A_139 {strides = array<i32>} : memref<80x160xf32, #tpu.memory_space<vmem>>, vector<1x16xf32>,
      %swap3A_140 = arith.index_cast %scan3A_94 : i32 to index
      %swap3A_141 = arith.constant 144 : index
      %swap3A_142 = tpu.vector_load %arg17[%swap3A_140, %swap3A_141] {strides = array<i32>} : memref<80x160xf32, #tpu.memory_space<vmem>>, vector<1x16xf32>,
      %swap3A_143 = vector.shape_cast %swap3A_142 : vector<1x16xf32> to vector<16xf32>
      %swap3A_144 = vector.shape_cast %broadcast_in_dim3A_0 : vector<16xf32> to vector<1x16xf32>
      tpu.vector_store %arg17[%swap3A_140, %swap3A_141], %swap3A_144 {strides = array<i32>} : memref<80x160xf32, #tpu.memory_space<vmem>>, vector<1x16xf32>,
      %scan3A_145 = arith.constant 0 : i32
      scf.yield %scan3A_145 : i32
    }
    %scan3A_6 = arith.constant 80 : i32
    %broadcast_in_dim3A_7 = arith.constant 0.000000e+00 : f32
    %broadcast_in_dim3A_8 = vector.broadcast %broadcast_in_dim3A_7 : f32 to vector<16xf32>
    %scan3A_9 = arith.constant 0 : i32
    %scan3A_10 = arith.constant 0 : i32
    %scan3A_11 = arith.constant 80 : i32
    %scan3A_12 = arith.addi %scan3A_10, %scan3A_11 : i32
    %scan3A_13 = arith.constant 1 : i32
    %scan3A_14 = scf.for %scan3A_94 = %scan3A_10 to %scan3A_12 step %scan3A_13 iter_args(%scan3A_95 = %scan3A_9) -> (i32)  : i32 {
      %swap3A = arith.index_cast %scan3A_94 : i32 to index
      %swap3A_96 = arith.constant 0 : index
      %swap3A_97 = tpu.vector_load %arg16[%swap3A, %swap3A_96] {strides = array<i32>} : memref<80x16xf32, #tpu.memory_space<vmem>>, vector<1x16xf32>,
      %swap3A_98 = vector.shape_cast %swap3A_97 : vector<1x16xf32> to vector<16xf32>
      %swap3A_99 = vector.shape_cast %broadcast_in_dim3A_8 : vector<16xf32> to vector<1x16xf32>
      tpu.vector_store %arg16[%swap3A, %swap3A_96], %swap3A_99 {strides = array<i32>} : memref<80x16xf32, #tpu.memory_space<vmem>>, vector<1x16xf32>,
      %scan3A_100 = arith.constant 0 : i32
      scf.yield %scan3A_100 : i32
    }
    %scan3A_15 = arith.constant 80 : i32
    %mul3A = arith.constant 625 : i32
    %mul3A_16 = arith.muli %arg1, %mul3A : i32
    %add3A = arith.constant 0 : i32
    %add3A_17 = arith.addi %mul3A_16, %add3A : i32
    "tpu.region"() ({
      %run_scoped3A = tpu.sem_alloc : memref<!tpu.dma_semaphore, #tpu.memory_space<semaphore_mem>>
      %dma_start3A = arith.constant 0 : i32
      %dma_start3A_94 = tpu.memref_slice %arg9[%add3A_17, %dma_start3A] : memref<10000x160xf32, #tpu.memory_space<vmem_shared>> -> memref<80x160xf32, #tpu.memory_space<vmem_shared>>
      %dma_start3A_95 = arith.constant 0 : i32
      %dma_start3A_96 = tpu.memref_slice %arg9[%add3A_17, %dma_start3A_95] : memref<10000x160xf32, #tpu.memory_space<vmem_shared>> -> memref<80x160xf32, #tpu.memory_space<vmem_shared>>
      tpu.enqueue_dma source(%arg17 : memref<80x160xf32, #tpu.memory_space<vmem>>) target(%dma_start3A_96 : memref<80x160xf32, #tpu.memory_space<vmem_shared>>) target_semaphore(%run_scoped3A : memref<!tpu.dma_semaphore, #tpu.memory_space<semaphore_mem>>)
      %dma_wait3A = arith.constant 0 : i32
      %dma_wait3A_97 = tpu.memref_slice %arg9[%add3A_17, %dma_wait3A] : memref<10000x160xf32, #tpu.memory_space<vmem_shared>> -> memref<80x160xf32, #tpu.memory_space<vmem_shared>>
      %dma_wait3A_98 = arith.constant 0 : i32
      %dma_wait3A_99 = tpu.memref_slice %arg9[%add3A_17, %dma_wait3A_98] : memref<10000x160xf32, #tpu.memory_space<vmem_shared>> -> memref<80x160xf32, #tpu.memory_space<vmem_shared>>
      tpu.wait_dma2 semaphore(%run_scoped3A : memref<!tpu.dma_semaphore, #tpu.memory_space<semaphore_mem>>) src(%arg17 : memref<80x160xf32, #tpu.memory_space<vmem>>) dst(%dma_wait3A_99 : memref<80x160xf32, #tpu.memory_space<vmem_shared>>)
      tpu.yield
    }) : () -> ()
    %mul3A_18 = arith.constant 625 : i32
    %mul3A_19 = arith.muli %arg1, %mul3A_18 : i32
    %add3A_20 = arith.constant 0 : i32
    %add3A_21 = arith.addi %mul3A_19, %add3A_20 : i32
    "tpu.region"() ({
      %run_scoped3A = tpu.sem_alloc : memref<!tpu.dma_semaphore, #tpu.memory_space<semaphore_mem>>
      %dma_start3A = arith.constant 0 : i32
      %dma_start3A_94 = tpu.memref_slice %arg10[%add3A_21, %dma_start3A] : memref<10000x16xf32, #tpu.memory_space<vmem_shared>> -> memref<80x16xf32, #tpu.memory_space<vmem_shared>>
      %dma_start3A_95 = arith.constant 0 : i32
      %dma_start3A_96 = tpu.memref_slice %arg10[%add3A_21, %dma_start3A_95] : memref<10000x16xf32, #tpu.memory_space<vmem_shared>> -> memref<80x16xf32, #tpu.memory_space<vmem_shared>>
      tpu.enqueue_dma source(%arg16 : memref<80x16xf32, #tpu.memory_space<vmem>>) target(%dma_start3A_96 : memref<80x16xf32, #tpu.memory_space<vmem_shared>>) target_semaphore(%run_scoped3A : memref<!tpu.dma_semaphore, #tpu.memory_space<semaphore_mem>>)
      %dma_wait3A = arith.constant 0 : i32
      %dma_wait3A_97 = tpu.memref_slice %arg10[%add3A_21, %dma_wait3A] : memref<10000x16xf32, #tpu.memory_space<vmem_shared>> -> memref<80x16xf32, #tpu.memory_space<vmem_shared>>
      %dma_wait3A_98 = arith.constant 0 : i32
      %dma_wait3A_99 = tpu.memref_slice %arg10[%add3A_21, %dma_wait3A_98] : memref<10000x16xf32, #tpu.memory_space<vmem_shared>> -> memref<80x16xf32, #tpu.memory_space<vmem_shared>>
      tpu.wait_dma2 semaphore(%run_scoped3A : memref<!tpu.dma_semaphore, #tpu.memory_space<semaphore_mem>>) src(%arg16 : memref<80x16xf32, #tpu.memory_space<vmem>>) dst(%dma_wait3A_99 : memref<80x16xf32, #tpu.memory_space<vmem_shared>>)
      tpu.yield
    }) : () -> ()
    %mul3A_22 = arith.constant 625 : i32
    %mul3A_23 = arith.muli %arg1, %mul3A_22 : i32
    %add3A_24 = arith.constant 80 : i32
    %add3A_25 = arith.addi %mul3A_23, %add3A_24 : i32
    "tpu.region"() ({
      %run_scoped3A = tpu.sem_alloc : memref<!tpu.dma_semaphore, #tpu.memory_space<semaphore_mem>>
      %dma_start3A = arith.constant 0 : i32
      %dma_start3A_94 = tpu.memref_slice %arg9[%add3A_25, %dma_start3A] : memref<10000x160xf32, #tpu.memory_space<vmem_shared>> -> memref<80x160xf32, #tpu.memory_space<vmem_shared>>
      %dma_start3A_95 = arith.constant 0 : i32
      %dma_start3A_96 = tpu.memref_slice %arg9[%add3A_25, %dma_start3A_95] : memref<10000x160xf32, #tpu.memory_space<vmem_shared>> -> memref<80x160xf32, #tpu.memory_space<vmem_shared>>
      tpu.enqueue_dma source(%arg17 : memref<80x160xf32, #tpu.memory_space<vmem>>) target(%dma_start3A_96 : memref<80x160xf32, #tpu.memory_space<vmem_shared>>) target_semaphore(%run_scoped3A : memref<!tpu.dma_semaphore, #tpu.memory_space<semaphore_mem>>)
      %dma_wait3A = arith.constant 0 : i32
      %dma_wait3A_97 = tpu.memref_slice %arg9[%add3A_25, %dma_wait3A] : memref<10000x160xf32, #tpu.memory_space<vmem_shared>> -> memref<80x160xf32, #tpu.memory_space<vmem_shared>>
      %dma_wait3A_98 = arith.constant 0 : i32
      %dma_wait3A_99 = tpu.memref_slice %arg9[%add3A_25, %dma_wait3A_98] : memref<10000x160xf32, #tpu.memory_space<vmem_shared>> -> memref<80x160xf32, #tpu.memory_space<vmem_shared>>
      tpu.wait_dma2 semaphore(%run_scoped3A : memref<!tpu.dma_semaphore, #tpu.memory_space<semaphore_mem>>) src(%arg17 : memref<80x160xf32, #tpu.memory_space<vmem>>) dst(%dma_wait3A_99 : memref<80x160xf32, #tpu.memory_space<vmem_shared>>)
      tpu.yield
    }) : () -> ()
    %mul3A_26 = arith.constant 625 : i32
    %mul3A_27 = arith.muli %arg1, %mul3A_26 : i32
    %add3A_28 = arith.constant 80 : i32
    %add3A_29 = arith.addi %mul3A_27, %add3A_28 : i32
    "tpu.region"() ({
      %run_scoped3A = tpu.sem_alloc : memref<!tpu.dma_semaphore, #tpu.memory_space<semaphore_mem>>
      %dma_start3A = arith.constant 0 : i32
      %dma_start3A_94 = tpu.memref_slice %arg10[%add3A_29, %dma_start3A] : memref<10000x16xf32, #tpu.memory_space<vmem_shared>> -> memref<80x16xf32, #tpu.memory_space<vmem_shared>>
      %dma_start3A_95 = arith.constant 0 : i32
      %dma_start3A_96 = tpu.memref_slice %arg10[%add3A_29, %dma_start3A_95] : memref<10000x16xf32, #tpu.memory_space<vmem_shared>> -> memref<80x16xf32, #tpu.memory_space<vmem_shared>>
      tpu.enqueue_dma source(%arg16 : memref<80x16xf32, #tpu.memory_space<vmem>>) target(%dma_start3A_96 : memref<80x16xf32, #tpu.memory_space<vmem_shared>>) target_semaphore(%run_scoped3A : memref<!tpu.dma_semaphore, #tpu.memory_space<semaphore_mem>>)
      %dma_wait3A = arith.constant 0 : i32
      %dma_wait3A_97 = tpu.memref_slice %arg10[%add3A_29, %dma_wait3A] : memref<10000x16xf32, #tpu.memory_space<vmem_shared>> -> memref<80x16xf32, #tpu.memory_space<vmem_shared>>
      %dma_wait3A_98 = arith.constant 0 : i32
      %dma_wait3A_99 = tpu.memref_slice %arg10[%add3A_29, %dma_wait3A_98] : memref<10000x16xf32, #tpu.memory_space<vmem_shared>> -> memref<80x16xf32, #tpu.memory_space<vmem_shared>>
      tpu.wait_dma2 semaphore(%run_scoped3A : memref<!tpu.dma_semaphore, #tpu.memory_space<semaphore_mem>>) src(%arg16 : memref<80x16xf32, #tpu.memory_space<vmem>>) dst(%dma_wait3A_99 : memref<80x16xf32, #tpu.memory_space<vmem_shared>>)
      tpu.yield
    }) : () -> ()
    %mul3A_30 = arith.constant 625 : i32
    %mul3A_31 = arith.muli %arg1, %mul3A_30 : i32
    %add3A_32 = arith.constant 160 : i32
    %add3A_33 = arith.addi %mul3A_31, %add3A_32 : i32
    "tpu.region"() ({
      %run_scoped3A = tpu.sem_alloc : memref<!tpu.dma_semaphore, #tpu.memory_space<semaphore_mem>>
      %dma_start3A = arith.constant 0 : i32
      %dma_start3A_94 = tpu.memref_slice %arg9[%add3A_33, %dma_start3A] : memref<10000x160xf32, #tpu.memory_space<vmem_shared>> -> memref<80x160xf32, #tpu.memory_space<vmem_shared>>
      %dma_start3A_95 = arith.constant 0 : i32
      %dma_start3A_96 = tpu.memref_slice %arg9[%add3A_33, %dma_start3A_95] : memref<10000x160xf32, #tpu.memory_space<vmem_shared>> -> memref<80x160xf32, #tpu.memory_space<vmem_shared>>
      tpu.enqueue_dma source(%arg17 : memref<80x160xf32, #tpu.memory_space<vmem>>) target(%dma_start3A_96 : memref<80x160xf32, #tpu.memory_space<vmem_shared>>) target_semaphore(%run_scoped3A : memref<!tpu.dma_semaphore, #tpu.memory_space<semaphore_mem>>)
      %dma_wait3A = arith.constant 0 : i32
      %dma_wait3A_97 = tpu.memref_slice %arg9[%add3A_33, %dma_wait3A] : memref<10000x160xf32, #tpu.memory_space<vmem_shared>> -> memref<80x160xf32, #tpu.memory_space<vmem_shared>>
      %dma_wait3A_98 = arith.constant 0 : i32
      %dma_wait3A_99 = tpu.memref_slice %arg9[%add3A_33, %dma_wait3A_98] : memref<10000x160xf32, #tpu.memory_space<vmem_shared>> -> memref<80x160xf32, #tpu.memory_space<vmem_shared>>
      tpu.wait_dma2 semaphore(%run_scoped3A : memref<!tpu.dma_semaphore, #tpu.memory_space<semaphore_mem>>) src(%arg17 : memref<80x160xf32, #tpu.memory_space<vmem>>) dst(%dma_wait3A_99 : memref<80x160xf32, #tpu.memory_space<vmem_shared>>)
      tpu.yield
    }) : () -> ()
    %mul3A_34 = arith.constant 625 : i32
    %mul3A_35 = arith.muli %arg1, %mul3A_34 : i32
    %add3A_36 = arith.constant 160 : i32
    %add3A_37 = arith.addi %mul3A_35, %add3A_36 : i32
    "tpu.region"() ({
      %run_scoped3A = tpu.sem_alloc : memref<!tpu.dma_semaphore, #tpu.memory_space<semaphore_mem>>
      %dma_start3A = arith.constant 0 : i32
      %dma_start3A_94 = tpu.memref_slice %arg10[%add3A_37, %dma_start3A] : memref<10000x16xf32, #tpu.memory_space<vmem_shared>> -> memref<80x16xf32, #tpu.memory_space<vmem_shared>>
      %dma_start3A_95 = arith.constant 0 : i32
      %dma_start3A_96 = tpu.memref_slice %arg10[%add3A_37, %dma_start3A_95] : memref<10000x16xf32, #tpu.memory_space<vmem_shared>> -> memref<80x16xf32, #tpu.memory_space<vmem_shared>>
      tpu.enqueue_dma source(%arg16 : memref<80x16xf32, #tpu.memory_space<vmem>>) target(%dma_start3A_96 : memref<80x16xf32, #tpu.memory_space<vmem_shared>>) target_semaphore(%run_scoped3A : memref<!tpu.dma_semaphore, #tpu.memory_space<semaphore_mem>>)
      %dma_wait3A = arith.constant 0 : i32
      %dma_wait3A_97 = tpu.memref_slice %arg10[%add3A_37, %dma_wait3A] : memref<10000x16xf32, #tpu.memory_space<vmem_shared>> -> memref<80x16xf32, #tpu.memory_space<vmem_shared>>
      %dma_wait3A_98 = arith.constant 0 : i32
      %dma_wait3A_99 = tpu.memref_slice %arg10[%add3A_37, %dma_wait3A_98] : memref<10000x16xf32, #tpu.memory_space<vmem_shared>> -> memref<80x16xf32, #tpu.memory_space<vmem_shared>>
      tpu.wait_dma2 semaphore(%run_scoped3A : memref<!tpu.dma_semaphore, #tpu.memory_space<semaphore_mem>>) src(%arg16 : memref<80x16xf32, #tpu.memory_space<vmem>>) dst(%dma_wait3A_99 : memref<80x16xf32, #tpu.memory_space<vmem_shared>>)
      tpu.yield
    }) : () -> ()
    %mul3A_38 = arith.constant 625 : i32
    %mul3A_39 = arith.muli %arg1, %mul3A_38 : i32
    %add3A_40 = arith.constant 240 : i32
    %add3A_41 = arith.addi %mul3A_39, %add3A_40 : i32
    "tpu.region"() ({
      %run_scoped3A = tpu.sem_alloc : memref<!tpu.dma_semaphore, #tpu.memory_space<semaphore_mem>>
      %dma_start3A = arith.constant 0 : i32
      %dma_start3A_94 = tpu.memref_slice %arg9[%add3A_41, %dma_start3A] : memref<10000x160xf32, #tpu.memory_space<vmem_shared>> -> memref<80x160xf32, #tpu.memory_space<vmem_shared>>
      %dma_start3A_95 = arith.constant 0 : i32
      %dma_start3A_96 = tpu.memref_slice %arg9[%add3A_41, %dma_start3A_95] : memref<10000x160xf32, #tpu.memory_space<vmem_shared>> -> memref<80x160xf32, #tpu.memory_space<vmem_shared>>
      tpu.enqueue_dma source(%arg17 : memref<80x160xf32, #tpu.memory_space<vmem>>) target(%dma_start3A_96 : memref<80x160xf32, #tpu.memory_space<vmem_shared>>) target_semaphore(%run_scoped3A : memref<!tpu.dma_semaphore, #tpu.memory_space<semaphore_mem>>)
      %dma_wait3A = arith.constant 0 : i32
      %dma_wait3A_97 = tpu.memref_slice %arg9[%add3A_41, %dma_wait3A] : memref<10000x160xf32, #tpu.memory_space<vmem_shared>> -> memref<80x160xf32, #tpu.memory_space<vmem_shared>>
      %dma_wait3A_98 = arith.constant 0 : i32
      %dma_wait3A_99 = tpu.memref_slice %arg9[%add3A_41, %dma_wait3A_98] : memref<10000x160xf32, #tpu.memory_space<vmem_shared>> -> memref<80x160xf32, #tpu.memory_space<vmem_shared>>
      tpu.wait_dma2 semaphore(%run_scoped3A : memref<!tpu.dma_semaphore, #tpu.memory_space<semaphore_mem>>) src(%arg17 : memref<80x160xf32, #tpu.memory_space<vmem>>) dst(%dma_wait3A_99 : memref<80x160xf32, #tpu.memory_space<vmem_shared>>)
      tpu.yield
    }) : () -> ()
    %mul3A_42 = arith.constant 625 : i32
    %mul3A_43 = arith.muli %arg1, %mul3A_42 : i32
    %add3A_44 = arith.constant 240 : i32
    %add3A_45 = arith.addi %mul3A_43, %add3A_44 : i32
    "tpu.region"() ({
      %run_scoped3A = tpu.sem_alloc : memref<!tpu.dma_semaphore, #tpu.memory_space<semaphore_mem>>
      %dma_start3A = arith.constant 0 : i32
      %dma_start3A_94 = tpu.memref_slice %arg10[%add3A_45, %dma_start3A] : memref<10000x16xf32, #tpu.memory_space<vmem_shared>> -> memref<80x16xf32, #tpu.memory_space<vmem_shared>>
      %dma_start3A_95 = arith.constant 0 : i32
      %dma_start3A_96 = tpu.memref_slice %arg10[%add3A_45, %dma_start3A_95] : memref<10000x16xf32, #tpu.memory_space<vmem_shared>> -> memref<80x16xf32, #tpu.memory_space<vmem_shared>>
      tpu.enqueue_dma source(%arg16 : memref<80x16xf32, #tpu.memory_space<vmem>>) target(%dma_start3A_96 : memref<80x16xf32, #tpu.memory_space<vmem_shared>>) target_semaphore(%run_scoped3A : memref<!tpu.dma_semaphore, #tpu.memory_space<semaphore_mem>>)
      %dma_wait3A = arith.constant 0 : i32
      %dma_wait3A_97 = tpu.memref_slice %arg10[%add3A_45, %dma_wait3A] : memref<10000x16xf32, #tpu.memory_space<vmem_shared>> -> memref<80x16xf32, #tpu.memory_space<vmem_shared>>
      %dma_wait3A_98 = arith.constant 0 : i32
      %dma_wait3A_99 = tpu.memref_slice %arg10[%add3A_45, %dma_wait3A_98] : memref<10000x16xf32, #tpu.memory_space<vmem_shared>> -> memref<80x16xf32, #tpu.memory_space<vmem_shared>>
      tpu.wait_dma2 semaphore(%run_scoped3A : memref<!tpu.dma_semaphore, #tpu.memory_space<semaphore_mem>>) src(%arg16 : memref<80x16xf32, #tpu.memory_space<vmem>>) dst(%dma_wait3A_99 : memref<80x16xf32, #tpu.memory_space<vmem_shared>>)
      tpu.yield
    }) : () -> ()
    %mul3A_46 = arith.constant 625 : i32
    %mul3A_47 = arith.muli %arg1, %mul3A_46 : i32
    %add3A_48 = arith.constant 320 : i32
    %add3A_49 = arith.addi %mul3A_47, %add3A_48 : i32
    "tpu.region"() ({
      %run_scoped3A = tpu.sem_alloc : memref<!tpu.dma_semaphore, #tpu.memory_space<semaphore_mem>>
      %dma_start3A = arith.constant 0 : i32
      %dma_start3A_94 = tpu.memref_slice %arg9[%add3A_49, %dma_start3A] : memref<10000x160xf32, #tpu.memory_space<vmem_shared>> -> memref<80x160xf32, #tpu.memory_space<vmem_shared>>
      %dma_start3A_95 = arith.constant 0 : i32
      %dma_start3A_96 = tpu.memref_slice %arg9[%add3A_49, %dma_start3A_95] : memref<10000x160xf32, #tpu.memory_space<vmem_shared>> -> memref<80x160xf32, #tpu.memory_space<vmem_shared>>
      tpu.enqueue_dma source(%arg17 : memref<80x160xf32, #tpu.memory_space<vmem>>) target(%dma_start3A_96 : memref<80x160xf32, #tpu.memory_space<vmem_shared>>) target_semaphore(%run_scoped3A : memref<!tpu.dma_semaphore, #tpu.memory_space<semaphore_mem>>)
      %dma_wait3A = arith.constant 0 : i32
      %dma_wait3A_97 = tpu.memref_slice %arg9[%add3A_49, %dma_wait3A] : memref<10000x160xf32, #tpu.memory_space<vmem_shared>> -> memref<80x160xf32, #tpu.memory_space<vmem_shared>>
      %dma_wait3A_98 = arith.constant 0 : i32
      %dma_wait3A_99 = tpu.memref_slice %arg9[%add3A_49, %dma_wait3A_98] : memref<10000x160xf32, #tpu.memory_space<vmem_shared>> -> memref<80x160xf32, #tpu.memory_space<vmem_shared>>
      tpu.wait_dma2 semaphore(%run_scoped3A : memref<!tpu.dma_semaphore, #tpu.memory_space<semaphore_mem>>) src(%arg17 : memref<80x160xf32, #tpu.memory_space<vmem>>) dst(%dma_wait3A_99 : memref<80x160xf32, #tpu.memory_space<vmem_shared>>)
      tpu.yield
    }) : () -> ()
    %mul3A_50 = arith.constant 625 : i32
    %mul3A_51 = arith.muli %arg1, %mul3A_50 : i32
    %add3A_52 = arith.constant 320 : i32
    %add3A_53 = arith.addi %mul3A_51, %add3A_52 : i32
    "tpu.region"() ({
      %run_scoped3A = tpu.sem_alloc : memref<!tpu.dma_semaphore, #tpu.memory_space<semaphore_mem>>
      %dma_start3A = arith.constant 0 : i32
      %dma_start3A_94 = tpu.memref_slice %arg10[%add3A_53, %dma_start3A] : memref<10000x16xf32, #tpu.memory_space<vmem_shared>> -> memref<80x16xf32, #tpu.memory_space<vmem_shared>>
      %dma_start3A_95 = arith.constant 0 : i32
      %dma_start3A_96 = tpu.memref_slice %arg10[%add3A_53, %dma_start3A_95] : memref<10000x16xf32, #tpu.memory_space<vmem_shared>> -> memref<80x16xf32, #tpu.memory_space<vmem_shared>>
      tpu.enqueue_dma source(%arg16 : memref<80x16xf32, #tpu.memory_space<vmem>>) target(%dma_start3A_96 : memref<80x16xf32, #tpu.memory_space<vmem_shared>>) target_semaphore(%run_scoped3A : memref<!tpu.dma_semaphore, #tpu.memory_space<semaphore_mem>>)
      %dma_wait3A = arith.constant 0 : i32
      %dma_wait3A_97 = tpu.memref_slice %arg10[%add3A_53, %dma_wait3A] : memref<10000x16xf32, #tpu.memory_space<vmem_shared>> -> memref<80x16xf32, #tpu.memory_space<vmem_shared>>
      %dma_wait3A_98 = arith.constant 0 : i32
      %dma_wait3A_99 = tpu.memref_slice %arg10[%add3A_53, %dma_wait3A_98] : memref<10000x16xf32, #tpu.memory_space<vmem_shared>> -> memref<80x16xf32, #tpu.memory_space<vmem_shared>>
      tpu.wait_dma2 semaphore(%run_scoped3A : memref<!tpu.dma_semaphore, #tpu.memory_space<semaphore_mem>>) src(%arg16 : memref<80x16xf32, #tpu.memory_space<vmem>>) dst(%dma_wait3A_99 : memref<80x16xf32, #tpu.memory_space<vmem_shared>>)
      tpu.yield
    }) : () -> ()
    %mul3A_54 = arith.constant 625 : i32
    %mul3A_55 = arith.muli %arg1, %mul3A_54 : i32
    %add3A_56 = arith.constant 400 : i32
    %add3A_57 = arith.addi %mul3A_55, %add3A_56 : i32
    "tpu.region"() ({
      %run_scoped3A = tpu.sem_alloc : memref<!tpu.dma_semaphore, #tpu.memory_space<semaphore_mem>>
      %dma_start3A = arith.constant 0 : i32
      %dma_start3A_94 = tpu.memref_slice %arg9[%add3A_57, %dma_start3A] : memref<10000x160xf32, #tpu.memory_space<vmem_shared>> -> memref<80x160xf32, #tpu.memory_space<vmem_shared>>
      %dma_start3A_95 = arith.constant 0 : i32
      %dma_start3A_96 = tpu.memref_slice %arg9[%add3A_57, %dma_start3A_95] : memref<10000x160xf32, #tpu.memory_space<vmem_shared>> -> memref<80x160xf32, #tpu.memory_space<vmem_shared>>
      tpu.enqueue_dma source(%arg17 : memref<80x160xf32, #tpu.memory_space<vmem>>) target(%dma_start3A_96 : memref<80x160xf32, #tpu.memory_space<vmem_shared>>) target_semaphore(%run_scoped3A : memref<!tpu.dma_semaphore, #tpu.memory_space<semaphore_mem>>)
      %dma_wait3A = arith.constant 0 : i32
      %dma_wait3A_97 = tpu.memref_slice %arg9[%add3A_57, %dma_wait3A] : memref<10000x160xf32, #tpu.memory_space<vmem_shared>> -> memref<80x160xf32, #tpu.memory_space<vmem_shared>>
      %dma_wait3A_98 = arith.constant 0 : i32
      %dma_wait3A_99 = tpu.memref_slice %arg9[%add3A_57, %dma_wait3A_98] : memref<10000x160xf32, #tpu.memory_space<vmem_shared>> -> memref<80x160xf32, #tpu.memory_space<vmem_shared>>
      tpu.wait_dma2 semaphore(%run_scoped3A : memref<!tpu.dma_semaphore, #tpu.memory_space<semaphore_mem>>) src(%arg17 : memref<80x160xf32, #tpu.memory_space<vmem>>) dst(%dma_wait3A_99 : memref<80x160xf32, #tpu.memory_space<vmem_shared>>)
      tpu.yield
    }) : () -> ()
    %mul3A_58 = arith.constant 625 : i32
    %mul3A_59 = arith.muli %arg1, %mul3A_58 : i32
    %add3A_60 = arith.constant 400 : i32
    %add3A_61 = arith.addi %mul3A_59, %add3A_60 : i32
    "tpu.region"() ({
      %run_scoped3A = tpu.sem_alloc : memref<!tpu.dma_semaphore, #tpu.memory_space<semaphore_mem>>
      %dma_start3A = arith.constant 0 : i32
      %dma_start3A_94 = tpu.memref_slice %arg10[%add3A_61, %dma_start3A] : memref<10000x16xf32, #tpu.memory_space<vmem_shared>> -> memref<80x16xf32, #tpu.memory_space<vmem_shared>>
      %dma_start3A_95 = arith.constant 0 : i32
      %dma_start3A_96 = tpu.memref_slice %arg10[%add3A_61, %dma_start3A_95] : memref<10000x16xf32, #tpu.memory_space<vmem_shared>> -> memref<80x16xf32, #tpu.memory_space<vmem_shared>>
      tpu.enqueue_dma source(%arg16 : memref<80x16xf32, #tpu.memory_space<vmem>>) target(%dma_start3A_96 : memref<80x16xf32, #tpu.memory_space<vmem_shared>>) target_semaphore(%run_scoped3A : memref<!tpu.dma_semaphore, #tpu.memory_space<semaphore_mem>>)
      %dma_wait3A = arith.constant 0 : i32
      %dma_wait3A_97 = tpu.memref_slice %arg10[%add3A_61, %dma_wait3A] : memref<10000x16xf32, #tpu.memory_space<vmem_shared>> -> memref<80x16xf32, #tpu.memory_space<vmem_shared>>
      %dma_wait3A_98 = arith.constant 0 : i32
      %dma_wait3A_99 = tpu.memref_slice %arg10[%add3A_61, %dma_wait3A_98] : memref<10000x16xf32, #tpu.memory_space<vmem_shared>> -> memref<80x16xf32, #tpu.memory_space<vmem_shared>>
      tpu.wait_dma2 semaphore(%run_scoped3A : memref<!tpu.dma_semaphore, #tpu.memory_space<semaphore_mem>>) src(%arg16 : memref<80x16xf32, #tpu.memory_space<vmem>>) dst(%dma_wait3A_99 : memref<80x16xf32, #tpu.memory_space<vmem_shared>>)
      tpu.yield
    }) : () -> ()
    %mul3A_62 = arith.constant 625 : i32
    %mul3A_63 = arith.muli %arg1, %mul3A_62 : i32
    %add3A_64 = arith.constant 480 : i32
    %add3A_65 = arith.addi %mul3A_63, %add3A_64 : i32
    "tpu.region"() ({
      %run_scoped3A = tpu.sem_alloc : memref<!tpu.dma_semaphore, #tpu.memory_space<semaphore_mem>>
      %dma_start3A = arith.constant 0 : i32
      %dma_start3A_94 = tpu.memref_slice %arg9[%add3A_65, %dma_start3A] : memref<10000x160xf32, #tpu.memory_space<vmem_shared>> -> memref<80x160xf32, #tpu.memory_space<vmem_shared>>
      %dma_start3A_95 = arith.constant 0 : i32
      %dma_start3A_96 = tpu.memref_slice %arg9[%add3A_65, %dma_start3A_95] : memref<10000x160xf32, #tpu.memory_space<vmem_shared>> -> memref<80x160xf32, #tpu.memory_space<vmem_shared>>
      tpu.enqueue_dma source(%arg17 : memref<80x160xf32, #tpu.memory_space<vmem>>) target(%dma_start3A_96 : memref<80x160xf32, #tpu.memory_space<vmem_shared>>) target_semaphore(%run_scoped3A : memref<!tpu.dma_semaphore, #tpu.memory_space<semaphore_mem>>)
      %dma_wait3A = arith.constant 0 : i32
      %dma_wait3A_97 = tpu.memref_slice %arg9[%add3A_65, %dma_wait3A] : memref<10000x160xf32, #tpu.memory_space<vmem_shared>> -> memref<80x160xf32, #tpu.memory_space<vmem_shared>>
      %dma_wait3A_98 = arith.constant 0 : i32
      %dma_wait3A_99 = tpu.memref_slice %arg9[%add3A_65, %dma_wait3A_98] : memref<10000x160xf32, #tpu.memory_space<vmem_shared>> -> memref<80x160xf32, #tpu.memory_space<vmem_shared>>
      tpu.wait_dma2 semaphore(%run_scoped3A : memref<!tpu.dma_semaphore, #tpu.memory_space<semaphore_mem>>) src(%arg17 : memref<80x160xf32, #tpu.memory_space<vmem>>) dst(%dma_wait3A_99 : memref<80x160xf32, #tpu.memory_space<vmem_shared>>)
      tpu.yield
    }) : () -> ()
    %mul3A_66 = arith.constant 625 : i32
    %mul3A_67 = arith.muli %arg1, %mul3A_66 : i32
    %add3A_68 = arith.constant 480 : i32
    %add3A_69 = arith.addi %mul3A_67, %add3A_68 : i32
    "tpu.region"() ({
      %run_scoped3A = tpu.sem_alloc : memref<!tpu.dma_semaphore, #tpu.memory_space<semaphore_mem>>
      %dma_start3A = arith.constant 0 : i32
      %dma_start3A_94 = tpu.memref_slice %arg10[%add3A_69, %dma_start3A] : memref<10000x16xf32, #tpu.memory_space<vmem_shared>> -> memref<80x16xf32, #tpu.memory_space<vmem_shared>>
      %dma_start3A_95 = arith.constant 0 : i32
      %dma_start3A_96 = tpu.memref_slice %arg10[%add3A_69, %dma_start3A_95] : memref<10000x16xf32, #tpu.memory_space<vmem_shared>> -> memref<80x16xf32, #tpu.memory_space<vmem_shared>>
      tpu.enqueue_dma source(%arg16 : memref<80x16xf32, #tpu.memory_space<vmem>>) target(%dma_start3A_96 : memref<80x16xf32, #tpu.memory_space<vmem_shared>>) target_semaphore(%run_scoped3A : memref<!tpu.dma_semaphore, #tpu.memory_space<semaphore_mem>>)
      %dma_wait3A = arith.constant 0 : i32
      %dma_wait3A_97 = tpu.memref_slice %arg10[%add3A_69, %dma_wait3A] : memref<10000x16xf32, #tpu.memory_space<vmem_shared>> -> memref<80x16xf32, #tpu.memory_space<vmem_shared>>
      %dma_wait3A_98 = arith.constant 0 : i32
      %dma_wait3A_99 = tpu.memref_slice %arg10[%add3A_69, %dma_wait3A_98] : memref<10000x16xf32, #tpu.memory_space<vmem_shared>> -> memref<80x16xf32, #tpu.memory_space<vmem_shared>>
      tpu.wait_dma2 semaphore(%run_scoped3A : memref<!tpu.dma_semaphore, #tpu.memory_space<semaphore_mem>>) src(%arg16 : memref<80x16xf32, #tpu.memory_space<vmem>>) dst(%dma_wait3A_99 : memref<80x16xf32, #tpu.memory_space<vmem_shared>>)
      tpu.yield
    }) : () -> ()
    %mul3A_70 = arith.constant 625 : i32
    %mul3A_71 = arith.muli %arg1, %mul3A_70 : i32
    %add3A_72 = arith.constant 560 : i32
    %add3A_73 = arith.addi %mul3A_71, %add3A_72 : i32
    "tpu.region"() ({
      %run_scoped3A = tpu.sem_alloc : memref<!tpu.dma_semaphore, #tpu.memory_space<semaphore_mem>>
      %dma_start3A = arith.constant 0 : i32
      %dma_start3A_94 = arith.constant 0 : i32
      %dma_start3A_95 = tpu.memref_slice %arg17[%dma_start3A, %dma_start3A_94] : memref<80x160xf32, #tpu.memory_space<vmem>> -> memref<65x160xf32, #tpu.memory_space<vmem>>
      %dma_start3A_96 = arith.constant 0 : i32
      %dma_start3A_97 = tpu.memref_slice %arg9[%add3A_73, %dma_start3A_96] : memref<10000x160xf32, #tpu.memory_space<vmem_shared>> -> memref<65x160xf32, #tpu.memory_space<vmem_shared>>
      %dma_start3A_98 = arith.constant 0 : i32
      %dma_start3A_99 = tpu.memref_slice %arg9[%add3A_73, %dma_start3A_98] : memref<10000x160xf32, #tpu.memory_space<vmem_shared>> -> memref<65x160xf32, #tpu.memory_space<vmem_shared>>
      %dma_start3A_100 = arith.constant 0 : i32
      %dma_start3A_101 = arith.constant 0 : i32
      %dma_start3A_102 = tpu.memref_slice %arg17[%dma_start3A_100, %dma_start3A_101] : memref<80x160xf32, #tpu.memory_space<vmem>> -> memref<65x160xf32, #tpu.memory_space<vmem>>
      tpu.enqueue_dma source(%dma_start3A_102 : memref<65x160xf32, #tpu.memory_space<vmem>>) target(%dma_start3A_99 : memref<65x160xf32, #tpu.memory_space<vmem_shared>>) target_semaphore(%run_scoped3A : memref<!tpu.dma_semaphore, #tpu.memory_space<semaphore_mem>>)
      %dma_wait3A = arith.constant 0 : i32
      %dma_wait3A_103 = arith.constant 0 : i32
      %dma_wait3A_104 = tpu.memref_slice %arg17[%dma_wait3A, %dma_wait3A_103] : memref<80x160xf32, #tpu.memory_space<vmem>> -> memref<65x160xf32, #tpu.memory_space<vmem>>
      %dma_wait3A_105 = arith.constant 0 : i32
      %dma_wait3A_106 = tpu.memref_slice %arg9[%add3A_73, %dma_wait3A_105] : memref<10000x160xf32, #tpu.memory_space<vmem_shared>> -> memref<65x160xf32, #tpu.memory_space<vmem_shared>>
      %dma_wait3A_107 = arith.constant 0 : i32
      %dma_wait3A_108 = tpu.memref_slice %arg9[%add3A_73, %dma_wait3A_107] : memref<10000x160xf32, #tpu.memory_space<vmem_shared>> -> memref<65x160xf32, #tpu.memory_space<vmem_shared>>
      %dma_wait3A_109 = arith.constant 0 : i32
      %dma_wait3A_110 = arith.constant 0 : i32
      %dma_wait3A_111 = tpu.memref_slice %arg17[%dma_wait3A_109, %dma_wait3A_110] : memref<80x160xf32, #tpu.memory_space<vmem>> -> memref<65x160xf32, #tpu.memory_space<vmem>>
      tpu.wait_dma2 semaphore(%run_scoped3A : memref<!tpu.dma_semaphore, #tpu.memory_space<semaphore_mem>>) src(%dma_wait3A_111 : memref<65x160xf32, #tpu.memory_space<vmem>>) dst(%dma_wait3A_108 : memref<65x160xf32, #tpu.memory_space<vmem_shared>>)
      tpu.yield
    }) : () -> ()
    "tpu.region"() ({
      %run_scoped3A = tpu.sem_alloc : memref<!tpu.dma_semaphore, #tpu.memory_space<semaphore_mem>>
      %dma_start3A = arith.constant 0 : i32
      %dma_start3A_94 = arith.constant 0 : i32
      %dma_start3A_95 = tpu.memref_slice %arg16[%dma_start3A, %dma_start3A_94] : memref<80x16xf32, #tpu.memory_space<vmem>> -> memref<65x16xf32, #tpu.memory_space<vmem>>
      %dma_start3A_96 = arith.constant 0 : i32
      %dma_start3A_97 = tpu.memref_slice %arg10[%add3A_73, %dma_start3A_96] : memref<10000x16xf32, #tpu.memory_space<vmem_shared>> -> memref<65x16xf32, #tpu.memory_space<vmem_shared>>
      %dma_start3A_98 = arith.constant 0 : i32
      %dma_start3A_99 = tpu.memref_slice %arg10[%add3A_73, %dma_start3A_98] : memref<10000x16xf32, #tpu.memory_space<vmem_shared>> -> memref<65x16xf32, #tpu.memory_space<vmem_shared>>
      %dma_start3A_100 = arith.constant 0 : i32
      %dma_start3A_101 = arith.constant 0 : i32
      %dma_start3A_102 = tpu.memref_slice %arg16[%dma_start3A_100, %dma_start3A_101] : memref<80x16xf32, #tpu.memory_space<vmem>> -> memref<65x16xf32, #tpu.memory_space<vmem>>
      tpu.enqueue_dma source(%dma_start3A_102 : memref<65x16xf32, #tpu.memory_space<vmem>>) target(%dma_start3A_99 : memref<65x16xf32, #tpu.memory_space<vmem_shared>>) target_semaphore(%run_scoped3A : memref<!tpu.dma_semaphore, #tpu.memory_space<semaphore_mem>>)
      %dma_wait3A = arith.constant 0 : i32
      %dma_wait3A_103 = arith.constant 0 : i32
      %dma_wait3A_104 = tpu.memref_slice %arg16[%dma_wait3A, %dma_wait3A_103] : memref<80x16xf32, #tpu.memory_space<vmem>> -> memref<65x16xf32, #tpu.memory_space<vmem>>
      %dma_wait3A_105 = arith.constant 0 : i32
      %dma_wait3A_106 = tpu.memref_slice %arg10[%add3A_73, %dma_wait3A_105] : memref<10000x16xf32, #tpu.memory_space<vmem_shared>> -> memref<65x16xf32, #tpu.memory_space<vmem_shared>>
      %dma_wait3A_107 = arith.constant 0 : i32
      %dma_wait3A_108 = tpu.memref_slice %arg10[%add3A_73, %dma_wait3A_107] : memref<10000x16xf32, #tpu.memory_space<vmem_shared>> -> memref<65x16xf32, #tpu.memory_space<vmem_shared>>
      %dma_wait3A_109 = arith.constant 0 : i32
      %dma_wait3A_110 = arith.constant 0 : i32
      %dma_wait3A_111 = tpu.memref_slice %arg16[%dma_wait3A_109, %dma_wait3A_110] : memref<80x16xf32, #tpu.memory_space<vmem>> -> memref<65x16xf32, #tpu.memory_space<vmem>>
      tpu.wait_dma2 semaphore(%run_scoped3A : memref<!tpu.dma_semaphore, #tpu.memory_space<semaphore_mem>>) src(%dma_wait3A_111 : memref<65x16xf32, #tpu.memory_space<vmem>>) dst(%dma_wait3A_108 : memref<65x16xf32, #tpu.memory_space<vmem_shared>>)
      tpu.yield
    }) : () -> ()
    %barrier3A = arith.constant 0 : index
    tpu.barrier barrier_id(%barrier3A)
    %eq3A = arith.constant 0 : i32
    %eq3A_74 = arith.cmpi eq, %arg0, %eq3A : i32
    %convert_element_type3A = arith.extui %eq3A_74 : i1 to i32
    %cond3A = arith.constant 0 : i32
    %cond3A_75 = arith.cmpi ne, %convert_element_type3A, %cond3A : i32
    scf.if %cond3A_75 {
      %scan3A_94 = arith.constant 0 : i32
      %scan3A_95 = arith.constant 0 : i32
      %scan3A_96 = arith.constant 250 : i32
      %scan3A_97 = arith.addi %scan3A_95, %scan3A_96 : i32
      %scan3A_98 = arith.constant 1 : i32
      %scan3A_99 = scf.for %scan3A_101 = %scan3A_95 to %scan3A_97 step %scan3A_98 iter_args(%scan3A_102 = %scan3A_94) -> (i32)  : i32 {
        %mul3A_103 = arith.constant 20000 : i32
        %mul3A_104 = arith.muli %arg1, %mul3A_103 : i32
        %mul3A_105 = arith.constant 80 : i32
        %mul3A_106 = arith.muli %scan3A_101, %mul3A_105 : i32
        %add3A_107 = arith.addi %mul3A_104, %mul3A_106 : i32
        "tpu.region"() ({
          %run_scoped3A = tpu.sem_alloc : memref<!tpu.dma_semaphore, #tpu.memory_space<semaphore_mem>>
          %dma_start3A_139 = tpu.memref_slice %arg2[%add3A_107] : memref<320000xi32, #tpu.memory_space<hbm>> -> memref<80xi32, #tpu.memory_space<hbm>>
          %dma_start3A_140 = tpu.memref_slice %arg2[%add3A_107] : memref<320000xi32, #tpu.memory_space<hbm>> -> memref<80xi32, #tpu.memory_space<hbm>>
          tpu.enqueue_dma source(%dma_start3A_140 : memref<80xi32, #tpu.memory_space<hbm>>) target(%arg11 : memref<80xi32, #tpu.memory_space<vmem>>) target_semaphore(%run_scoped3A : memref<!tpu.dma_semaphore, #tpu.memory_space<semaphore_mem>>)
          %dma_wait3A_141 = tpu.memref_slice %arg2[%add3A_107] : memref<320000xi32, #tpu.memory_space<hbm>> -> memref<80xi32, #tpu.memory_space<hbm>>
          %dma_wait3A_142 = tpu.memref_slice %arg2[%add3A_107] : memref<320000xi32, #tpu.memory_space<hbm>> -> memref<80xi32, #tpu.memory_space<hbm>>
          tpu.wait_dma2 semaphore(%run_scoped3A : memref<!tpu.dma_semaphore, #tpu.memory_space<semaphore_mem>>) src(%dma_wait3A_142 : memref<80xi32, #tpu.memory_space<hbm>>) dst(%arg11 : memref<80xi32, #tpu.memory_space<vmem>>)
          tpu.yield
        }) : () -> ()
        "tpu.region"() ({
          %run_scoped3A = tpu.sem_alloc : memref<!tpu.dma_semaphore, #tpu.memory_space<semaphore_mem>>
          %dma_start3A_139 = tpu.memref_slice %arg3[%add3A_107] : memref<320000xi32, #tpu.memory_space<hbm>> -> memref<80xi32, #tpu.memory_space<hbm>>
          %dma_start3A_140 = tpu.memref_slice %arg3[%add3A_107] : memref<320000xi32, #tpu.memory_space<hbm>> -> memref<80xi32, #tpu.memory_space<hbm>>
          tpu.enqueue_dma source(%dma_start3A_140 : memref<80xi32, #tpu.memory_space<hbm>>) target(%arg12 : memref<80xi32, #tpu.memory_space<vmem>>) target_semaphore(%run_scoped3A : memref<!tpu.dma_semaphore, #tpu.memory_space<semaphore_mem>>)
          %dma_wait3A_141 = tpu.memref_slice %arg3[%add3A_107] : memref<320000xi32, #tpu.memory_space<hbm>> -> memref<80xi32, #tpu.memory_space<hbm>>
          %dma_wait3A_142 = tpu.memref_slice %arg3[%add3A_107] : memref<320000xi32, #tpu.memory_space<hbm>> -> memref<80xi32, #tpu.memory_space<hbm>>
          tpu.wait_dma2 semaphore(%run_scoped3A : memref<!tpu.dma_semaphore, #tpu.memory_space<semaphore_mem>>) src(%dma_wait3A_142 : memref<80xi32, #tpu.memory_space<hbm>>) dst(%arg12 : memref<80xi32, #tpu.memory_space<vmem>>)
          tpu.yield
        }) : () -> ()
        %dma_start3A = arith.constant 0 : i32
        %dma_start3A_108 = arith.constant 0 : i32
        %dma_start3A_109 = tpu.memref_slice %arg5[%dma_start3A, %dma_start3A_108] : memref<10000x16xf32, #tpu.memory_space<hbm>> -> memref<10000x16xf32, #tpu.memory_space<hbm>>
        tpu.enqueue_indirect_dma source(%dma_start3A_109 : memref<10000x16xf32, #tpu.memory_space<hbm>>) target(%arg14 : memref<80x16xf32, #tpu.memory_space<vmem>>) offsets(%arg11 : memref<80xi32, #tpu.memory_space<vmem>>) semaphore(%arg18 : memref<!tpu.dma_semaphore, #tpu.memory_space<semaphore_mem>>)
        %dma_start3A_110 = arith.constant 0 : i32
        %dma_start3A_111 = arith.constant 0 : i32
        %dma_start3A_112 = tpu.memref_slice %arg6[%dma_start3A_110, %dma_start3A_111] : memref<10000x16xf32, #tpu.memory_space<hbm>> -> memref<10000x16xf32, #tpu.memory_space<hbm>>
        tpu.enqueue_indirect_dma source(%dma_start3A_112 : memref<10000x16xf32, #tpu.memory_space<hbm>>) target(%arg15 : memref<80x16xf32, #tpu.memory_space<vmem>>) offsets(%arg12 : memref<80xi32, #tpu.memory_space<vmem>>) semaphore(%arg19 : memref<!tpu.dma_semaphore, #tpu.memory_space<semaphore_mem>>)
        %dma_start3A_113 = arith.constant 0 : i32
        %dma_start3A_114 = arith.constant 0 : i32
        %dma_start3A_115 = tpu.memref_slice %arg4[%dma_start3A_113, %dma_start3A_114] : memref<20000x160xf32, #tpu.memory_space<hbm>> -> memref<20000x160xf32, #tpu.memory_space<hbm>>
        tpu.enqueue_indirect_dma source(%dma_start3A_115 : memref<20000x160xf32, #tpu.memory_space<hbm>>) target(%arg17 : memref<80x160xf32, #tpu.memory_space<vmem>>) offsets(%arg11 : memref<80xi32, #tpu.memory_space<vmem>>) semaphore(%arg20 : memref<!tpu.dma_semaphore, #tpu.memory_space<semaphore_mem>>)
        %dma_wait3A = arith.constant 0 : i32
        %dma_wait3A_116 = arith.constant 0 : i32
        %dma_wait3A_117 = tpu.memref_slice %arg5[%dma_wait3A, %dma_wait3A_116] : memref<10000x16xf32, #tpu.memory_space<hbm>> -> memref<10000x16xf32, #tpu.memory_space<hbm>>
        tpu.wait_indirect_dma semaphore(%arg18 : memref<!tpu.dma_semaphore, #tpu.memory_space<semaphore_mem>>) src(%dma_wait3A_117 : memref<10000x16xf32, #tpu.memory_space<hbm>>) dst(%arg14 : memref<80x16xf32, #tpu.memory_space<vmem>>)
        %dma_wait3A_118 = arith.constant 0 : i32
        %dma_wait3A_119 = arith.constant 0 : i32
        %dma_wait3A_120 = tpu.memref_slice %arg6[%dma_wait3A_118, %dma_wait3A_119] : memref<10000x16xf32, #tpu.memory_space<hbm>> -> memref<10000x16xf32, #tpu.memory_space<hbm>>
        tpu.wait_indirect_dma semaphore(%arg19 : memref<!tpu.dma_semaphore, #tpu.memory_space<semaphore_mem>>) src(%dma_wait3A_120 : memref<10000x16xf32, #tpu.memory_space<hbm>>) dst(%arg15 : memref<80x16xf32, #tpu.memory_space<vmem>>)
        %scan3A_121 = arith.constant 0 : i32
        %scan3A_122 = arith.constant 0 : i32
        %scan3A_123 = arith.constant 80 : i32
        %scan3A_124 = arith.addi %scan3A_122, %scan3A_123 : i32
        %scan3A_125 = arith.constant 1 : i32
        %scan3A_126 = scf.for %scan3A_139 = %scan3A_122 to %scan3A_124 step %scan3A_125 iter_args(%scan3A_140 = %scan3A_121) -> (i32)  : i32 {
          %get3A = arith.index_cast %scan3A_139 : i32 to index
          %get3A_141 = arith.constant 0 : index
          %get3A_142 = tpu.vector_load %arg14[%get3A, %get3A_141] {strides = array<i32>} : memref<80x16xf32, #tpu.memory_space<vmem>>, vector<1x16xf32>,
          %get3A_143 = vector.shape_cast %get3A_142 : vector<1x16xf32> to vector<16xf32>
          %get3A_144 = arith.index_cast %scan3A_139 : i32 to index
          %get3A_145 = arith.constant 0 : index
          %get3A_146 = tpu.vector_load %arg15[%get3A_144, %get3A_145] {strides = array<i32>} : memref<80x16xf32, #tpu.memory_space<vmem>>, vector<1x16xf32>,
          %get3A_147 = vector.shape_cast %get3A_146 : vector<1x16xf32> to vector<16xf32>
          %add3A_148 = arith.addf %get3A_143, %get3A_147 : vector<16xf32>
          %ge3A = arith.constant 0.000000e+00 : f32
          %ge3A_149 = vector.broadcast %ge3A : f32 to vector<16xf32>
          %ge3A_150 = arith.cmpf oge, %add3A_148, %ge3A_149 : vector<16xf32>
          %mul3A_151 = arith.constant 2.000000e-01 : f32
          %mul3A_152 = vector.broadcast %mul3A_151 : f32 to vector<16xf32>
          %mul3A_153 = arith.mulf %mul3A_152, %add3A_148 : vector<16xf32>
          %select_n3A = arith.select %ge3A_150, %add3A_148, %mul3A_153 : vector<16xi1>, vector<16xf32>
          %exp3A = math.exp %select_n3A : vector<16xf32>
          %swap3A = arith.index_cast %scan3A_139 : i32 to index
          %swap3A_154 = arith.constant 0 : index
          %swap3A_155 = tpu.vector_load %arg16[%swap3A, %swap3A_154] {strides = array<i32>} : memref<80x16xf32, #tpu.memory_space<vmem>>, vector<1x16xf32>,
          %swap3A_156 = vector.shape_cast %swap3A_155 : vector<1x16xf32> to vector<16xf32>
          %swap3A_157 = vector.shape_cast %exp3A : vector<16xf32> to vector<1x16xf32>
          tpu.vector_store %arg16[%swap3A, %swap3A_154], %swap3A_157 {strides = array<i32>} : memref<80x16xf32, #tpu.memory_space<vmem>>, vector<1x16xf32>,
          %scan3A_158 = arith.constant 0 : i32
          scf.yield %scan3A_158 : i32
        }
        %scan3A_127 = arith.constant 80 : i32
        "tpu.region"() ({
          %run_scoped3A = tpu.sem_alloc : memref<!tpu.dma_semaphore, #tpu.memory_space<semaphore_mem>>
          %dma_start3A_139 = arith.constant 0 : i32
          %dma_start3A_140 = arith.constant 0 : i32
          %dma_start3A_141 = tpu.memref_slice %arg10[%dma_start3A_139, %dma_start3A_140] : memref<10000x16xf32, #tpu.memory_space<vmem_shared>> -> memref<10000x16xf32, #tpu.memory_space<vmem_shared>>
          tpu.enqueue_indirect_dma source(%arg16 : memref<80x16xf32, #tpu.memory_space<vmem>>) target(%dma_start3A_141 : memref<10000x16xf32, #tpu.memory_space<vmem_shared>>) offsets(%arg12 : memref<80xi32, #tpu.memory_space<vmem>>) semaphore(%run_scoped3A : memref<!tpu.dma_semaphore, #tpu.memory_space<semaphore_mem>>) {add = true}
          %dma_wait3A_142 = arith.constant 0 : i32
          %dma_wait3A_143 = arith.constant 0 : i32
          %dma_wait3A_144 = tpu.memref_slice %arg10[%dma_wait3A_142, %dma_wait3A_143] : memref<10000x16xf32, #tpu.memory_space<vmem_shared>> -> memref<10000x16xf32, #tpu.memory_space<vmem_shared>>
          tpu.wait_indirect_dma semaphore(%run_scoped3A : memref<!tpu.dma_semaphore, #tpu.memory_space<semaphore_mem>>) src(%arg16 : memref<80x16xf32, #tpu.memory_space<vmem>>) dst(%dma_wait3A_144 : memref<10000x16xf32, #tpu.memory_space<vmem_shared>>)
          tpu.yield
        }) : () -> ()
        %dma_wait3A_128 = arith.constant 0 : i32
        %dma_wait3A_129 = arith.constant 0 : i32
        %dma_wait3A_130 = tpu.memref_slice %arg4[%dma_wait3A_128, %dma_wait3A_129] : memref<20000x160xf32, #tpu.memory_space<hbm>> -> memref<20000x160xf32, #tpu.memory_space<hbm>>
        tpu.wait_indirect_dma semaphore(%arg20 : memref<!tpu.dma_semaphore, #tpu.memory_space<semaphore_mem>>) src(%dma_wait3A_130 : memref<20000x160xf32, #tpu.memory_space<hbm>>) dst(%arg17 : memref<80x160xf32, #tpu.memory_space<vmem>>)
        %scan3A_131 = arith.constant 0 : i32
        %scan3A_132 = arith.constant 0 : i32
        %scan3A_133 = arith.constant 80 : i32
        %scan3A_134 = arith.addi %scan3A_132, %scan3A_133 : i32
        %scan3A_135 = arith.constant 1 : i32
        %scan3A_136 = scf.for %scan3A_139 = %scan3A_132 to %scan3A_134 step %scan3A_135 iter_args(%scan3A_140 = %scan3A_131) -> (i32)  : i32 {
          %get3A = arith.index_cast %scan3A_139 : i32 to index
          %get3A_141 = arith.constant 0 : index
          %get3A_142 = tpu.vector_load %arg16[%get3A, %get3A_141] {strides = array<i32>} : memref<80x16xf32, #tpu.memory_space<vmem>>, vector<1x16xf32>,
          %get3A_143 = vector.shape_cast %get3A_142 : vector<1x16xf32> to vector<16xf32>
          %slice3A = vector.extract_strided_slice %get3A_143 {offsets = [0], sizes = [1], strides = [1]} : vector<16xf32> to vector<1xf32>
          %squeeze3A = vector.extract %slice3A[0] : f32 from vector<1xf32>
          %get3A_144 = arith.index_cast %scan3A_139 : i32 to index
          %get3A_145 = arith.constant 0 : index
          %get3A_146 = tpu.vector_load %arg17[%get3A_144, %get3A_145] {strides = array<i32>} : memref<80x160xf32, #tpu.memory_space<vmem>>, vector<1x16xf32>,
          %get3A_147 = vector.shape_cast %get3A_146 : vector<1x16xf32> to vector<16xf32>
          %mul3A_148 = vector.broadcast %squeeze3A : f32 to vector<16xf32>
          %mul3A_149 = arith.mulf %get3A_147, %mul3A_148 : vector<16xf32>
          %swap3A = arith.index_cast %scan3A_139 : i32 to index
          %swap3A_150 = arith.constant 0 : index
          %swap3A_151 = tpu.vector_load %arg17[%swap3A, %swap3A_150] {strides = array<i32>} : memref<80x160xf32, #tpu.memory_space<vmem>>, vector<1x16xf32>,
          %swap3A_152 = vector.shape_cast %swap3A_151 : vector<1x16xf32> to vector<16xf32>
          %swap3A_153 = vector.shape_cast %mul3A_149 : vector<16xf32> to vector<1x16xf32>
          tpu.vector_store %arg17[%swap3A, %swap3A_150], %swap3A_153 {strides = array<i32>} : memref<80x160xf32, #tpu.memory_space<vmem>>, vector<1x16xf32>,
          %slice3A_154 = vector.extract_strided_slice %get3A_143 {offsets = [0], sizes = [1], strides = [1]} : vector<16xf32> to vector<1xf32>
          %squeeze3A_155 = vector.extract %slice3A_154[0] : f32 from vector<1xf32>
          %get3A_156 = arith.index_cast %scan3A_139 : i32 to index
          %get3A_157 = arith.constant 16 : index
          %get3A_158 = tpu.vector_load %arg17[%get3A_156, %get3A_157] {strides = array<i32>} : memref<80x160xf32, #tpu.memory_space<vmem>>, vector<1x16xf32>,
          %get3A_159 = vector.shape_cast %get3A_158 : vector<1x16xf32> to vector<16xf32>
          %mul3A_160 = vector.broadcast %squeeze3A_155 : f32 to vector<16xf32>
          %mul3A_161 = arith.mulf %get3A_159, %mul3A_160 : vector<16xf32>
          %swap3A_162 = arith.index_cast %scan3A_139 : i32 to index
          %swap3A_163 = arith.constant 16 : index
          %swap3A_164 = tpu.vector_load %arg17[%swap3A_162, %swap3A_163] {strides = array<i32>} : memref<80x160xf32, #tpu.memory_space<vmem>>, vector<1x16xf32>,
          %swap3A_165 = vector.shape_cast %swap3A_164 : vector<1x16xf32> to vector<16xf32>
          %swap3A_166 = vector.shape_cast %mul3A_161 : vector<16xf32> to vector<1x16xf32>
          tpu.vector_store %arg17[%swap3A_162, %swap3A_163], %swap3A_166 {strides = array<i32>} : memref<80x160xf32, #tpu.memory_space<vmem>>, vector<1x16xf32>,
          %slice3A_167 = vector.extract_strided_slice %get3A_143 {offsets = [0], sizes = [1], strides = [1]} : vector<16xf32> to vector<1xf32>
          %squeeze3A_168 = vector.extract %slice3A_167[0] : f32 from vector<1xf32>
          %get3A_169 = arith.index_cast %scan3A_139 : i32 to index
          %get3A_170 = arith.constant 32 : index
          %get3A_171 = tpu.vector_load %arg17[%get3A_169, %get3A_170] {strides = array<i32>} : memref<80x160xf32, #tpu.memory_space<vmem>>, vector<1x16xf32>,
          %get3A_172 = vector.shape_cast %get3A_171 : vector<1x16xf32> to vector<16xf32>
          %mul3A_173 = vector.broadcast %squeeze3A_168 : f32 to vector<16xf32>
          %mul3A_174 = arith.mulf %get3A_172, %mul3A_173 : vector<16xf32>
          %swap3A_175 = arith.index_cast %scan3A_139 : i32 to index
          %swap3A_176 = arith.constant 32 : index
          %swap3A_177 = tpu.vector_load %arg17[%swap3A_175, %swap3A_176] {strides = array<i32>} : memref<80x160xf32, #tpu.memory_space<vmem>>, vector<1x16xf32>,
          %swap3A_178 = vector.shape_cast %swap3A_177 : vector<1x16xf32> to vector<16xf32>
          %swap3A_179 = vector.shape_cast %mul3A_174 : vector<16xf32> to vector<1x16xf32>
          tpu.vector_store %arg17[%swap3A_175, %swap3A_176], %swap3A_179 {strides = array<i32>} : memref<80x160xf32, #tpu.memory_space<vmem>>, vector<1x16xf32>,
          %slice3A_180 = vector.extract_strided_slice %get3A_143 {offsets = [0], sizes = [1], strides = [1]} : vector<16xf32> to vector<1xf32>
          %squeeze3A_181 = vector.extract %slice3A_180[0] : f32 from vector<1xf32>
          %get3A_182 = arith.index_cast %scan3A_139 : i32 to index
          %get3A_183 = arith.constant 48 : index
          %get3A_184 = tpu.vector_load %arg17[%get3A_182, %get3A_183] {strides = array<i32>} : memref<80x160xf32, #tpu.memory_space<vmem>>, vector<1x16xf32>,
          %get3A_185 = vector.shape_cast %get3A_184 : vector<1x16xf32> to vector<16xf32>
          %mul3A_186 = vector.broadcast %squeeze3A_181 : f32 to vector<16xf32>
          %mul3A_187 = arith.mulf %get3A_185, %mul3A_186 : vector<16xf32>
          %swap3A_188 = arith.index_cast %scan3A_139 : i32 to index
          %swap3A_189 = arith.constant 48 : index
          %swap3A_190 = tpu.vector_load %arg17[%swap3A_188, %swap3A_189] {strides = array<i32>} : memref<80x160xf32, #tpu.memory_space<vmem>>, vector<1x16xf32>,
          %swap3A_191 = vector.shape_cast %swap3A_190 : vector<1x16xf32> to vector<16xf32>
          %swap3A_192 = vector.shape_cast %mul3A_187 : vector<16xf32> to vector<1x16xf32>
          tpu.vector_store %arg17[%swap3A_188, %swap3A_189], %swap3A_192 {strides = array<i32>} : memref<80x160xf32, #tpu.memory_space<vmem>>, vector<1x16xf32>,
          %slice3A_193 = vector.extract_strided_slice %get3A_143 {offsets = [1], sizes = [1], strides = [1]} : vector<16xf32> to vector<1xf32>
          %squeeze3A_194 = vector.extract %slice3A_193[0] : f32 from vector<1xf32>
          %get3A_195 = arith.index_cast %scan3A_139 : i32 to index
          %get3A_196 = arith.constant 64 : index
          %get3A_197 = tpu.vector_load %arg17[%get3A_195, %get3A_196] {strides = array<i32>} : memref<80x160xf32, #tpu.memory_space<vmem>>, vector<1x16xf32>,
          %get3A_198 = vector.shape_cast %get3A_197 : vector<1x16xf32> to vector<16xf32>
          %mul3A_199 = vector.broadcast %squeeze3A_194 : f32 to vector<16xf32>
          %mul3A_200 = arith.mulf %get3A_198, %mul3A_199 : vector<16xf32>
          %swap3A_201 = arith.index_cast %scan3A_139 : i32 to index
          %swap3A_202 = arith.constant 64 : index
          %swap3A_203 = tpu.vector_load %arg17[%swap3A_201, %swap3A_202] {strides = array<i32>} : memref<80x160xf32, #tpu.memory_space<vmem>>, vector<1x16xf32>,
          %swap3A_204 = vector.shape_cast %swap3A_203 : vector<1x16xf32> to vector<16xf32>
          %swap3A_205 = vector.shape_cast %mul3A_200 : vector<16xf32> to vector<1x16xf32>
          tpu.vector_store %arg17[%swap3A_201, %swap3A_202], %swap3A_205 {strides = array<i32>} : memref<80x160xf32, #tpu.memory_space<vmem>>, vector<1x16xf32>,
          %slice3A_206 = vector.extract_strided_slice %get3A_143 {offsets = [1], sizes = [1], strides = [1]} : vector<16xf32> to vector<1xf32>
          %squeeze3A_207 = vector.extract %slice3A_206[0] : f32 from vector<1xf32>
          %get3A_208 = arith.index_cast %scan3A_139 : i32 to index
          %get3A_209 = arith.constant 80 : index
          %get3A_210 = tpu.vector_load %arg17[%get3A_208, %get3A_209] {strides = array<i32>} : memref<80x160xf32, #tpu.memory_space<vmem>>, vector<1x16xf32>,
          %get3A_211 = vector.shape_cast %get3A_210 : vector<1x16xf32> to vector<16xf32>
          %mul3A_212 = vector.broadcast %squeeze3A_207 : f32 to vector<16xf32>
          %mul3A_213 = arith.mulf %get3A_211, %mul3A_212 : vector<16xf32>
          %swap3A_214 = arith.index_cast %scan3A_139 : i32 to index
          %swap3A_215 = arith.constant 80 : index
          %swap3A_216 = tpu.vector_load %arg17[%swap3A_214, %swap3A_215] {strides = array<i32>} : memref<80x160xf32, #tpu.memory_space<vmem>>, vector<1x16xf32>,
          %swap3A_217 = vector.shape_cast %swap3A_216 : vector<1x16xf32> to vector<16xf32>
          %swap3A_218 = vector.shape_cast %mul3A_213 : vector<16xf32> to vector<1x16xf32>
          tpu.vector_store %arg17[%swap3A_214, %swap3A_215], %swap3A_218 {strides = array<i32>} : memref<80x160xf32, #tpu.memory_space<vmem>>, vector<1x16xf32>,
          %slice3A_219 = vector.extract_strided_slice %get3A_143 {offsets = [1], sizes = [1], strides = [1]} : vector<16xf32> to vector<1xf32>
          %squeeze3A_220 = vector.extract %slice3A_219[0] : f32 from vector<1xf32>
          %get3A_221 = arith.index_cast %scan3A_139 : i32 to index
          %get3A_222 = arith.constant 96 : index
          %get3A_223 = tpu.vector_load %arg17[%get3A_221, %get3A_222] {strides = array<i32>} : memref<80x160xf32, #tpu.memory_space<vmem>>, vector<1x16xf32>,
          %get3A_224 = vector.shape_cast %get3A_223 : vector<1x16xf32> to vector<16xf32>
          %mul3A_225 = vector.broadcast %squeeze3A_220 : f32 to vector<16xf32>
          %mul3A_226 = arith.mulf %get3A_224, %mul3A_225 : vector<16xf32>
          %swap3A_227 = arith.index_cast %scan3A_139 : i32 to index
          %swap3A_228 = arith.constant 96 : index
          %swap3A_229 = tpu.vector_load %arg17[%swap3A_227, %swap3A_228] {strides = array<i32>} : memref<80x160xf32, #tpu.memory_space<vmem>>, vector<1x16xf32>,
          %swap3A_230 = vector.shape_cast %swap3A_229 : vector<1x16xf32> to vector<16xf32>
          %swap3A_231 = vector.shape_cast %mul3A_226 : vector<16xf32> to vector<1x16xf32>
          tpu.vector_store %arg17[%swap3A_227, %swap3A_228], %swap3A_231 {strides = array<i32>} : memref<80x160xf32, #tpu.memory_space<vmem>>, vector<1x16xf32>,
          %slice3A_232 = vector.extract_strided_slice %get3A_143 {offsets = [1], sizes = [1], strides = [1]} : vector<16xf32> to vector<1xf32>
          %squeeze3A_233 = vector.extract %slice3A_232[0] : f32 from vector<1xf32>
          %get3A_234 = arith.index_cast %scan3A_139 : i32 to index
          %get3A_235 = arith.constant 112 : index
          %get3A_236 = tpu.vector_load %arg17[%get3A_234, %get3A_235] {strides = array<i32>} : memref<80x160xf32, #tpu.memory_space<vmem>>, vector<1x16xf32>,
          %get3A_237 = vector.shape_cast %get3A_236 : vector<1x16xf32> to vector<16xf32>
          %mul3A_238 = vector.broadcast %squeeze3A_233 : f32 to vector<16xf32>
          %mul3A_239 = arith.mulf %get3A_237, %mul3A_238 : vector<16xf32>
          %swap3A_240 = arith.index_cast %scan3A_139 : i32 to index
          %swap3A_241 = arith.constant 112 : index
          %swap3A_242 = tpu.vector_load %arg17[%swap3A_240, %swap3A_241] {strides = array<i32>} : memref<80x160xf32, #tpu.memory_space<vmem>>, vector<1x16xf32>,
          %swap3A_243 = vector.shape_cast %swap3A_242 : vector<1x16xf32> to vector<16xf32>
          %swap3A_244 = vector.shape_cast %mul3A_239 : vector<16xf32> to vector<1x16xf32>
          tpu.vector_store %arg17[%swap3A_240, %swap3A_241], %swap3A_244 {strides = array<i32>} : memref<80x160xf32, #tpu.memory_space<vmem>>, vector<1x16xf32>,
          %slice3A_245 = vector.extract_strided_slice %get3A_143 {offsets = [2], sizes = [1], strides = [1]} : vector<16xf32> to vector<1xf32>
          %squeeze3A_246 = vector.extract %slice3A_245[0] : f32 from vector<1xf32>
          %get3A_247 = arith.index_cast %scan3A_139 : i32 to index
          %get3A_248 = arith.constant 128 : index
          %get3A_249 = tpu.vector_load %arg17[%get3A_247, %get3A_248] {strides = array<i32>} : memref<80x160xf32, #tpu.memory_space<vmem>>, vector<1x16xf32>,
          %get3A_250 = vector.shape_cast %get3A_249 : vector<1x16xf32> to vector<16xf32>
          %mul3A_251 = vector.broadcast %squeeze3A_246 : f32 to vector<16xf32>
          %mul3A_252 = arith.mulf %get3A_250, %mul3A_251 : vector<16xf32>
          %swap3A_253 = arith.index_cast %scan3A_139 : i32 to index
          %swap3A_254 = arith.constant 128 : index
          %swap3A_255 = tpu.vector_load %arg17[%swap3A_253, %swap3A_254] {strides = array<i32>} : memref<80x160xf32, #tpu.memory_space<vmem>>, vector<1x16xf32>,
          %swap3A_256 = vector.shape_cast %swap3A_255 : vector<1x16xf32> to vector<16xf32>
          %swap3A_257 = vector.shape_cast %mul3A_252 : vector<16xf32> to vector<1x16xf32>
          tpu.vector_store %arg17[%swap3A_253, %swap3A_254], %swap3A_257 {strides = array<i32>} : memref<80x160xf32, #tpu.memory_space<vmem>>, vector<1x16xf32>,
          %slice3A_258 = vector.extract_strided_slice %get3A_143 {offsets = [2], sizes = [1], strides = [1]} : vector<16xf32> to vector<1xf32>
          %squeeze3A_259 = vector.extract %slice3A_258[0] : f32 from vector<1xf32>
          %get3A_260 = arith.index_cast %scan3A_139 : i32 to index
          %get3A_261 = arith.constant 144 : index
          %get3A_262 = tpu.vector_load %arg17[%get3A_260, %get3A_261] {strides = array<i32>} : memref<80x160xf32, #tpu.memory_space<vmem>>, vector<1x16xf32>,
          %get3A_263 = vector.shape_cast %get3A_262 : vector<1x16xf32> to vector<16xf32>
          %mul3A_264 = vector.broadcast %squeeze3A_259 : f32 to vector<16xf32>
          %mul3A_265 = arith.mulf %get3A_263, %mul3A_264 : vector<16xf32>
          %swap3A_266 = arith.index_cast %scan3A_139 : i32 to index
          %swap3A_267 = arith.constant 144 : index
          %swap3A_268 = tpu.vector_load %arg17[%swap3A_266, %swap3A_267] {strides = array<i32>} : memref<80x160xf32, #tpu.memory_space<vmem>>, vector<1x16xf32>,
          %swap3A_269 = vector.shape_cast %swap3A_268 : vector<1x16xf32> to vector<16xf32>
          %swap3A_270 = vector.shape_cast %mul3A_265 : vector<16xf32> to vector<1x16xf32>
          tpu.vector_store %arg17[%swap3A_266, %swap3A_267], %swap3A_270 {strides = array<i32>} : memref<80x160xf32, #tpu.memory_space<vmem>>, vector<1x16xf32>,
          %scan3A_271 = arith.constant 0 : i32
          scf.yield %scan3A_271 : i32
        }
        %scan3A_137 = arith.constant 80 : i32
        "tpu.region"() ({
          %run_scoped3A = tpu.sem_alloc : memref<!tpu.dma_semaphore, #tpu.memory_space<semaphore_mem>>
          %dma_start3A_139 = arith.constant 0 : i32
          %dma_start3A_140 = arith.constant 0 : i32
          %dma_start3A_141 = tpu.memref_slice %arg9[%dma_start3A_139, %dma_start3A_140] : memref<10000x160xf32, #tpu.memory_space<vmem_shared>> -> memref<10000x160xf32, #tpu.memory_space<vmem_shared>>
          tpu.enqueue_indirect_dma source(%arg17 : memref<80x160xf32, #tpu.memory_space<vmem>>) target(%dma_start3A_141 : memref<10000x160xf32, #tpu.memory_space<vmem_shared>>) offsets(%arg12 : memref<80xi32, #tpu.memory_space<vmem>>) semaphore(%run_scoped3A : memref<!tpu.dma_semaphore, #tpu.memory_space<semaphore_mem>>) {add = true}
          %dma_wait3A_142 = arith.constant 0 : i32
          %dma_wait3A_143 = arith.constant 0 : i32
          %dma_wait3A_144 = tpu.memref_slice %arg9[%dma_wait3A_142, %dma_wait3A_143] : memref<10000x160xf32, #tpu.memory_space<vmem_shared>> -> memref<10000x160xf32, #tpu.memory_space<vmem_shared>>
          tpu.wait_indirect_dma semaphore(%run_scoped3A : memref<!tpu.dma_semaphore, #tpu.memory_space<semaphore_mem>>) src(%arg17 : memref<80x160xf32, #tpu.memory_space<vmem>>) dst(%dma_wait3A_144 : memref<10000x160xf32, #tpu.memory_space<vmem_shared>>)
          tpu.yield
        }) : () -> ()
        %scan3A_138 = arith.constant 0 : i32
        scf.yield %scan3A_138 : i32
      }
      %scan3A_100 = arith.constant 250 : i32
    } else {
    }
    %eq3A_76 = arith.constant 1 : i32
    %eq3A_77 = arith.cmpi eq, %arg0, %eq3A_76 : i32
    %convert_element_type3A_78 = arith.extui %eq3A_77 : i1 to i32
    %cond3A_79 = arith.constant 0 : i32
    %cond3A_80 = arith.cmpi ne, %convert_element_type3A_78, %cond3A_79 : i32
    scf.if %cond3A_80 {
      %scan3A_94 = arith.constant 0 : i32
      %scan3A_95 = arith.constant 0 : i32
      %scan3A_96 = arith.constant 250 : i32
      %scan3A_97 = arith.addi %scan3A_95, %scan3A_96 : i32
      %scan3A_98 = arith.constant 1 : i32
      %scan3A_99 = scf.for %scan3A_101 = %scan3A_95 to %scan3A_97 step %scan3A_98 iter_args(%scan3A_102 = %scan3A_94) -> (i32)  : i32 {
        %mul3A_103 = arith.constant 20000 : i32
        %mul3A_104 = arith.muli %arg1, %mul3A_103 : i32
        %mul3A_105 = arith.constant 80 : i32
        %mul3A_106 = arith.muli %scan3A_101, %mul3A_105 : i32
        %add3A_107 = arith.addi %mul3A_104, %mul3A_106 : i32
        "tpu.region"() ({
          %run_scoped3A = tpu.sem_alloc : memref<!tpu.dma_semaphore, #tpu.memory_space<semaphore_mem>>
          %dma_start3A_187 = tpu.memref_slice %arg2[%add3A_107] : memref<320000xi32, #tpu.memory_space<hbm>> -> memref<80xi32, #tpu.memory_space<hbm>>
          %dma_start3A_188 = tpu.memref_slice %arg2[%add3A_107] : memref<320000xi32, #tpu.memory_space<hbm>> -> memref<80xi32, #tpu.memory_space<hbm>>
          tpu.enqueue_dma source(%dma_start3A_188 : memref<80xi32, #tpu.memory_space<hbm>>) target(%arg11 : memref<80xi32, #tpu.memory_space<vmem>>) target_semaphore(%run_scoped3A : memref<!tpu.dma_semaphore, #tpu.memory_space<semaphore_mem>>)
          %dma_wait3A_189 = tpu.memref_slice %arg2[%add3A_107] : memref<320000xi32, #tpu.memory_space<hbm>> -> memref<80xi32, #tpu.memory_space<hbm>>
          %dma_wait3A_190 = tpu.memref_slice %arg2[%add3A_107] : memref<320000xi32, #tpu.memory_space<hbm>> -> memref<80xi32, #tpu.memory_space<hbm>>
          tpu.wait_dma2 semaphore(%run_scoped3A : memref<!tpu.dma_semaphore, #tpu.memory_space<semaphore_mem>>) src(%dma_wait3A_190 : memref<80xi32, #tpu.memory_space<hbm>>) dst(%arg11 : memref<80xi32, #tpu.memory_space<vmem>>)
          tpu.yield
        }) : () -> ()
        "tpu.region"() ({
          %run_scoped3A = tpu.sem_alloc : memref<!tpu.dma_semaphore, #tpu.memory_space<semaphore_mem>>
          %dma_start3A_187 = tpu.memref_slice %arg3[%add3A_107] : memref<320000xi32, #tpu.memory_space<hbm>> -> memref<80xi32, #tpu.memory_space<hbm>>
          %dma_start3A_188 = tpu.memref_slice %arg3[%add3A_107] : memref<320000xi32, #tpu.memory_space<hbm>> -> memref<80xi32, #tpu.memory_space<hbm>>
          tpu.enqueue_dma source(%dma_start3A_188 : memref<80xi32, #tpu.memory_space<hbm>>) target(%arg12 : memref<80xi32, #tpu.memory_space<vmem>>) target_semaphore(%run_scoped3A : memref<!tpu.dma_semaphore, #tpu.memory_space<semaphore_mem>>)
          %dma_wait3A_189 = tpu.memref_slice %arg3[%add3A_107] : memref<320000xi32, #tpu.memory_space<hbm>> -> memref<80xi32, #tpu.memory_space<hbm>>
          %dma_wait3A_190 = tpu.memref_slice %arg3[%add3A_107] : memref<320000xi32, #tpu.memory_space<hbm>> -> memref<80xi32, #tpu.memory_space<hbm>>
          tpu.wait_dma2 semaphore(%run_scoped3A : memref<!tpu.dma_semaphore, #tpu.memory_space<semaphore_mem>>) src(%dma_wait3A_190 : memref<80xi32, #tpu.memory_space<hbm>>) dst(%arg12 : memref<80xi32, #tpu.memory_space<vmem>>)
          tpu.yield
        }) : () -> ()
        %get3A = arith.constant 0 : index
        %get3A_108 = tpu.vector_load %arg11[%get3A] {strides = array<i32>} : memref<80xi32, #tpu.memory_space<vmem>>, vector<16xi32>,
        %get3A_109 = vector.shape_cast %get3A_108 : vector<16xi32> to vector<16xi32>
        %add3A_110 = arith.constant 10000 : i32
        %add3A_111 = vector.broadcast %add3A_110 : i32 to vector<16xi32>
        %add3A_112 = arith.addi %get3A_109, %add3A_111 : vector<16xi32>
        %swap3A = arith.constant 0 : index
        %swap3A_113 = tpu.vector_load %arg13[%swap3A] {strides = array<i32>} : memref<80xi32, #tpu.memory_space<vmem>>, vector<16xi32>,
        %swap3A_114 = vector.shape_cast %swap3A_113 : vector<16xi32> to vector<16xi32>
        %swap3A_115 = vector.shape_cast %add3A_112 : vector<16xi32> to vector<16xi32>
        tpu.vector_store %arg13[%swap3A], %swap3A_115 {strides = array<i32>} : memref<80xi32, #tpu.memory_space<vmem>>, vector<16xi32>,
        %get3A_116 = arith.constant 16 : index
        %get3A_117 = tpu.vector_load %arg11[%get3A_116] {strides = array<i32>} : memref<80xi32, #tpu.memory_space<vmem>>, vector<16xi32>,
        %get3A_118 = vector.shape_cast %get3A_117 : vector<16xi32> to vector<16xi32>
        %add3A_119 = arith.constant 10000 : i32
        %add3A_120 = vector.broadcast %add3A_119 : i32 to vector<16xi32>
        %add3A_121 = arith.addi %get3A_118, %add3A_120 : vector<16xi32>
        %swap3A_122 = arith.constant 16 : index
        %swap3A_123 = tpu.vector_load %arg13[%swap3A_122] {strides = array<i32>} : memref<80xi32, #tpu.memory_space<vmem>>, vector<16xi32>,
        %swap3A_124 = vector.shape_cast %swap3A_123 : vector<16xi32> to vector<16xi32>
        %swap3A_125 = vector.shape_cast %add3A_121 : vector<16xi32> to vector<16xi32>
        tpu.vector_store %arg13[%swap3A_122], %swap3A_125 {strides = array<i32>} : memref<80xi32, #tpu.memory_space<vmem>>, vector<16xi32>,
        %get3A_126 = arith.constant 32 : index
        %get3A_127 = tpu.vector_load %arg11[%get3A_126] {strides = array<i32>} : memref<80xi32, #tpu.memory_space<vmem>>, vector<16xi32>,
        %get3A_128 = vector.shape_cast %get3A_127 : vector<16xi32> to vector<16xi32>
        %add3A_129 = arith.constant 10000 : i32
        %add3A_130 = vector.broadcast %add3A_129 : i32 to vector<16xi32>
        %add3A_131 = arith.addi %get3A_128, %add3A_130 : vector<16xi32>
        %swap3A_132 = arith.constant 32 : index
        %swap3A_133 = tpu.vector_load %arg13[%swap3A_132] {strides = array<i32>} : memref<80xi32, #tpu.memory_space<vmem>>, vector<16xi32>,
        %swap3A_134 = vector.shape_cast %swap3A_133 : vector<16xi32> to vector<16xi32>
        %swap3A_135 = vector.shape_cast %add3A_131 : vector<16xi32> to vector<16xi32>
        tpu.vector_store %arg13[%swap3A_132], %swap3A_135 {strides = array<i32>} : memref<80xi32, #tpu.memory_space<vmem>>, vector<16xi32>,
        %get3A_136 = arith.constant 48 : index
        %get3A_137 = tpu.vector_load %arg11[%get3A_136] {strides = array<i32>} : memref<80xi32, #tpu.memory_space<vmem>>, vector<16xi32>,
        %get3A_138 = vector.shape_cast %get3A_137 : vector<16xi32> to vector<16xi32>
        %add3A_139 = arith.constant 10000 : i32
        %add3A_140 = vector.broadcast %add3A_139 : i32 to vector<16xi32>
        %add3A_141 = arith.addi %get3A_138, %add3A_140 : vector<16xi32>
        %swap3A_142 = arith.constant 48 : index
        %swap3A_143 = tpu.vector_load %arg13[%swap3A_142] {strides = array<i32>} : memref<80xi32, #tpu.memory_space<vmem>>, vector<16xi32>,
        %swap3A_144 = vector.shape_cast %swap3A_143 : vector<16xi32> to vector<16xi32>
        %swap3A_145 = vector.shape_cast %add3A_141 : vector<16xi32> to vector<16xi32>
        tpu.vector_store %arg13[%swap3A_142], %swap3A_145 {strides = array<i32>} : memref<80xi32, #tpu.memory_space<vmem>>, vector<16xi32>,
        %get3A_146 = arith.constant 64 : index
        %get3A_147 = tpu.vector_load %arg11[%get3A_146] {strides = array<i32>} : memref<80xi32, #tpu.memory_space<vmem>>, vector<16xi32>,
        %get3A_148 = vector.shape_cast %get3A_147 : vector<16xi32> to vector<16xi32>
        %add3A_149 = arith.constant 10000 : i32
        %add3A_150 = vector.broadcast %add3A_149 : i32 to vector<16xi32>
        %add3A_151 = arith.addi %get3A_148, %add3A_150 : vector<16xi32>
        %swap3A_152 = arith.constant 64 : index
        %swap3A_153 = tpu.vector_load %arg13[%swap3A_152] {strides = array<i32>} : memref<80xi32, #tpu.memory_space<vmem>>, vector<16xi32>,
        %swap3A_154 = vector.shape_cast %swap3A_153 : vector<16xi32> to vector<16xi32>
        %swap3A_155 = vector.shape_cast %add3A_151 : vector<16xi32> to vector<16xi32>
        tpu.vector_store %arg13[%swap3A_152], %swap3A_155 {strides = array<i32>} : memref<80xi32, #tpu.memory_space<vmem>>, vector<16xi32>,
        %dma_start3A = arith.constant 0 : i32
        %dma_start3A_156 = arith.constant 0 : i32
        %dma_start3A_157 = tpu.memref_slice %arg5[%dma_start3A, %dma_start3A_156] : memref<10000x16xf32, #tpu.memory_space<hbm>> -> memref<10000x16xf32, #tpu.memory_space<hbm>>
        tpu.enqueue_indirect_dma source(%dma_start3A_157 : memref<10000x16xf32, #tpu.memory_space<hbm>>) target(%arg14 : memref<80x16xf32, #tpu.memory_space<vmem>>) offsets(%arg11 : memref<80xi32, #tpu.memory_space<vmem>>) semaphore(%arg18 : memref<!tpu.dma_semaphore, #tpu.memory_space<semaphore_mem>>)
        %dma_start3A_158 = arith.constant 0 : i32
        %dma_start3A_159 = arith.constant 0 : i32
        %dma_start3A_160 = tpu.memref_slice %arg6[%dma_start3A_158, %dma_start3A_159] : memref<10000x16xf32, #tpu.memory_space<hbm>> -> memref<10000x16xf32, #tpu.memory_space<hbm>>
        tpu.enqueue_indirect_dma source(%dma_start3A_160 : memref<10000x16xf32, #tpu.memory_space<hbm>>) target(%arg15 : memref<80x16xf32, #tpu.memory_space<vmem>>) offsets(%arg12 : memref<80xi32, #tpu.memory_space<vmem>>) semaphore(%arg19 : memref<!tpu.dma_semaphore, #tpu.memory_space<semaphore_mem>>)
        %dma_start3A_161 = arith.constant 0 : i32
        %dma_start3A_162 = arith.constant 0 : i32
        %dma_start3A_163 = tpu.memref_slice %arg4[%dma_start3A_161, %dma_start3A_162] : memref<20000x160xf32, #tpu.memory_space<hbm>> -> memref<20000x160xf32, #tpu.memory_space<hbm>>
        tpu.enqueue_indirect_dma source(%dma_start3A_163 : memref<20000x160xf32, #tpu.memory_space<hbm>>) target(%arg17 : memref<80x160xf32, #tpu.memory_space<vmem>>) offsets(%arg13 : memref<80xi32, #tpu.memory_space<vmem>>) semaphore(%arg20 : memref<!tpu.dma_semaphore, #tpu.memory_space<semaphore_mem>>)
        %dma_wait3A = arith.constant 0 : i32
        %dma_wait3A_164 = arith.constant 0 : i32
        %dma_wait3A_165 = tpu.memref_slice %arg5[%dma_wait3A, %dma_wait3A_164] : memref<10000x16xf32, #tpu.memory_space<hbm>> -> memref<10000x16xf32, #tpu.memory_space<hbm>>
        tpu.wait_indirect_dma semaphore(%arg18 : memref<!tpu.dma_semaphore, #tpu.memory_space<semaphore_mem>>) src(%dma_wait3A_165 : memref<10000x16xf32, #tpu.memory_space<hbm>>) dst(%arg14 : memref<80x16xf32, #tpu.memory_space<vmem>>)
        %dma_wait3A_166 = arith.constant 0 : i32
        %dma_wait3A_167 = arith.constant 0 : i32
        %dma_wait3A_168 = tpu.memref_slice %arg6[%dma_wait3A_166, %dma_wait3A_167] : memref<10000x16xf32, #tpu.memory_space<hbm>> -> memref<10000x16xf32, #tpu.memory_space<hbm>>
        tpu.wait_indirect_dma semaphore(%arg19 : memref<!tpu.dma_semaphore, #tpu.memory_space<semaphore_mem>>) src(%dma_wait3A_168 : memref<10000x16xf32, #tpu.memory_space<hbm>>) dst(%arg15 : memref<80x16xf32, #tpu.memory_space<vmem>>)
        %scan3A_169 = arith.constant 0 : i32
        %scan3A_170 = arith.constant 0 : i32
        %scan3A_171 = arith.constant 80 : i32
        %scan3A_172 = arith.addi %scan3A_170, %scan3A_171 : i32
        %scan3A_173 = arith.constant 1 : i32
        %scan3A_174 = scf.for %scan3A_187 = %scan3A_170 to %scan3A_172 step %scan3A_173 iter_args(%scan3A_188 = %scan3A_169) -> (i32)  : i32 {
          %get3A_189 = arith.index_cast %scan3A_187 : i32 to index
          %get3A_190 = arith.constant 0 : index
          %get3A_191 = tpu.vector_load %arg14[%get3A_189, %get3A_190] {strides = array<i32>} : memref<80x16xf32, #tpu.memory_space<vmem>>, vector<1x16xf32>,
          %get3A_192 = vector.shape_cast %get3A_191 : vector<1x16xf32> to vector<16xf32>
          %get3A_193 = arith.index_cast %scan3A_187 : i32 to index
          %get3A_194 = arith.constant 0 : index
          %get3A_195 = tpu.vector_load %arg15[%get3A_193, %get3A_194] {strides = array<i32>} : memref<80x16xf32, #tpu.memory_space<vmem>>, vector<1x16xf32>,
          %get3A_196 = vector.shape_cast %get3A_195 : vector<1x16xf32> to vector<16xf32>
          %add3A_197 = arith.addf %get3A_192, %get3A_196 : vector<16xf32>
          %ge3A = arith.constant 0.000000e+00 : f32
          %ge3A_198 = vector.broadcast %ge3A : f32 to vector<16xf32>
          %ge3A_199 = arith.cmpf oge, %add3A_197, %ge3A_198 : vector<16xf32>
          %mul3A_200 = arith.constant 2.000000e-01 : f32
          %mul3A_201 = vector.broadcast %mul3A_200 : f32 to vector<16xf32>
          %mul3A_202 = arith.mulf %mul3A_201, %add3A_197 : vector<16xf32>
          %select_n3A = arith.select %ge3A_199, %add3A_197, %mul3A_202 : vector<16xi1>, vector<16xf32>
          %exp3A = math.exp %select_n3A : vector<16xf32>
          %swap3A_203 = arith.index_cast %scan3A_187 : i32 to index
          %swap3A_204 = arith.constant 0 : index
          %swap3A_205 = tpu.vector_load %arg16[%swap3A_203, %swap3A_204] {strides = array<i32>} : memref<80x16xf32, #tpu.memory_space<vmem>>, vector<1x16xf32>,
          %swap3A_206 = vector.shape_cast %swap3A_205 : vector<1x16xf32> to vector<16xf32>
          %swap3A_207 = vector.shape_cast %exp3A : vector<16xf32> to vector<1x16xf32>
          tpu.vector_store %arg16[%swap3A_203, %swap3A_204], %swap3A_207 {strides = array<i32>} : memref<80x16xf32, #tpu.memory_space<vmem>>, vector<1x16xf32>,
          %scan3A_208 = arith.constant 0 : i32
          scf.yield %scan3A_208 : i32
        }
        %scan3A_175 = arith.constant 80 : i32
        %dma_wait3A_176 = arith.constant 0 : i32
        %dma_wait3A_177 = arith.constant 0 : i32
        %dma_wait3A_178 = tpu.memref_slice %arg4[%dma_wait3A_176, %dma_wait3A_177] : memref<20000x160xf32, #tpu.memory_space<hbm>> -> memref<20000x160xf32, #tpu.memory_space<hbm>>
        tpu.wait_indirect_dma semaphore(%arg20 : memref<!tpu.dma_semaphore, #tpu.memory_space<semaphore_mem>>) src(%dma_wait3A_178 : memref<20000x160xf32, #tpu.memory_space<hbm>>) dst(%arg17 : memref<80x160xf32, #tpu.memory_space<vmem>>)
        %scan3A_179 = arith.constant 0 : i32
        %scan3A_180 = arith.constant 0 : i32
        %scan3A_181 = arith.constant 80 : i32
        %scan3A_182 = arith.addi %scan3A_180, %scan3A_181 : i32
        %scan3A_183 = arith.constant 1 : i32
        %scan3A_184 = scf.for %scan3A_187 = %scan3A_180 to %scan3A_182 step %scan3A_183 iter_args(%scan3A_188 = %scan3A_179) -> (i32)  : i32 {
          %get3A_189 = arith.index_cast %scan3A_187 : i32 to index
          %get3A_190 = arith.constant 0 : index
          %get3A_191 = tpu.vector_load %arg16[%get3A_189, %get3A_190] {strides = array<i32>} : memref<80x16xf32, #tpu.memory_space<vmem>>, vector<1x16xf32>,
          %get3A_192 = vector.shape_cast %get3A_191 : vector<1x16xf32> to vector<16xf32>
          %slice3A = vector.extract_strided_slice %get3A_192 {offsets = [2], sizes = [1], strides = [1]} : vector<16xf32> to vector<1xf32>
          %squeeze3A = vector.extract %slice3A[0] : f32 from vector<1xf32>
          %get3A_193 = arith.index_cast %scan3A_187 : i32 to index
          %get3A_194 = arith.constant 0 : index
          %get3A_195 = tpu.vector_load %arg17[%get3A_193, %get3A_194] {strides = array<i32>} : memref<80x160xf32, #tpu.memory_space<vmem>>, vector<1x16xf32>,
          %get3A_196 = vector.shape_cast %get3A_195 : vector<1x16xf32> to vector<16xf32>
          %mul3A_197 = vector.broadcast %squeeze3A : f32 to vector<16xf32>
          %mul3A_198 = arith.mulf %get3A_196, %mul3A_197 : vector<16xf32>
          %swap3A_199 = arith.index_cast %scan3A_187 : i32 to index
          %swap3A_200 = arith.constant 0 : index
          %swap3A_201 = tpu.vector_load %arg17[%swap3A_199, %swap3A_200] {strides = array<i32>} : memref<80x160xf32, #tpu.memory_space<vmem>>, vector<1x16xf32>,
          %swap3A_202 = vector.shape_cast %swap3A_201 : vector<1x16xf32> to vector<16xf32>
          %swap3A_203 = vector.shape_cast %mul3A_198 : vector<16xf32> to vector<1x16xf32>
          tpu.vector_store %arg17[%swap3A_199, %swap3A_200], %swap3A_203 {strides = array<i32>} : memref<80x160xf32, #tpu.memory_space<vmem>>, vector<1x16xf32>,
          %slice3A_204 = vector.extract_strided_slice %get3A_192 {offsets = [2], sizes = [1], strides = [1]} : vector<16xf32> to vector<1xf32>
          %squeeze3A_205 = vector.extract %slice3A_204[0] : f32 from vector<1xf32>
          %get3A_206 = arith.index_cast %scan3A_187 : i32 to index
          %get3A_207 = arith.constant 16 : index
          %get3A_208 = tpu.vector_load %arg17[%get3A_206, %get3A_207] {strides = array<i32>} : memref<80x160xf32, #tpu.memory_space<vmem>>, vector<1x16xf32>,
          %get3A_209 = vector.shape_cast %get3A_208 : vector<1x16xf32> to vector<16xf32>
          %mul3A_210 = vector.broadcast %squeeze3A_205 : f32 to vector<16xf32>
          %mul3A_211 = arith.mulf %get3A_209, %mul3A_210 : vector<16xf32>
          %swap3A_212 = arith.index_cast %scan3A_187 : i32 to index
          %swap3A_213 = arith.constant 16 : index
          %swap3A_214 = tpu.vector_load %arg17[%swap3A_212, %swap3A_213] {strides = array<i32>} : memref<80x160xf32, #tpu.memory_space<vmem>>, vector<1x16xf32>,
          %swap3A_215 = vector.shape_cast %swap3A_214 : vector<1x16xf32> to vector<16xf32>
          %swap3A_216 = vector.shape_cast %mul3A_211 : vector<16xf32> to vector<1x16xf32>
          tpu.vector_store %arg17[%swap3A_212, %swap3A_213], %swap3A_216 {strides = array<i32>} : memref<80x160xf32, #tpu.memory_space<vmem>>, vector<1x16xf32>,
          %slice3A_217 = vector.extract_strided_slice %get3A_192 {offsets = [3], sizes = [1], strides = [1]} : vector<16xf32> to vector<1xf32>
          %squeeze3A_218 = vector.extract %slice3A_217[0] : f32 from vector<1xf32>
          %get3A_219 = arith.index_cast %scan3A_187 : i32 to index
          %get3A_220 = arith.constant 32 : index
          %get3A_221 = tpu.vector_load %arg17[%get3A_219, %get3A_220] {strides = array<i32>} : memref<80x160xf32, #tpu.memory_space<vmem>>, vector<1x16xf32>,
          %get3A_222 = vector.shape_cast %get3A_221 : vector<1x16xf32> to vector<16xf32>
          %mul3A_223 = vector.broadcast %squeeze3A_218 : f32 to vector<16xf32>
          %mul3A_224 = arith.mulf %get3A_222, %mul3A_223 : vector<16xf32>
          %swap3A_225 = arith.index_cast %scan3A_187 : i32 to index
          %swap3A_226 = arith.constant 32 : index
          %swap3A_227 = tpu.vector_load %arg17[%swap3A_225, %swap3A_226] {strides = array<i32>} : memref<80x160xf32, #tpu.memory_space<vmem>>, vector<1x16xf32>,
          %swap3A_228 = vector.shape_cast %swap3A_227 : vector<1x16xf32> to vector<16xf32>
          %swap3A_229 = vector.shape_cast %mul3A_224 : vector<16xf32> to vector<1x16xf32>
          tpu.vector_store %arg17[%swap3A_225, %swap3A_226], %swap3A_229 {strides = array<i32>} : memref<80x160xf32, #tpu.memory_space<vmem>>, vector<1x16xf32>,
          %slice3A_230 = vector.extract_strided_slice %get3A_192 {offsets = [3], sizes = [1], strides = [1]} : vector<16xf32> to vector<1xf32>
          %squeeze3A_231 = vector.extract %slice3A_230[0] : f32 from vector<1xf32>
          %get3A_232 = arith.index_cast %scan3A_187 : i32 to index
          %get3A_233 = arith.constant 48 : index
          %get3A_234 = tpu.vector_load %arg17[%get3A_232, %get3A_233] {strides = array<i32>} : memref<80x160xf32, #tpu.memory_space<vmem>>, vector<1x16xf32>,
          %get3A_235 = vector.shape_cast %get3A_234 : vector<1x16xf32> to vector<16xf32>
          %mul3A_236 = vector.broadcast %squeeze3A_231 : f32 to vector<16xf32>
          %mul3A_237 = arith.mulf %get3A_235, %mul3A_236 : vector<16xf32>
          %swap3A_238 = arith.index_cast %scan3A_187 : i32 to index
          %swap3A_239 = arith.constant 48 : index
          %swap3A_240 = tpu.vector_load %arg17[%swap3A_238, %swap3A_239] {strides = array<i32>} : memref<80x160xf32, #tpu.memory_space<vmem>>, vector<1x16xf32>,
          %swap3A_241 = vector.shape_cast %swap3A_240 : vector<1x16xf32> to vector<16xf32>
          %swap3A_242 = vector.shape_cast %mul3A_237 : vector<16xf32> to vector<1x16xf32>
          tpu.vector_store %arg17[%swap3A_238, %swap3A_239], %swap3A_242 {strides = array<i32>} : memref<80x160xf32, #tpu.memory_space<vmem>>, vector<1x16xf32>,
          %slice3A_243 = vector.extract_strided_slice %get3A_192 {offsets = [3], sizes = [1], strides = [1]} : vector<16xf32> to vector<1xf32>
          %squeeze3A_244 = vector.extract %slice3A_243[0] : f32 from vector<1xf32>
          %get3A_245 = arith.index_cast %scan3A_187 : i32 to index
          %get3A_246 = arith.constant 64 : index
          %get3A_247 = tpu.vector_load %arg17[%get3A_245, %get3A_246] {strides = array<i32>} : memref<80x160xf32, #tpu.memory_space<vmem>>, vector<1x16xf32>,
          %get3A_248 = vector.shape_cast %get3A_247 : vector<1x16xf32> to vector<16xf32>
          %mul3A_249 = vector.broadcast %squeeze3A_244 : f32 to vector<16xf32>
          %mul3A_250 = arith.mulf %get3A_248, %mul3A_249 : vector<16xf32>
          %swap3A_251 = arith.index_cast %scan3A_187 : i32 to index
          %swap3A_252 = arith.constant 64 : index
          %swap3A_253 = tpu.vector_load %arg17[%swap3A_251, %swap3A_252] {strides = array<i32>} : memref<80x160xf32, #tpu.memory_space<vmem>>, vector<1x16xf32>,
          %swap3A_254 = vector.shape_cast %swap3A_253 : vector<1x16xf32> to vector<16xf32>
          %swap3A_255 = vector.shape_cast %mul3A_250 : vector<16xf32> to vector<1x16xf32>
          tpu.vector_store %arg17[%swap3A_251, %swap3A_252], %swap3A_255 {strides = array<i32>} : memref<80x160xf32, #tpu.memory_space<vmem>>, vector<1x16xf32>,
          %slice3A_256 = vector.extract_strided_slice %get3A_192 {offsets = [3], sizes = [1], strides = [1]} : vector<16xf32> to vector<1xf32>
          %squeeze3A_257 = vector.extract %slice3A_256[0] : f32 from vector<1xf32>
          %get3A_258 = arith.index_cast %scan3A_187 : i32 to index
          %get3A_259 = arith.constant 80 : index
          %get3A_260 = tpu.vector_load %arg17[%get3A_258, %get3A_259] {strides = array<i32>} : memref<80x160xf32, #tpu.memory_space<vmem>>, vector<1x16xf32>,
          %get3A_261 = vector.shape_cast %get3A_260 : vector<1x16xf32> to vector<16xf32>
          %mul3A_262 = vector.broadcast %squeeze3A_257 : f32 to vector<16xf32>
          %mul3A_263 = arith.mulf %get3A_261, %mul3A_262 : vector<16xf32>
          %swap3A_264 = arith.index_cast %scan3A_187 : i32 to index
          %swap3A_265 = arith.constant 80 : index
          %swap3A_266 = tpu.vector_load %arg17[%swap3A_264, %swap3A_265] {strides = array<i32>} : memref<80x160xf32, #tpu.memory_space<vmem>>, vector<1x16xf32>,
          %swap3A_267 = vector.shape_cast %swap3A_266 : vector<1x16xf32> to vector<16xf32>
          %swap3A_268 = vector.shape_cast %mul3A_263 : vector<16xf32> to vector<1x16xf32>
          tpu.vector_store %arg17[%swap3A_264, %swap3A_265], %swap3A_268 {strides = array<i32>} : memref<80x160xf32, #tpu.memory_space<vmem>>, vector<1x16xf32>,
          %slice3A_269 = vector.extract_strided_slice %get3A_192 {offsets = [4], sizes = [1], strides = [1]} : vector<16xf32> to vector<1xf32>
          %squeeze3A_270 = vector.extract %slice3A_269[0] : f32 from vector<1xf32>
          %get3A_271 = arith.index_cast %scan3A_187 : i32 to index
          %get3A_272 = arith.constant 96 : index
          %get3A_273 = tpu.vector_load %arg17[%get3A_271, %get3A_272] {strides = array<i32>} : memref<80x160xf32, #tpu.memory_space<vmem>>, vector<1x16xf32>,
          %get3A_274 = vector.shape_cast %get3A_273 : vector<1x16xf32> to vector<16xf32>
          %mul3A_275 = vector.broadcast %squeeze3A_270 : f32 to vector<16xf32>
          %mul3A_276 = arith.mulf %get3A_274, %mul3A_275 : vector<16xf32>
          %swap3A_277 = arith.index_cast %scan3A_187 : i32 to index
          %swap3A_278 = arith.constant 96 : index
          %swap3A_279 = tpu.vector_load %arg17[%swap3A_277, %swap3A_278] {strides = array<i32>} : memref<80x160xf32, #tpu.memory_space<vmem>>, vector<1x16xf32>,
          %swap3A_280 = vector.shape_cast %swap3A_279 : vector<1x16xf32> to vector<16xf32>
          %swap3A_281 = vector.shape_cast %mul3A_276 : vector<16xf32> to vector<1x16xf32>
          tpu.vector_store %arg17[%swap3A_277, %swap3A_278], %swap3A_281 {strides = array<i32>} : memref<80x160xf32, #tpu.memory_space<vmem>>, vector<1x16xf32>,
          %slice3A_282 = vector.extract_strided_slice %get3A_192 {offsets = [4], sizes = [1], strides = [1]} : vector<16xf32> to vector<1xf32>
          %squeeze3A_283 = vector.extract %slice3A_282[0] : f32 from vector<1xf32>
          %get3A_284 = arith.index_cast %scan3A_187 : i32 to index
          %get3A_285 = arith.constant 112 : index
          %get3A_286 = tpu.vector_load %arg17[%get3A_284, %get3A_285] {strides = array<i32>} : memref<80x160xf32, #tpu.memory_space<vmem>>, vector<1x16xf32>,
          %get3A_287 = vector.shape_cast %get3A_286 : vector<1x16xf32> to vector<16xf32>
          %mul3A_288 = vector.broadcast %squeeze3A_283 : f32 to vector<16xf32>
          %mul3A_289 = arith.mulf %get3A_287, %mul3A_288 : vector<16xf32>
          %swap3A_290 = arith.index_cast %scan3A_187 : i32 to index
          %swap3A_291 = arith.constant 112 : index
          %swap3A_292 = tpu.vector_load %arg17[%swap3A_290, %swap3A_291] {strides = array<i32>} : memref<80x160xf32, #tpu.memory_space<vmem>>, vector<1x16xf32>,
          %swap3A_293 = vector.shape_cast %swap3A_292 : vector<1x16xf32> to vector<16xf32>
          %swap3A_294 = vector.shape_cast %mul3A_289 : vector<16xf32> to vector<1x16xf32>
          tpu.vector_store %arg17[%swap3A_290, %swap3A_291], %swap3A_294 {strides = array<i32>} : memref<80x160xf32, #tpu.memory_space<vmem>>, vector<1x16xf32>,
          %slice3A_295 = vector.extract_strided_slice %get3A_192 {offsets = [4], sizes = [1], strides = [1]} : vector<16xf32> to vector<1xf32>
          %squeeze3A_296 = vector.extract %slice3A_295[0] : f32 from vector<1xf32>
          %get3A_297 = arith.index_cast %scan3A_187 : i32 to index
          %get3A_298 = arith.constant 128 : index
          %get3A_299 = tpu.vector_load %arg17[%get3A_297, %get3A_298] {strides = array<i32>} : memref<80x160xf32, #tpu.memory_space<vmem>>, vector<1x16xf32>,
          %get3A_300 = vector.shape_cast %get3A_299 : vector<1x16xf32> to vector<16xf32>
          %mul3A_301 = vector.broadcast %squeeze3A_296 : f32 to vector<16xf32>
          %mul3A_302 = arith.mulf %get3A_300, %mul3A_301 : vector<16xf32>
          %swap3A_303 = arith.index_cast %scan3A_187 : i32 to index
          %swap3A_304 = arith.constant 128 : index
          %swap3A_305 = tpu.vector_load %arg17[%swap3A_303, %swap3A_304] {strides = array<i32>} : memref<80x160xf32, #tpu.memory_space<vmem>>, vector<1x16xf32>,
          %swap3A_306 = vector.shape_cast %swap3A_305 : vector<1x16xf32> to vector<16xf32>
          %swap3A_307 = vector.shape_cast %mul3A_302 : vector<16xf32> to vector<1x16xf32>
          tpu.vector_store %arg17[%swap3A_303, %swap3A_304], %swap3A_307 {strides = array<i32>} : memref<80x160xf32, #tpu.memory_space<vmem>>, vector<1x16xf32>,
          %slice3A_308 = vector.extract_strided_slice %get3A_192 {offsets = [4], sizes = [1], strides = [1]} : vector<16xf32> to vector<1xf32>
          %squeeze3A_309 = vector.extract %slice3A_308[0] : f32 from vector<1xf32>
          %get3A_310 = arith.index_cast %scan3A_187 : i32 to index
          %get3A_311 = arith.constant 144 : index
          %get3A_312 = tpu.vector_load %arg17[%get3A_310, %get3A_311] {strides = array<i32>} : memref<80x160xf32, #tpu.memory_space<vmem>>, vector<1x16xf32>,
          %get3A_313 = vector.shape_cast %get3A_312 : vector<1x16xf32> to vector<16xf32>
          %mul3A_314 = vector.broadcast %squeeze3A_309 : f32 to vector<16xf32>
          %mul3A_315 = arith.mulf %get3A_313, %mul3A_314 : vector<16xf32>
          %swap3A_316 = arith.index_cast %scan3A_187 : i32 to index
          %swap3A_317 = arith.constant 144 : index
          %swap3A_318 = tpu.vector_load %arg17[%swap3A_316, %swap3A_317] {strides = array<i32>} : memref<80x160xf32, #tpu.memory_space<vmem>>, vector<1x16xf32>,
          %swap3A_319 = vector.shape_cast %swap3A_318 : vector<1x16xf32> to vector<16xf32>
          %swap3A_320 = vector.shape_cast %mul3A_315 : vector<16xf32> to vector<1x16xf32>
          tpu.vector_store %arg17[%swap3A_316, %swap3A_317], %swap3A_320 {strides = array<i32>} : memref<80x160xf32, #tpu.memory_space<vmem>>, vector<1x16xf32>,
          %scan3A_321 = arith.constant 0 : i32
          scf.yield %scan3A_321 : i32
        }
        %scan3A_185 = arith.constant 80 : i32
        "tpu.region"() ({
          %run_scoped3A = tpu.sem_alloc : memref<!tpu.dma_semaphore, #tpu.memory_space<semaphore_mem>>
          %dma_start3A_187 = arith.constant 0 : i32
          %dma_start3A_188 = arith.constant 0 : i32
          %dma_start3A_189 = tpu.memref_slice %arg9[%dma_start3A_187, %dma_start3A_188] : memref<10000x160xf32, #tpu.memory_space<vmem_shared>> -> memref<10000x160xf32, #tpu.memory_space<vmem_shared>>
          tpu.enqueue_indirect_dma source(%arg17 : memref<80x160xf32, #tpu.memory_space<vmem>>) target(%dma_start3A_189 : memref<10000x160xf32, #tpu.memory_space<vmem_shared>>) offsets(%arg12 : memref<80xi32, #tpu.memory_space<vmem>>) semaphore(%run_scoped3A : memref<!tpu.dma_semaphore, #tpu.memory_space<semaphore_mem>>) {add = true}
          %dma_wait3A_190 = arith.constant 0 : i32
          %dma_wait3A_191 = arith.constant 0 : i32
          %dma_wait3A_192 = tpu.memref_slice %arg9[%dma_wait3A_190, %dma_wait3A_191] : memref<10000x160xf32, #tpu.memory_space<vmem_shared>> -> memref<10000x160xf32, #tpu.memory_space<vmem_shared>>
          tpu.wait_indirect_dma semaphore(%run_scoped3A : memref<!tpu.dma_semaphore, #tpu.memory_space<semaphore_mem>>) src(%arg17 : memref<80x160xf32, #tpu.memory_space<vmem>>) dst(%dma_wait3A_192 : memref<10000x160xf32, #tpu.memory_space<vmem_shared>>)
          tpu.yield
        }) : () -> ()
        %scan3A_186 = arith.constant 0 : i32
        scf.yield %scan3A_186 : i32
      }
      %scan3A_100 = arith.constant 250 : i32
    } else {
    }
    %barrier3A_81 = arith.constant 0 : index
    tpu.barrier barrier_id(%barrier3A_81)
    %mul3A_82 = arith.constant 10000 : i32
    %mul3A_83 = arith.muli %arg0, %mul3A_82 : i32
    %mul3A_84 = arith.constant 625 : i32
    %mul3A_85 = arith.muli %arg1, %mul3A_84 : i32
    %add3A_86 = arith.addi %mul3A_83, %mul3A_85 : i32
    %mul3A_87 = arith.constant 625 : i32
    %mul3A_88 = arith.muli %arg1, %mul3A_87 : i32
    "tpu.region"() ({
      %run_scoped3A = tpu.sem_alloc : memref<!tpu.dma_semaphore, #tpu.memory_space<semaphore_mem>>
      %dma_start3A = arith.constant 0 : i32
      %dma_start3A_94 = tpu.memref_slice %arg7[%add3A_86, %dma_start3A] : memref<20000x160xf32, #tpu.memory_space<hbm>> -> memref<625x160xf32, #tpu.memory_space<hbm>>
      %dma_start3A_95 = arith.constant 0 : i32
      %dma_start3A_96 = tpu.memref_slice %arg9[%mul3A_88, %dma_start3A_95] : memref<10000x160xf32, #tpu.memory_space<vmem_shared>> -> memref<625x160xf32, #tpu.memory_space<vmem_shared>>
      tpu.enqueue_dma source(%dma_start3A_96 : memref<625x160xf32, #tpu.memory_space<vmem_shared>>) target(%dma_start3A_94 : memref<625x160xf32, #tpu.memory_space<hbm>>) target_semaphore(%run_scoped3A : memref<!tpu.dma_semaphore, #tpu.memory_space<semaphore_mem>>)
      %dma_wait3A = arith.constant 0 : i32
      %dma_wait3A_97 = tpu.memref_slice %arg7[%add3A_86, %dma_wait3A] : memref<20000x160xf32, #tpu.memory_space<hbm>> -> memref<625x160xf32, #tpu.memory_space<hbm>>
      %dma_wait3A_98 = arith.constant 0 : i32
      %dma_wait3A_99 = tpu.memref_slice %arg9[%mul3A_88, %dma_wait3A_98] : memref<10000x160xf32, #tpu.memory_space<vmem_shared>> -> memref<625x160xf32, #tpu.memory_space<vmem_shared>>
      tpu.wait_dma2 semaphore(%run_scoped3A : memref<!tpu.dma_semaphore, #tpu.memory_space<semaphore_mem>>) src(%dma_wait3A_99 : memref<625x160xf32, #tpu.memory_space<vmem_shared>>) dst(%dma_wait3A_97 : memref<625x160xf32, #tpu.memory_space<hbm>>)
      tpu.yield
    }) : () -> ()
    %eq3A_89 = arith.constant 0 : i32
    %eq3A_90 = arith.cmpi eq, %arg0, %eq3A_89 : i32
    %convert_element_type3A_91 = arith.extui %eq3A_90 : i1 to i32
    %cond3A_92 = arith.constant 0 : i32
    %cond3A_93 = arith.cmpi ne, %convert_element_type3A_91, %cond3A_92 : i32
    scf.if %cond3A_93 {
      %mul3A_94 = arith.constant 625 : i32
      %mul3A_95 = arith.muli %arg1, %mul3A_94 : i32
      %mul3A_96 = arith.constant 625 : i32
      %mul3A_97 = arith.muli %arg1, %mul3A_96 : i32
      "tpu.region"() ({
        %run_scoped3A = tpu.sem_alloc : memref<!tpu.dma_semaphore, #tpu.memory_space<semaphore_mem>>
        %dma_start3A = arith.constant 0 : i32
        %dma_start3A_98 = tpu.memref_slice %arg8[%mul3A_97, %dma_start3A] : memref<10000x16xf32, #tpu.memory_space<hbm>> -> memref<625x16xf32, #tpu.memory_space<hbm>>
        %dma_start3A_99 = arith.constant 0 : i32
        %dma_start3A_100 = tpu.memref_slice %arg10[%mul3A_95, %dma_start3A_99] : memref<10000x16xf32, #tpu.memory_space<vmem_shared>> -> memref<625x16xf32, #tpu.memory_space<vmem_shared>>
        tpu.enqueue_dma source(%dma_start3A_100 : memref<625x16xf32, #tpu.memory_space<vmem_shared>>) target(%dma_start3A_98 : memref<625x16xf32, #tpu.memory_space<hbm>>) target_semaphore(%run_scoped3A : memref<!tpu.dma_semaphore, #tpu.memory_space<semaphore_mem>>)
        %dma_wait3A = arith.constant 0 : i32
        %dma_wait3A_101 = tpu.memref_slice %arg8[%mul3A_97, %dma_wait3A] : memref<10000x16xf32, #tpu.memory_space<hbm>> -> memref<625x16xf32, #tpu.memory_space<hbm>>
        %dma_wait3A_102 = arith.constant 0 : i32
        %dma_wait3A_103 = tpu.memref_slice %arg10[%mul3A_95, %dma_wait3A_102] : memref<10000x16xf32, #tpu.memory_space<vmem_shared>> -> memref<625x16xf32, #tpu.memory_space<vmem_shared>>
        tpu.wait_dma2 semaphore(%run_scoped3A : memref<!tpu.dma_semaphore, #tpu.memory_space<semaphore_mem>>) src(%dma_wait3A_103 : memref<625x16xf32, #tpu.memory_space<vmem_shared>>) dst(%dma_wait3A_101 : memref<625x16xf32, #tpu.memory_space<hbm>>)
        tpu.yield
      }) : () -> ()
    } else {
    }
    return
  }
}

#map = affine_map<(d0, d1) -> (0)>
#map1 = affine_map<(d0, d1) -> (0, 0)>
module attributes {stable_mosaic.version = 14 : i64} {
  func.func @_sc2_kernel(%arg0: i32, %arg1: i32, %arg2: memref<320000xi32, #tpu.memory_space<hbm>>, %arg3: memref<320000xi32, #tpu.memory_space<hbm>>, %arg4: memref<10000x64xf32, #tpu.memory_space<hbm>>, %arg5: memref<10000x16xf32, #tpu.memory_space<hbm>>, %arg6: memref<10000x16xf32, #tpu.memory_space<hbm>>, %arg7: memref<20000x64xf32, #tpu.memory_space<hbm>>, %arg8: memref<20000x16xf32, #tpu.memory_space<hbm>>, %arg9: memref<10000x64xf32, #tpu.memory_space<vmem_shared>>, %arg10: memref<10000x16xf32, #tpu.memory_space<vmem_shared>>, %arg11: memref<80xi32, #tpu.memory_space<vmem>>, %arg12: memref<80xi32, #tpu.memory_space<vmem>>, %arg13: memref<80xi32, #tpu.memory_space<vmem>>, %arg14: memref<80x16xf32, #tpu.memory_space<vmem>>, %arg15: memref<80x16xf32, #tpu.memory_space<vmem>>, %arg16: memref<80x16xf32, #tpu.memory_space<vmem>>, %arg17: memref<80x64xf32, #tpu.memory_space<vmem>>, %arg18: memref<!tpu.dma_semaphore, #tpu.memory_space<semaphore_mem>>, %arg19: memref<!tpu.dma_semaphore, #tpu.memory_space<semaphore_mem>>, %arg20: memref<!tpu.dma_semaphore, #tpu.memory_space<semaphore_mem>>) attributes {dimension_semantics = [#tpu.dimension_semantics<core_parallel>, #tpu.dimension_semantics<subcore_parallel>], iteration_bounds = array<i64: 2, 16>, scalar_prefetch = 0 : i64, scratch_operands = 12 : i64, tpu.core_type = #tpu.core_type<sc_vector_subcore>, window_params = [{transform_indices = #map}, {transform_indices = #map}, {transform_indices = #map1}, {transform_indices = #map1}, {transform_indices = #map1}, {transform_indices = #map1}, {transform_indices = #map1}]} {
    %broadcast_in_dim3A = arith.constant 0.000000e+00 : f32
    %broadcast_in_dim3A_0 = vector.broadcast %broadcast_in_dim3A : f32 to vector<16xf32>
    %scan3A = arith.constant 0 : i32
    %scan3A_1 = arith.constant 0 : i32
    %scan3A_2 = arith.constant 80 : i32
    %scan3A_3 = arith.addi %scan3A_1, %scan3A_2 : i32
    %scan3A_4 = arith.constant 1 : i32
    %scan3A_5 = scf.for %scan3A_94 = %scan3A_1 to %scan3A_3 step %scan3A_4 iter_args(%scan3A_95 = %scan3A) -> (i32)  : i32 {
      %swap3A = arith.index_cast %scan3A_94 : i32 to index
      %swap3A_96 = arith.constant 0 : index
      %swap3A_97 = tpu.vector_load %arg17[%swap3A, %swap3A_96] {strides = array<i32>} : memref<80x64xf32, #tpu.memory_space<vmem>>, vector<1x16xf32>,
      %swap3A_98 = vector.shape_cast %swap3A_97 : vector<1x16xf32> to vector<16xf32>
      %swap3A_99 = vector.shape_cast %broadcast_in_dim3A_0 : vector<16xf32> to vector<1x16xf32>
      tpu.vector_store %arg17[%swap3A, %swap3A_96], %swap3A_99 {strides = array<i32>} : memref<80x64xf32, #tpu.memory_space<vmem>>, vector<1x16xf32>,
      %swap3A_100 = arith.index_cast %scan3A_94 : i32 to index
      %swap3A_101 = arith.constant 16 : index
      %swap3A_102 = tpu.vector_load %arg17[%swap3A_100, %swap3A_101] {strides = array<i32>} : memref<80x64xf32, #tpu.memory_space<vmem>>, vector<1x16xf32>,
      %swap3A_103 = vector.shape_cast %swap3A_102 : vector<1x16xf32> to vector<16xf32>
      %swap3A_104 = vector.shape_cast %broadcast_in_dim3A_0 : vector<16xf32> to vector<1x16xf32>
      tpu.vector_store %arg17[%swap3A_100, %swap3A_101], %swap3A_104 {strides = array<i32>} : memref<80x64xf32, #tpu.memory_space<vmem>>, vector<1x16xf32>,
      %swap3A_105 = arith.index_cast %scan3A_94 : i32 to index
      %swap3A_106 = arith.constant 32 : index
      %swap3A_107 = tpu.vector_load %arg17[%swap3A_105, %swap3A_106] {strides = array<i32>} : memref<80x64xf32, #tpu.memory_space<vmem>>, vector<1x16xf32>,
      %swap3A_108 = vector.shape_cast %swap3A_107 : vector<1x16xf32> to vector<16xf32>
      %swap3A_109 = vector.shape_cast %broadcast_in_dim3A_0 : vector<16xf32> to vector<1x16xf32>
      tpu.vector_store %arg17[%swap3A_105, %swap3A_106], %swap3A_109 {strides = array<i32>} : memref<80x64xf32, #tpu.memory_space<vmem>>, vector<1x16xf32>,
      %swap3A_110 = arith.index_cast %scan3A_94 : i32 to index
      %swap3A_111 = arith.constant 48 : index
      %swap3A_112 = tpu.vector_load %arg17[%swap3A_110, %swap3A_111] {strides = array<i32>} : memref<80x64xf32, #tpu.memory_space<vmem>>, vector<1x16xf32>,
      %swap3A_113 = vector.shape_cast %swap3A_112 : vector<1x16xf32> to vector<16xf32>
      %swap3A_114 = vector.shape_cast %broadcast_in_dim3A_0 : vector<16xf32> to vector<1x16xf32>
      tpu.vector_store %arg17[%swap3A_110, %swap3A_111], %swap3A_114 {strides = array<i32>} : memref<80x64xf32, #tpu.memory_space<vmem>>, vector<1x16xf32>,
      %scan3A_115 = arith.constant 0 : i32
      scf.yield %scan3A_115 : i32
    }
    %scan3A_6 = arith.constant 80 : i32
    %broadcast_in_dim3A_7 = arith.constant 0.000000e+00 : f32
    %broadcast_in_dim3A_8 = vector.broadcast %broadcast_in_dim3A_7 : f32 to vector<16xf32>
    %scan3A_9 = arith.constant 0 : i32
    %scan3A_10 = arith.constant 0 : i32
    %scan3A_11 = arith.constant 80 : i32
    %scan3A_12 = arith.addi %scan3A_10, %scan3A_11 : i32
    %scan3A_13 = arith.constant 1 : i32
    %scan3A_14 = scf.for %scan3A_94 = %scan3A_10 to %scan3A_12 step %scan3A_13 iter_args(%scan3A_95 = %scan3A_9) -> (i32)  : i32 {
      %swap3A = arith.index_cast %scan3A_94 : i32 to index
      %swap3A_96 = arith.constant 0 : index
      %swap3A_97 = tpu.vector_load %arg16[%swap3A, %swap3A_96] {strides = array<i32>} : memref<80x16xf32, #tpu.memory_space<vmem>>, vector<1x16xf32>,
      %swap3A_98 = vector.shape_cast %swap3A_97 : vector<1x16xf32> to vector<16xf32>
      %swap3A_99 = vector.shape_cast %broadcast_in_dim3A_8 : vector<16xf32> to vector<1x16xf32>
      tpu.vector_store %arg16[%swap3A, %swap3A_96], %swap3A_99 {strides = array<i32>} : memref<80x16xf32, #tpu.memory_space<vmem>>, vector<1x16xf32>,
      %scan3A_100 = arith.constant 0 : i32
      scf.yield %scan3A_100 : i32
    }
    %scan3A_15 = arith.constant 80 : i32
    %mul3A = arith.constant 625 : i32
    %mul3A_16 = arith.muli %arg1, %mul3A : i32
    %add3A = arith.constant 0 : i32
    %add3A_17 = arith.addi %mul3A_16, %add3A : i32
    "tpu.region"() ({
      %run_scoped3A = tpu.sem_alloc : memref<!tpu.dma_semaphore, #tpu.memory_space<semaphore_mem>>
      %dma_start3A = arith.constant 0 : i32
      %dma_start3A_94 = tpu.memref_slice %arg9[%add3A_17, %dma_start3A] : memref<10000x64xf32, #tpu.memory_space<vmem_shared>> -> memref<80x64xf32, #tpu.memory_space<vmem_shared>>
      %dma_start3A_95 = arith.constant 0 : i32
      %dma_start3A_96 = tpu.memref_slice %arg9[%add3A_17, %dma_start3A_95] : memref<10000x64xf32, #tpu.memory_space<vmem_shared>> -> memref<80x64xf32, #tpu.memory_space<vmem_shared>>
      tpu.enqueue_dma source(%arg17 : memref<80x64xf32, #tpu.memory_space<vmem>>) target(%dma_start3A_96 : memref<80x64xf32, #tpu.memory_space<vmem_shared>>) target_semaphore(%run_scoped3A : memref<!tpu.dma_semaphore, #tpu.memory_space<semaphore_mem>>)
      %dma_wait3A = arith.constant 0 : i32
      %dma_wait3A_97 = tpu.memref_slice %arg9[%add3A_17, %dma_wait3A] : memref<10000x64xf32, #tpu.memory_space<vmem_shared>> -> memref<80x64xf32, #tpu.memory_space<vmem_shared>>
      %dma_wait3A_98 = arith.constant 0 : i32
      %dma_wait3A_99 = tpu.memref_slice %arg9[%add3A_17, %dma_wait3A_98] : memref<10000x64xf32, #tpu.memory_space<vmem_shared>> -> memref<80x64xf32, #tpu.memory_space<vmem_shared>>
      tpu.wait_dma2 semaphore(%run_scoped3A : memref<!tpu.dma_semaphore, #tpu.memory_space<semaphore_mem>>) src(%arg17 : memref<80x64xf32, #tpu.memory_space<vmem>>) dst(%dma_wait3A_99 : memref<80x64xf32, #tpu.memory_space<vmem_shared>>)
      tpu.yield
    }) : () -> ()
    %mul3A_18 = arith.constant 625 : i32
    %mul3A_19 = arith.muli %arg1, %mul3A_18 : i32
    %add3A_20 = arith.constant 0 : i32
    %add3A_21 = arith.addi %mul3A_19, %add3A_20 : i32
    "tpu.region"() ({
      %run_scoped3A = tpu.sem_alloc : memref<!tpu.dma_semaphore, #tpu.memory_space<semaphore_mem>>
      %dma_start3A = arith.constant 0 : i32
      %dma_start3A_94 = tpu.memref_slice %arg10[%add3A_21, %dma_start3A] : memref<10000x16xf32, #tpu.memory_space<vmem_shared>> -> memref<80x16xf32, #tpu.memory_space<vmem_shared>>
      %dma_start3A_95 = arith.constant 0 : i32
      %dma_start3A_96 = tpu.memref_slice %arg10[%add3A_21, %dma_start3A_95] : memref<10000x16xf32, #tpu.memory_space<vmem_shared>> -> memref<80x16xf32, #tpu.memory_space<vmem_shared>>
      tpu.enqueue_dma source(%arg16 : memref<80x16xf32, #tpu.memory_space<vmem>>) target(%dma_start3A_96 : memref<80x16xf32, #tpu.memory_space<vmem_shared>>) target_semaphore(%run_scoped3A : memref<!tpu.dma_semaphore, #tpu.memory_space<semaphore_mem>>)
      %dma_wait3A = arith.constant 0 : i32
      %dma_wait3A_97 = tpu.memref_slice %arg10[%add3A_21, %dma_wait3A] : memref<10000x16xf32, #tpu.memory_space<vmem_shared>> -> memref<80x16xf32, #tpu.memory_space<vmem_shared>>
      %dma_wait3A_98 = arith.constant 0 : i32
      %dma_wait3A_99 = tpu.memref_slice %arg10[%add3A_21, %dma_wait3A_98] : memref<10000x16xf32, #tpu.memory_space<vmem_shared>> -> memref<80x16xf32, #tpu.memory_space<vmem_shared>>
      tpu.wait_dma2 semaphore(%run_scoped3A : memref<!tpu.dma_semaphore, #tpu.memory_space<semaphore_mem>>) src(%arg16 : memref<80x16xf32, #tpu.memory_space<vmem>>) dst(%dma_wait3A_99 : memref<80x16xf32, #tpu.memory_space<vmem_shared>>)
      tpu.yield
    }) : () -> ()
    %mul3A_22 = arith.constant 625 : i32
    %mul3A_23 = arith.muli %arg1, %mul3A_22 : i32
    %add3A_24 = arith.constant 80 : i32
    %add3A_25 = arith.addi %mul3A_23, %add3A_24 : i32
    "tpu.region"() ({
      %run_scoped3A = tpu.sem_alloc : memref<!tpu.dma_semaphore, #tpu.memory_space<semaphore_mem>>
      %dma_start3A = arith.constant 0 : i32
      %dma_start3A_94 = tpu.memref_slice %arg9[%add3A_25, %dma_start3A] : memref<10000x64xf32, #tpu.memory_space<vmem_shared>> -> memref<80x64xf32, #tpu.memory_space<vmem_shared>>
      %dma_start3A_95 = arith.constant 0 : i32
      %dma_start3A_96 = tpu.memref_slice %arg9[%add3A_25, %dma_start3A_95] : memref<10000x64xf32, #tpu.memory_space<vmem_shared>> -> memref<80x64xf32, #tpu.memory_space<vmem_shared>>
      tpu.enqueue_dma source(%arg17 : memref<80x64xf32, #tpu.memory_space<vmem>>) target(%dma_start3A_96 : memref<80x64xf32, #tpu.memory_space<vmem_shared>>) target_semaphore(%run_scoped3A : memref<!tpu.dma_semaphore, #tpu.memory_space<semaphore_mem>>)
      %dma_wait3A = arith.constant 0 : i32
      %dma_wait3A_97 = tpu.memref_slice %arg9[%add3A_25, %dma_wait3A] : memref<10000x64xf32, #tpu.memory_space<vmem_shared>> -> memref<80x64xf32, #tpu.memory_space<vmem_shared>>
      %dma_wait3A_98 = arith.constant 0 : i32
      %dma_wait3A_99 = tpu.memref_slice %arg9[%add3A_25, %dma_wait3A_98] : memref<10000x64xf32, #tpu.memory_space<vmem_shared>> -> memref<80x64xf32, #tpu.memory_space<vmem_shared>>
      tpu.wait_dma2 semaphore(%run_scoped3A : memref<!tpu.dma_semaphore, #tpu.memory_space<semaphore_mem>>) src(%arg17 : memref<80x64xf32, #tpu.memory_space<vmem>>) dst(%dma_wait3A_99 : memref<80x64xf32, #tpu.memory_space<vmem_shared>>)
      tpu.yield
    }) : () -> ()
    %mul3A_26 = arith.constant 625 : i32
    %mul3A_27 = arith.muli %arg1, %mul3A_26 : i32
    %add3A_28 = arith.constant 80 : i32
    %add3A_29 = arith.addi %mul3A_27, %add3A_28 : i32
    "tpu.region"() ({
      %run_scoped3A = tpu.sem_alloc : memref<!tpu.dma_semaphore, #tpu.memory_space<semaphore_mem>>
      %dma_start3A = arith.constant 0 : i32
      %dma_start3A_94 = tpu.memref_slice %arg10[%add3A_29, %dma_start3A] : memref<10000x16xf32, #tpu.memory_space<vmem_shared>> -> memref<80x16xf32, #tpu.memory_space<vmem_shared>>
      %dma_start3A_95 = arith.constant 0 : i32
      %dma_start3A_96 = tpu.memref_slice %arg10[%add3A_29, %dma_start3A_95] : memref<10000x16xf32, #tpu.memory_space<vmem_shared>> -> memref<80x16xf32, #tpu.memory_space<vmem_shared>>
      tpu.enqueue_dma source(%arg16 : memref<80x16xf32, #tpu.memory_space<vmem>>) target(%dma_start3A_96 : memref<80x16xf32, #tpu.memory_space<vmem_shared>>) target_semaphore(%run_scoped3A : memref<!tpu.dma_semaphore, #tpu.memory_space<semaphore_mem>>)
      %dma_wait3A = arith.constant 0 : i32
      %dma_wait3A_97 = tpu.memref_slice %arg10[%add3A_29, %dma_wait3A] : memref<10000x16xf32, #tpu.memory_space<vmem_shared>> -> memref<80x16xf32, #tpu.memory_space<vmem_shared>>
      %dma_wait3A_98 = arith.constant 0 : i32
      %dma_wait3A_99 = tpu.memref_slice %arg10[%add3A_29, %dma_wait3A_98] : memref<10000x16xf32, #tpu.memory_space<vmem_shared>> -> memref<80x16xf32, #tpu.memory_space<vmem_shared>>
      tpu.wait_dma2 semaphore(%run_scoped3A : memref<!tpu.dma_semaphore, #tpu.memory_space<semaphore_mem>>) src(%arg16 : memref<80x16xf32, #tpu.memory_space<vmem>>) dst(%dma_wait3A_99 : memref<80x16xf32, #tpu.memory_space<vmem_shared>>)
      tpu.yield
    }) : () -> ()
    %mul3A_30 = arith.constant 625 : i32
    %mul3A_31 = arith.muli %arg1, %mul3A_30 : i32
    %add3A_32 = arith.constant 160 : i32
    %add3A_33 = arith.addi %mul3A_31, %add3A_32 : i32
    "tpu.region"() ({
      %run_scoped3A = tpu.sem_alloc : memref<!tpu.dma_semaphore, #tpu.memory_space<semaphore_mem>>
      %dma_start3A = arith.constant 0 : i32
      %dma_start3A_94 = tpu.memref_slice %arg9[%add3A_33, %dma_start3A] : memref<10000x64xf32, #tpu.memory_space<vmem_shared>> -> memref<80x64xf32, #tpu.memory_space<vmem_shared>>
      %dma_start3A_95 = arith.constant 0 : i32
      %dma_start3A_96 = tpu.memref_slice %arg9[%add3A_33, %dma_start3A_95] : memref<10000x64xf32, #tpu.memory_space<vmem_shared>> -> memref<80x64xf32, #tpu.memory_space<vmem_shared>>
      tpu.enqueue_dma source(%arg17 : memref<80x64xf32, #tpu.memory_space<vmem>>) target(%dma_start3A_96 : memref<80x64xf32, #tpu.memory_space<vmem_shared>>) target_semaphore(%run_scoped3A : memref<!tpu.dma_semaphore, #tpu.memory_space<semaphore_mem>>)
      %dma_wait3A = arith.constant 0 : i32
      %dma_wait3A_97 = tpu.memref_slice %arg9[%add3A_33, %dma_wait3A] : memref<10000x64xf32, #tpu.memory_space<vmem_shared>> -> memref<80x64xf32, #tpu.memory_space<vmem_shared>>
      %dma_wait3A_98 = arith.constant 0 : i32
      %dma_wait3A_99 = tpu.memref_slice %arg9[%add3A_33, %dma_wait3A_98] : memref<10000x64xf32, #tpu.memory_space<vmem_shared>> -> memref<80x64xf32, #tpu.memory_space<vmem_shared>>
      tpu.wait_dma2 semaphore(%run_scoped3A : memref<!tpu.dma_semaphore, #tpu.memory_space<semaphore_mem>>) src(%arg17 : memref<80x64xf32, #tpu.memory_space<vmem>>) dst(%dma_wait3A_99 : memref<80x64xf32, #tpu.memory_space<vmem_shared>>)
      tpu.yield
    }) : () -> ()
    %mul3A_34 = arith.constant 625 : i32
    %mul3A_35 = arith.muli %arg1, %mul3A_34 : i32
    %add3A_36 = arith.constant 160 : i32
    %add3A_37 = arith.addi %mul3A_35, %add3A_36 : i32
    "tpu.region"() ({
      %run_scoped3A = tpu.sem_alloc : memref<!tpu.dma_semaphore, #tpu.memory_space<semaphore_mem>>
      %dma_start3A = arith.constant 0 : i32
      %dma_start3A_94 = tpu.memref_slice %arg10[%add3A_37, %dma_start3A] : memref<10000x16xf32, #tpu.memory_space<vmem_shared>> -> memref<80x16xf32, #tpu.memory_space<vmem_shared>>
      %dma_start3A_95 = arith.constant 0 : i32
      %dma_start3A_96 = tpu.memref_slice %arg10[%add3A_37, %dma_start3A_95] : memref<10000x16xf32, #tpu.memory_space<vmem_shared>> -> memref<80x16xf32, #tpu.memory_space<vmem_shared>>
      tpu.enqueue_dma source(%arg16 : memref<80x16xf32, #tpu.memory_space<vmem>>) target(%dma_start3A_96 : memref<80x16xf32, #tpu.memory_space<vmem_shared>>) target_semaphore(%run_scoped3A : memref<!tpu.dma_semaphore, #tpu.memory_space<semaphore_mem>>)
      %dma_wait3A = arith.constant 0 : i32
      %dma_wait3A_97 = tpu.memref_slice %arg10[%add3A_37, %dma_wait3A] : memref<10000x16xf32, #tpu.memory_space<vmem_shared>> -> memref<80x16xf32, #tpu.memory_space<vmem_shared>>
      %dma_wait3A_98 = arith.constant 0 : i32
      %dma_wait3A_99 = tpu.memref_slice %arg10[%add3A_37, %dma_wait3A_98] : memref<10000x16xf32, #tpu.memory_space<vmem_shared>> -> memref<80x16xf32, #tpu.memory_space<vmem_shared>>
      tpu.wait_dma2 semaphore(%run_scoped3A : memref<!tpu.dma_semaphore, #tpu.memory_space<semaphore_mem>>) src(%arg16 : memref<80x16xf32, #tpu.memory_space<vmem>>) dst(%dma_wait3A_99 : memref<80x16xf32, #tpu.memory_space<vmem_shared>>)
      tpu.yield
    }) : () -> ()
    %mul3A_38 = arith.constant 625 : i32
    %mul3A_39 = arith.muli %arg1, %mul3A_38 : i32
    %add3A_40 = arith.constant 240 : i32
    %add3A_41 = arith.addi %mul3A_39, %add3A_40 : i32
    "tpu.region"() ({
      %run_scoped3A = tpu.sem_alloc : memref<!tpu.dma_semaphore, #tpu.memory_space<semaphore_mem>>
      %dma_start3A = arith.constant 0 : i32
      %dma_start3A_94 = tpu.memref_slice %arg9[%add3A_41, %dma_start3A] : memref<10000x64xf32, #tpu.memory_space<vmem_shared>> -> memref<80x64xf32, #tpu.memory_space<vmem_shared>>
      %dma_start3A_95 = arith.constant 0 : i32
      %dma_start3A_96 = tpu.memref_slice %arg9[%add3A_41, %dma_start3A_95] : memref<10000x64xf32, #tpu.memory_space<vmem_shared>> -> memref<80x64xf32, #tpu.memory_space<vmem_shared>>
      tpu.enqueue_dma source(%arg17 : memref<80x64xf32, #tpu.memory_space<vmem>>) target(%dma_start3A_96 : memref<80x64xf32, #tpu.memory_space<vmem_shared>>) target_semaphore(%run_scoped3A : memref<!tpu.dma_semaphore, #tpu.memory_space<semaphore_mem>>)
      %dma_wait3A = arith.constant 0 : i32
      %dma_wait3A_97 = tpu.memref_slice %arg9[%add3A_41, %dma_wait3A] : memref<10000x64xf32, #tpu.memory_space<vmem_shared>> -> memref<80x64xf32, #tpu.memory_space<vmem_shared>>
      %dma_wait3A_98 = arith.constant 0 : i32
      %dma_wait3A_99 = tpu.memref_slice %arg9[%add3A_41, %dma_wait3A_98] : memref<10000x64xf32, #tpu.memory_space<vmem_shared>> -> memref<80x64xf32, #tpu.memory_space<vmem_shared>>
      tpu.wait_dma2 semaphore(%run_scoped3A : memref<!tpu.dma_semaphore, #tpu.memory_space<semaphore_mem>>) src(%arg17 : memref<80x64xf32, #tpu.memory_space<vmem>>) dst(%dma_wait3A_99 : memref<80x64xf32, #tpu.memory_space<vmem_shared>>)
      tpu.yield
    }) : () -> ()
    %mul3A_42 = arith.constant 625 : i32
    %mul3A_43 = arith.muli %arg1, %mul3A_42 : i32
    %add3A_44 = arith.constant 240 : i32
    %add3A_45 = arith.addi %mul3A_43, %add3A_44 : i32
    "tpu.region"() ({
      %run_scoped3A = tpu.sem_alloc : memref<!tpu.dma_semaphore, #tpu.memory_space<semaphore_mem>>
      %dma_start3A = arith.constant 0 : i32
      %dma_start3A_94 = tpu.memref_slice %arg10[%add3A_45, %dma_start3A] : memref<10000x16xf32, #tpu.memory_space<vmem_shared>> -> memref<80x16xf32, #tpu.memory_space<vmem_shared>>
      %dma_start3A_95 = arith.constant 0 : i32
      %dma_start3A_96 = tpu.memref_slice %arg10[%add3A_45, %dma_start3A_95] : memref<10000x16xf32, #tpu.memory_space<vmem_shared>> -> memref<80x16xf32, #tpu.memory_space<vmem_shared>>
      tpu.enqueue_dma source(%arg16 : memref<80x16xf32, #tpu.memory_space<vmem>>) target(%dma_start3A_96 : memref<80x16xf32, #tpu.memory_space<vmem_shared>>) target_semaphore(%run_scoped3A : memref<!tpu.dma_semaphore, #tpu.memory_space<semaphore_mem>>)
      %dma_wait3A = arith.constant 0 : i32
      %dma_wait3A_97 = tpu.memref_slice %arg10[%add3A_45, %dma_wait3A] : memref<10000x16xf32, #tpu.memory_space<vmem_shared>> -> memref<80x16xf32, #tpu.memory_space<vmem_shared>>
      %dma_wait3A_98 = arith.constant 0 : i32
      %dma_wait3A_99 = tpu.memref_slice %arg10[%add3A_45, %dma_wait3A_98] : memref<10000x16xf32, #tpu.memory_space<vmem_shared>> -> memref<80x16xf32, #tpu.memory_space<vmem_shared>>
      tpu.wait_dma2 semaphore(%run_scoped3A : memref<!tpu.dma_semaphore, #tpu.memory_space<semaphore_mem>>) src(%arg16 : memref<80x16xf32, #tpu.memory_space<vmem>>) dst(%dma_wait3A_99 : memref<80x16xf32, #tpu.memory_space<vmem_shared>>)
      tpu.yield
    }) : () -> ()
    %mul3A_46 = arith.constant 625 : i32
    %mul3A_47 = arith.muli %arg1, %mul3A_46 : i32
    %add3A_48 = arith.constant 320 : i32
    %add3A_49 = arith.addi %mul3A_47, %add3A_48 : i32
    "tpu.region"() ({
      %run_scoped3A = tpu.sem_alloc : memref<!tpu.dma_semaphore, #tpu.memory_space<semaphore_mem>>
      %dma_start3A = arith.constant 0 : i32
      %dma_start3A_94 = tpu.memref_slice %arg9[%add3A_49, %dma_start3A] : memref<10000x64xf32, #tpu.memory_space<vmem_shared>> -> memref<80x64xf32, #tpu.memory_space<vmem_shared>>
      %dma_start3A_95 = arith.constant 0 : i32
      %dma_start3A_96 = tpu.memref_slice %arg9[%add3A_49, %dma_start3A_95] : memref<10000x64xf32, #tpu.memory_space<vmem_shared>> -> memref<80x64xf32, #tpu.memory_space<vmem_shared>>
      tpu.enqueue_dma source(%arg17 : memref<80x64xf32, #tpu.memory_space<vmem>>) target(%dma_start3A_96 : memref<80x64xf32, #tpu.memory_space<vmem_shared>>) target_semaphore(%run_scoped3A : memref<!tpu.dma_semaphore, #tpu.memory_space<semaphore_mem>>)
      %dma_wait3A = arith.constant 0 : i32
      %dma_wait3A_97 = tpu.memref_slice %arg9[%add3A_49, %dma_wait3A] : memref<10000x64xf32, #tpu.memory_space<vmem_shared>> -> memref<80x64xf32, #tpu.memory_space<vmem_shared>>
      %dma_wait3A_98 = arith.constant 0 : i32
      %dma_wait3A_99 = tpu.memref_slice %arg9[%add3A_49, %dma_wait3A_98] : memref<10000x64xf32, #tpu.memory_space<vmem_shared>> -> memref<80x64xf32, #tpu.memory_space<vmem_shared>>
      tpu.wait_dma2 semaphore(%run_scoped3A : memref<!tpu.dma_semaphore, #tpu.memory_space<semaphore_mem>>) src(%arg17 : memref<80x64xf32, #tpu.memory_space<vmem>>) dst(%dma_wait3A_99 : memref<80x64xf32, #tpu.memory_space<vmem_shared>>)
      tpu.yield
    }) : () -> ()
    %mul3A_50 = arith.constant 625 : i32
    %mul3A_51 = arith.muli %arg1, %mul3A_50 : i32
    %add3A_52 = arith.constant 320 : i32
    %add3A_53 = arith.addi %mul3A_51, %add3A_52 : i32
    "tpu.region"() ({
      %run_scoped3A = tpu.sem_alloc : memref<!tpu.dma_semaphore, #tpu.memory_space<semaphore_mem>>
      %dma_start3A = arith.constant 0 : i32
      %dma_start3A_94 = tpu.memref_slice %arg10[%add3A_53, %dma_start3A] : memref<10000x16xf32, #tpu.memory_space<vmem_shared>> -> memref<80x16xf32, #tpu.memory_space<vmem_shared>>
      %dma_start3A_95 = arith.constant 0 : i32
      %dma_start3A_96 = tpu.memref_slice %arg10[%add3A_53, %dma_start3A_95] : memref<10000x16xf32, #tpu.memory_space<vmem_shared>> -> memref<80x16xf32, #tpu.memory_space<vmem_shared>>
      tpu.enqueue_dma source(%arg16 : memref<80x16xf32, #tpu.memory_space<vmem>>) target(%dma_start3A_96 : memref<80x16xf32, #tpu.memory_space<vmem_shared>>) target_semaphore(%run_scoped3A : memref<!tpu.dma_semaphore, #tpu.memory_space<semaphore_mem>>)
      %dma_wait3A = arith.constant 0 : i32
      %dma_wait3A_97 = tpu.memref_slice %arg10[%add3A_53, %dma_wait3A] : memref<10000x16xf32, #tpu.memory_space<vmem_shared>> -> memref<80x16xf32, #tpu.memory_space<vmem_shared>>
      %dma_wait3A_98 = arith.constant 0 : i32
      %dma_wait3A_99 = tpu.memref_slice %arg10[%add3A_53, %dma_wait3A_98] : memref<10000x16xf32, #tpu.memory_space<vmem_shared>> -> memref<80x16xf32, #tpu.memory_space<vmem_shared>>
      tpu.wait_dma2 semaphore(%run_scoped3A : memref<!tpu.dma_semaphore, #tpu.memory_space<semaphore_mem>>) src(%arg16 : memref<80x16xf32, #tpu.memory_space<vmem>>) dst(%dma_wait3A_99 : memref<80x16xf32, #tpu.memory_space<vmem_shared>>)
      tpu.yield
    }) : () -> ()
    %mul3A_54 = arith.constant 625 : i32
    %mul3A_55 = arith.muli %arg1, %mul3A_54 : i32
    %add3A_56 = arith.constant 400 : i32
    %add3A_57 = arith.addi %mul3A_55, %add3A_56 : i32
    "tpu.region"() ({
      %run_scoped3A = tpu.sem_alloc : memref<!tpu.dma_semaphore, #tpu.memory_space<semaphore_mem>>
      %dma_start3A = arith.constant 0 : i32
      %dma_start3A_94 = tpu.memref_slice %arg9[%add3A_57, %dma_start3A] : memref<10000x64xf32, #tpu.memory_space<vmem_shared>> -> memref<80x64xf32, #tpu.memory_space<vmem_shared>>
      %dma_start3A_95 = arith.constant 0 : i32
      %dma_start3A_96 = tpu.memref_slice %arg9[%add3A_57, %dma_start3A_95] : memref<10000x64xf32, #tpu.memory_space<vmem_shared>> -> memref<80x64xf32, #tpu.memory_space<vmem_shared>>
      tpu.enqueue_dma source(%arg17 : memref<80x64xf32, #tpu.memory_space<vmem>>) target(%dma_start3A_96 : memref<80x64xf32, #tpu.memory_space<vmem_shared>>) target_semaphore(%run_scoped3A : memref<!tpu.dma_semaphore, #tpu.memory_space<semaphore_mem>>)
      %dma_wait3A = arith.constant 0 : i32
      %dma_wait3A_97 = tpu.memref_slice %arg9[%add3A_57, %dma_wait3A] : memref<10000x64xf32, #tpu.memory_space<vmem_shared>> -> memref<80x64xf32, #tpu.memory_space<vmem_shared>>
      %dma_wait3A_98 = arith.constant 0 : i32
      %dma_wait3A_99 = tpu.memref_slice %arg9[%add3A_57, %dma_wait3A_98] : memref<10000x64xf32, #tpu.memory_space<vmem_shared>> -> memref<80x64xf32, #tpu.memory_space<vmem_shared>>
      tpu.wait_dma2 semaphore(%run_scoped3A : memref<!tpu.dma_semaphore, #tpu.memory_space<semaphore_mem>>) src(%arg17 : memref<80x64xf32, #tpu.memory_space<vmem>>) dst(%dma_wait3A_99 : memref<80x64xf32, #tpu.memory_space<vmem_shared>>)
      tpu.yield
    }) : () -> ()
    %mul3A_58 = arith.constant 625 : i32
    %mul3A_59 = arith.muli %arg1, %mul3A_58 : i32
    %add3A_60 = arith.constant 400 : i32
    %add3A_61 = arith.addi %mul3A_59, %add3A_60 : i32
    "tpu.region"() ({
      %run_scoped3A = tpu.sem_alloc : memref<!tpu.dma_semaphore, #tpu.memory_space<semaphore_mem>>
      %dma_start3A = arith.constant 0 : i32
      %dma_start3A_94 = tpu.memref_slice %arg10[%add3A_61, %dma_start3A] : memref<10000x16xf32, #tpu.memory_space<vmem_shared>> -> memref<80x16xf32, #tpu.memory_space<vmem_shared>>
      %dma_start3A_95 = arith.constant 0 : i32
      %dma_start3A_96 = tpu.memref_slice %arg10[%add3A_61, %dma_start3A_95] : memref<10000x16xf32, #tpu.memory_space<vmem_shared>> -> memref<80x16xf32, #tpu.memory_space<vmem_shared>>
      tpu.enqueue_dma source(%arg16 : memref<80x16xf32, #tpu.memory_space<vmem>>) target(%dma_start3A_96 : memref<80x16xf32, #tpu.memory_space<vmem_shared>>) target_semaphore(%run_scoped3A : memref<!tpu.dma_semaphore, #tpu.memory_space<semaphore_mem>>)
      %dma_wait3A = arith.constant 0 : i32
      %dma_wait3A_97 = tpu.memref_slice %arg10[%add3A_61, %dma_wait3A] : memref<10000x16xf32, #tpu.memory_space<vmem_shared>> -> memref<80x16xf32, #tpu.memory_space<vmem_shared>>
      %dma_wait3A_98 = arith.constant 0 : i32
      %dma_wait3A_99 = tpu.memref_slice %arg10[%add3A_61, %dma_wait3A_98] : memref<10000x16xf32, #tpu.memory_space<vmem_shared>> -> memref<80x16xf32, #tpu.memory_space<vmem_shared>>
      tpu.wait_dma2 semaphore(%run_scoped3A : memref<!tpu.dma_semaphore, #tpu.memory_space<semaphore_mem>>) src(%arg16 : memref<80x16xf32, #tpu.memory_space<vmem>>) dst(%dma_wait3A_99 : memref<80x16xf32, #tpu.memory_space<vmem_shared>>)
      tpu.yield
    }) : () -> ()
    %mul3A_62 = arith.constant 625 : i32
    %mul3A_63 = arith.muli %arg1, %mul3A_62 : i32
    %add3A_64 = arith.constant 480 : i32
    %add3A_65 = arith.addi %mul3A_63, %add3A_64 : i32
    "tpu.region"() ({
      %run_scoped3A = tpu.sem_alloc : memref<!tpu.dma_semaphore, #tpu.memory_space<semaphore_mem>>
      %dma_start3A = arith.constant 0 : i32
      %dma_start3A_94 = tpu.memref_slice %arg9[%add3A_65, %dma_start3A] : memref<10000x64xf32, #tpu.memory_space<vmem_shared>> -> memref<80x64xf32, #tpu.memory_space<vmem_shared>>
      %dma_start3A_95 = arith.constant 0 : i32
      %dma_start3A_96 = tpu.memref_slice %arg9[%add3A_65, %dma_start3A_95] : memref<10000x64xf32, #tpu.memory_space<vmem_shared>> -> memref<80x64xf32, #tpu.memory_space<vmem_shared>>
      tpu.enqueue_dma source(%arg17 : memref<80x64xf32, #tpu.memory_space<vmem>>) target(%dma_start3A_96 : memref<80x64xf32, #tpu.memory_space<vmem_shared>>) target_semaphore(%run_scoped3A : memref<!tpu.dma_semaphore, #tpu.memory_space<semaphore_mem>>)
      %dma_wait3A = arith.constant 0 : i32
      %dma_wait3A_97 = tpu.memref_slice %arg9[%add3A_65, %dma_wait3A] : memref<10000x64xf32, #tpu.memory_space<vmem_shared>> -> memref<80x64xf32, #tpu.memory_space<vmem_shared>>
      %dma_wait3A_98 = arith.constant 0 : i32
      %dma_wait3A_99 = tpu.memref_slice %arg9[%add3A_65, %dma_wait3A_98] : memref<10000x64xf32, #tpu.memory_space<vmem_shared>> -> memref<80x64xf32, #tpu.memory_space<vmem_shared>>
      tpu.wait_dma2 semaphore(%run_scoped3A : memref<!tpu.dma_semaphore, #tpu.memory_space<semaphore_mem>>) src(%arg17 : memref<80x64xf32, #tpu.memory_space<vmem>>) dst(%dma_wait3A_99 : memref<80x64xf32, #tpu.memory_space<vmem_shared>>)
      tpu.yield
    }) : () -> ()
    %mul3A_66 = arith.constant 625 : i32
    %mul3A_67 = arith.muli %arg1, %mul3A_66 : i32
    %add3A_68 = arith.constant 480 : i32
    %add3A_69 = arith.addi %mul3A_67, %add3A_68 : i32
    "tpu.region"() ({
      %run_scoped3A = tpu.sem_alloc : memref<!tpu.dma_semaphore, #tpu.memory_space<semaphore_mem>>
      %dma_start3A = arith.constant 0 : i32
      %dma_start3A_94 = tpu.memref_slice %arg10[%add3A_69, %dma_start3A] : memref<10000x16xf32, #tpu.memory_space<vmem_shared>> -> memref<80x16xf32, #tpu.memory_space<vmem_shared>>
      %dma_start3A_95 = arith.constant 0 : i32
      %dma_start3A_96 = tpu.memref_slice %arg10[%add3A_69, %dma_start3A_95] : memref<10000x16xf32, #tpu.memory_space<vmem_shared>> -> memref<80x16xf32, #tpu.memory_space<vmem_shared>>
      tpu.enqueue_dma source(%arg16 : memref<80x16xf32, #tpu.memory_space<vmem>>) target(%dma_start3A_96 : memref<80x16xf32, #tpu.memory_space<vmem_shared>>) target_semaphore(%run_scoped3A : memref<!tpu.dma_semaphore, #tpu.memory_space<semaphore_mem>>)
      %dma_wait3A = arith.constant 0 : i32
      %dma_wait3A_97 = tpu.memref_slice %arg10[%add3A_69, %dma_wait3A] : memref<10000x16xf32, #tpu.memory_space<vmem_shared>> -> memref<80x16xf32, #tpu.memory_space<vmem_shared>>
      %dma_wait3A_98 = arith.constant 0 : i32
      %dma_wait3A_99 = tpu.memref_slice %arg10[%add3A_69, %dma_wait3A_98] : memref<10000x16xf32, #tpu.memory_space<vmem_shared>> -> memref<80x16xf32, #tpu.memory_space<vmem_shared>>
      tpu.wait_dma2 semaphore(%run_scoped3A : memref<!tpu.dma_semaphore, #tpu.memory_space<semaphore_mem>>) src(%arg16 : memref<80x16xf32, #tpu.memory_space<vmem>>) dst(%dma_wait3A_99 : memref<80x16xf32, #tpu.memory_space<vmem_shared>>)
      tpu.yield
    }) : () -> ()
    %mul3A_70 = arith.constant 625 : i32
    %mul3A_71 = arith.muli %arg1, %mul3A_70 : i32
    %add3A_72 = arith.constant 560 : i32
    %add3A_73 = arith.addi %mul3A_71, %add3A_72 : i32
    "tpu.region"() ({
      %run_scoped3A = tpu.sem_alloc : memref<!tpu.dma_semaphore, #tpu.memory_space<semaphore_mem>>
      %dma_start3A = arith.constant 0 : i32
      %dma_start3A_94 = arith.constant 0 : i32
      %dma_start3A_95 = tpu.memref_slice %arg17[%dma_start3A, %dma_start3A_94] : memref<80x64xf32, #tpu.memory_space<vmem>> -> memref<65x64xf32, #tpu.memory_space<vmem>>
      %dma_start3A_96 = arith.constant 0 : i32
      %dma_start3A_97 = tpu.memref_slice %arg9[%add3A_73, %dma_start3A_96] : memref<10000x64xf32, #tpu.memory_space<vmem_shared>> -> memref<65x64xf32, #tpu.memory_space<vmem_shared>>
      %dma_start3A_98 = arith.constant 0 : i32
      %dma_start3A_99 = tpu.memref_slice %arg9[%add3A_73, %dma_start3A_98] : memref<10000x64xf32, #tpu.memory_space<vmem_shared>> -> memref<65x64xf32, #tpu.memory_space<vmem_shared>>
      %dma_start3A_100 = arith.constant 0 : i32
      %dma_start3A_101 = arith.constant 0 : i32
      %dma_start3A_102 = tpu.memref_slice %arg17[%dma_start3A_100, %dma_start3A_101] : memref<80x64xf32, #tpu.memory_space<vmem>> -> memref<65x64xf32, #tpu.memory_space<vmem>>
      tpu.enqueue_dma source(%dma_start3A_102 : memref<65x64xf32, #tpu.memory_space<vmem>>) target(%dma_start3A_99 : memref<65x64xf32, #tpu.memory_space<vmem_shared>>) target_semaphore(%run_scoped3A : memref<!tpu.dma_semaphore, #tpu.memory_space<semaphore_mem>>)
      %dma_wait3A = arith.constant 0 : i32
      %dma_wait3A_103 = arith.constant 0 : i32
      %dma_wait3A_104 = tpu.memref_slice %arg17[%dma_wait3A, %dma_wait3A_103] : memref<80x64xf32, #tpu.memory_space<vmem>> -> memref<65x64xf32, #tpu.memory_space<vmem>>
      %dma_wait3A_105 = arith.constant 0 : i32
      %dma_wait3A_106 = tpu.memref_slice %arg9[%add3A_73, %dma_wait3A_105] : memref<10000x64xf32, #tpu.memory_space<vmem_shared>> -> memref<65x64xf32, #tpu.memory_space<vmem_shared>>
      %dma_wait3A_107 = arith.constant 0 : i32
      %dma_wait3A_108 = tpu.memref_slice %arg9[%add3A_73, %dma_wait3A_107] : memref<10000x64xf32, #tpu.memory_space<vmem_shared>> -> memref<65x64xf32, #tpu.memory_space<vmem_shared>>
      %dma_wait3A_109 = arith.constant 0 : i32
      %dma_wait3A_110 = arith.constant 0 : i32
      %dma_wait3A_111 = tpu.memref_slice %arg17[%dma_wait3A_109, %dma_wait3A_110] : memref<80x64xf32, #tpu.memory_space<vmem>> -> memref<65x64xf32, #tpu.memory_space<vmem>>
      tpu.wait_dma2 semaphore(%run_scoped3A : memref<!tpu.dma_semaphore, #tpu.memory_space<semaphore_mem>>) src(%dma_wait3A_111 : memref<65x64xf32, #tpu.memory_space<vmem>>) dst(%dma_wait3A_108 : memref<65x64xf32, #tpu.memory_space<vmem_shared>>)
      tpu.yield
    }) : () -> ()
    "tpu.region"() ({
      %run_scoped3A = tpu.sem_alloc : memref<!tpu.dma_semaphore, #tpu.memory_space<semaphore_mem>>
      %dma_start3A = arith.constant 0 : i32
      %dma_start3A_94 = arith.constant 0 : i32
      %dma_start3A_95 = tpu.memref_slice %arg16[%dma_start3A, %dma_start3A_94] : memref<80x16xf32, #tpu.memory_space<vmem>> -> memref<65x16xf32, #tpu.memory_space<vmem>>
      %dma_start3A_96 = arith.constant 0 : i32
      %dma_start3A_97 = tpu.memref_slice %arg10[%add3A_73, %dma_start3A_96] : memref<10000x16xf32, #tpu.memory_space<vmem_shared>> -> memref<65x16xf32, #tpu.memory_space<vmem_shared>>
      %dma_start3A_98 = arith.constant 0 : i32
      %dma_start3A_99 = tpu.memref_slice %arg10[%add3A_73, %dma_start3A_98] : memref<10000x16xf32, #tpu.memory_space<vmem_shared>> -> memref<65x16xf32, #tpu.memory_space<vmem_shared>>
      %dma_start3A_100 = arith.constant 0 : i32
      %dma_start3A_101 = arith.constant 0 : i32
      %dma_start3A_102 = tpu.memref_slice %arg16[%dma_start3A_100, %dma_start3A_101] : memref<80x16xf32, #tpu.memory_space<vmem>> -> memref<65x16xf32, #tpu.memory_space<vmem>>
      tpu.enqueue_dma source(%dma_start3A_102 : memref<65x16xf32, #tpu.memory_space<vmem>>) target(%dma_start3A_99 : memref<65x16xf32, #tpu.memory_space<vmem_shared>>) target_semaphore(%run_scoped3A : memref<!tpu.dma_semaphore, #tpu.memory_space<semaphore_mem>>)
      %dma_wait3A = arith.constant 0 : i32
      %dma_wait3A_103 = arith.constant 0 : i32
      %dma_wait3A_104 = tpu.memref_slice %arg16[%dma_wait3A, %dma_wait3A_103] : memref<80x16xf32, #tpu.memory_space<vmem>> -> memref<65x16xf32, #tpu.memory_space<vmem>>
      %dma_wait3A_105 = arith.constant 0 : i32
      %dma_wait3A_106 = tpu.memref_slice %arg10[%add3A_73, %dma_wait3A_105] : memref<10000x16xf32, #tpu.memory_space<vmem_shared>> -> memref<65x16xf32, #tpu.memory_space<vmem_shared>>
      %dma_wait3A_107 = arith.constant 0 : i32
      %dma_wait3A_108 = tpu.memref_slice %arg10[%add3A_73, %dma_wait3A_107] : memref<10000x16xf32, #tpu.memory_space<vmem_shared>> -> memref<65x16xf32, #tpu.memory_space<vmem_shared>>
      %dma_wait3A_109 = arith.constant 0 : i32
      %dma_wait3A_110 = arith.constant 0 : i32
      %dma_wait3A_111 = tpu.memref_slice %arg16[%dma_wait3A_109, %dma_wait3A_110] : memref<80x16xf32, #tpu.memory_space<vmem>> -> memref<65x16xf32, #tpu.memory_space<vmem>>
      tpu.wait_dma2 semaphore(%run_scoped3A : memref<!tpu.dma_semaphore, #tpu.memory_space<semaphore_mem>>) src(%dma_wait3A_111 : memref<65x16xf32, #tpu.memory_space<vmem>>) dst(%dma_wait3A_108 : memref<65x16xf32, #tpu.memory_space<vmem_shared>>)
      tpu.yield
    }) : () -> ()
    %barrier3A = arith.constant 0 : index
    tpu.barrier barrier_id(%barrier3A)
    %mul3A_74 = arith.constant 2 : i32
    %mul3A_75 = arith.muli %arg1, %mul3A_74 : i32
    %add3A_76 = arith.addi %mul3A_75, %arg0 : i32
    %scan3A_77 = arith.constant 0 : i32
    %scan3A_78 = arith.constant 0 : i32
    %scan3A_79 = arith.constant 125 : i32
    %scan3A_80 = arith.addi %scan3A_78, %scan3A_79 : i32
    %scan3A_81 = arith.constant 1 : i32
    %scan3A_82 = scf.for %scan3A_94 = %scan3A_78 to %scan3A_80 step %scan3A_81 iter_args(%scan3A_95 = %scan3A_77) -> (i32)  : i32 {
      %mul3A_96 = arith.constant 10000 : i32
      %mul3A_97 = arith.muli %add3A_76, %mul3A_96 : i32
      %mul3A_98 = arith.constant 80 : i32
      %mul3A_99 = arith.muli %scan3A_94, %mul3A_98 : i32
      %add3A_100 = arith.addi %mul3A_97, %mul3A_99 : i32
      "tpu.region"() ({
        %run_scoped3A = tpu.sem_alloc : memref<!tpu.dma_semaphore, #tpu.memory_space<semaphore_mem>>
        %dma_start3A_132 = tpu.memref_slice %arg2[%add3A_100] : memref<320000xi32, #tpu.memory_space<hbm>> -> memref<80xi32, #tpu.memory_space<hbm>>
        %dma_start3A_133 = tpu.memref_slice %arg2[%add3A_100] : memref<320000xi32, #tpu.memory_space<hbm>> -> memref<80xi32, #tpu.memory_space<hbm>>
        tpu.enqueue_dma source(%dma_start3A_133 : memref<80xi32, #tpu.memory_space<hbm>>) target(%arg11 : memref<80xi32, #tpu.memory_space<vmem>>) target_semaphore(%run_scoped3A : memref<!tpu.dma_semaphore, #tpu.memory_space<semaphore_mem>>)
        %dma_wait3A_134 = tpu.memref_slice %arg2[%add3A_100] : memref<320000xi32, #tpu.memory_space<hbm>> -> memref<80xi32, #tpu.memory_space<hbm>>
        %dma_wait3A_135 = tpu.memref_slice %arg2[%add3A_100] : memref<320000xi32, #tpu.memory_space<hbm>> -> memref<80xi32, #tpu.memory_space<hbm>>
        tpu.wait_dma2 semaphore(%run_scoped3A : memref<!tpu.dma_semaphore, #tpu.memory_space<semaphore_mem>>) src(%dma_wait3A_135 : memref<80xi32, #tpu.memory_space<hbm>>) dst(%arg11 : memref<80xi32, #tpu.memory_space<vmem>>)
        tpu.yield
      }) : () -> ()
      "tpu.region"() ({
        %run_scoped3A = tpu.sem_alloc : memref<!tpu.dma_semaphore, #tpu.memory_space<semaphore_mem>>
        %dma_start3A_132 = tpu.memref_slice %arg3[%add3A_100] : memref<320000xi32, #tpu.memory_space<hbm>> -> memref<80xi32, #tpu.memory_space<hbm>>
        %dma_start3A_133 = tpu.memref_slice %arg3[%add3A_100] : memref<320000xi32, #tpu.memory_space<hbm>> -> memref<80xi32, #tpu.memory_space<hbm>>
        tpu.enqueue_dma source(%dma_start3A_133 : memref<80xi32, #tpu.memory_space<hbm>>) target(%arg12 : memref<80xi32, #tpu.memory_space<vmem>>) target_semaphore(%run_scoped3A : memref<!tpu.dma_semaphore, #tpu.memory_space<semaphore_mem>>)
        %dma_wait3A_134 = tpu.memref_slice %arg3[%add3A_100] : memref<320000xi32, #tpu.memory_space<hbm>> -> memref<80xi32, #tpu.memory_space<hbm>>
        %dma_wait3A_135 = tpu.memref_slice %arg3[%add3A_100] : memref<320000xi32, #tpu.memory_space<hbm>> -> memref<80xi32, #tpu.memory_space<hbm>>
        tpu.wait_dma2 semaphore(%run_scoped3A : memref<!tpu.dma_semaphore, #tpu.memory_space<semaphore_mem>>) src(%dma_wait3A_135 : memref<80xi32, #tpu.memory_space<hbm>>) dst(%arg12 : memref<80xi32, #tpu.memory_space<vmem>>)
        tpu.yield
      }) : () -> ()
      %dma_start3A = arith.constant 0 : i32
      %dma_start3A_101 = arith.constant 0 : i32
      %dma_start3A_102 = tpu.memref_slice %arg5[%dma_start3A, %dma_start3A_101] : memref<10000x16xf32, #tpu.memory_space<hbm>> -> memref<10000x16xf32, #tpu.memory_space<hbm>>
      tpu.enqueue_indirect_dma source(%dma_start3A_102 : memref<10000x16xf32, #tpu.memory_space<hbm>>) target(%arg14 : memref<80x16xf32, #tpu.memory_space<vmem>>) offsets(%arg11 : memref<80xi32, #tpu.memory_space<vmem>>) semaphore(%arg18 : memref<!tpu.dma_semaphore, #tpu.memory_space<semaphore_mem>>)
      %dma_start3A_103 = arith.constant 0 : i32
      %dma_start3A_104 = arith.constant 0 : i32
      %dma_start3A_105 = tpu.memref_slice %arg6[%dma_start3A_103, %dma_start3A_104] : memref<10000x16xf32, #tpu.memory_space<hbm>> -> memref<10000x16xf32, #tpu.memory_space<hbm>>
      tpu.enqueue_indirect_dma source(%dma_start3A_105 : memref<10000x16xf32, #tpu.memory_space<hbm>>) target(%arg15 : memref<80x16xf32, #tpu.memory_space<vmem>>) offsets(%arg12 : memref<80xi32, #tpu.memory_space<vmem>>) semaphore(%arg19 : memref<!tpu.dma_semaphore, #tpu.memory_space<semaphore_mem>>)
      %dma_start3A_106 = arith.constant 0 : i32
      %dma_start3A_107 = arith.constant 0 : i32
      %dma_start3A_108 = tpu.memref_slice %arg4[%dma_start3A_106, %dma_start3A_107] : memref<10000x64xf32, #tpu.memory_space<hbm>> -> memref<10000x64xf32, #tpu.memory_space<hbm>>
      tpu.enqueue_indirect_dma source(%dma_start3A_108 : memref<10000x64xf32, #tpu.memory_space<hbm>>) target(%arg17 : memref<80x64xf32, #tpu.memory_space<vmem>>) offsets(%arg11 : memref<80xi32, #tpu.memory_space<vmem>>) semaphore(%arg20 : memref<!tpu.dma_semaphore, #tpu.memory_space<semaphore_mem>>)
      %dma_wait3A = arith.constant 0 : i32
      %dma_wait3A_109 = arith.constant 0 : i32
      %dma_wait3A_110 = tpu.memref_slice %arg5[%dma_wait3A, %dma_wait3A_109] : memref<10000x16xf32, #tpu.memory_space<hbm>> -> memref<10000x16xf32, #tpu.memory_space<hbm>>
      tpu.wait_indirect_dma semaphore(%arg18 : memref<!tpu.dma_semaphore, #tpu.memory_space<semaphore_mem>>) src(%dma_wait3A_110 : memref<10000x16xf32, #tpu.memory_space<hbm>>) dst(%arg14 : memref<80x16xf32, #tpu.memory_space<vmem>>)
      %dma_wait3A_111 = arith.constant 0 : i32
      %dma_wait3A_112 = arith.constant 0 : i32
      %dma_wait3A_113 = tpu.memref_slice %arg6[%dma_wait3A_111, %dma_wait3A_112] : memref<10000x16xf32, #tpu.memory_space<hbm>> -> memref<10000x16xf32, #tpu.memory_space<hbm>>
      tpu.wait_indirect_dma semaphore(%arg19 : memref<!tpu.dma_semaphore, #tpu.memory_space<semaphore_mem>>) src(%dma_wait3A_113 : memref<10000x16xf32, #tpu.memory_space<hbm>>) dst(%arg15 : memref<80x16xf32, #tpu.memory_space<vmem>>)
      %scan3A_114 = arith.constant 0 : i32
      %scan3A_115 = arith.constant 0 : i32
      %scan3A_116 = arith.constant 80 : i32
      %scan3A_117 = arith.addi %scan3A_115, %scan3A_116 : i32
      %scan3A_118 = arith.constant 1 : i32
      %scan3A_119 = scf.for %scan3A_132 = %scan3A_115 to %scan3A_117 step %scan3A_118 iter_args(%scan3A_133 = %scan3A_114) -> (i32)  : i32 {
        %get3A = arith.index_cast %scan3A_132 : i32 to index
        %get3A_134 = arith.constant 0 : index
        %get3A_135 = tpu.vector_load %arg14[%get3A, %get3A_134] {strides = array<i32>} : memref<80x16xf32, #tpu.memory_space<vmem>>, vector<1x16xf32>,
        %get3A_136 = vector.shape_cast %get3A_135 : vector<1x16xf32> to vector<16xf32>
        %get3A_137 = arith.index_cast %scan3A_132 : i32 to index
        %get3A_138 = arith.constant 0 : index
        %get3A_139 = tpu.vector_load %arg15[%get3A_137, %get3A_138] {strides = array<i32>} : memref<80x16xf32, #tpu.memory_space<vmem>>, vector<1x16xf32>,
        %get3A_140 = vector.shape_cast %get3A_139 : vector<1x16xf32> to vector<16xf32>
        %add3A_141 = arith.addf %get3A_136, %get3A_140 : vector<16xf32>
        %ge3A = arith.constant 0.000000e+00 : f32
        %ge3A_142 = vector.broadcast %ge3A : f32 to vector<16xf32>
        %ge3A_143 = arith.cmpf oge, %add3A_141, %ge3A_142 : vector<16xf32>
        %mul3A_144 = arith.constant 2.000000e-01 : f32
        %mul3A_145 = vector.broadcast %mul3A_144 : f32 to vector<16xf32>
        %mul3A_146 = arith.mulf %mul3A_145, %add3A_141 : vector<16xf32>
        %select_n3A = arith.select %ge3A_143, %add3A_141, %mul3A_146 : vector<16xi1>, vector<16xf32>
        %exp3A = math.exp %select_n3A : vector<16xf32>
        %swap3A = arith.index_cast %scan3A_132 : i32 to index
        %swap3A_147 = arith.constant 0 : index
        %swap3A_148 = tpu.vector_load %arg16[%swap3A, %swap3A_147] {strides = array<i32>} : memref<80x16xf32, #tpu.memory_space<vmem>>, vector<1x16xf32>,
        %swap3A_149 = vector.shape_cast %swap3A_148 : vector<1x16xf32> to vector<16xf32>
        %swap3A_150 = vector.shape_cast %exp3A : vector<16xf32> to vector<1x16xf32>
        tpu.vector_store %arg16[%swap3A, %swap3A_147], %swap3A_150 {strides = array<i32>} : memref<80x16xf32, #tpu.memory_space<vmem>>, vector<1x16xf32>,
        %scan3A_151 = arith.constant 0 : i32
        scf.yield %scan3A_151 : i32
      }
      %scan3A_120 = arith.constant 80 : i32
      "tpu.region"() ({
        %run_scoped3A = tpu.sem_alloc : memref<!tpu.dma_semaphore, #tpu.memory_space<semaphore_mem>>
        %dma_start3A_132 = arith.constant 0 : i32
        %dma_start3A_133 = arith.constant 0 : i32
        %dma_start3A_134 = tpu.memref_slice %arg10[%dma_start3A_132, %dma_start3A_133] : memref<10000x16xf32, #tpu.memory_space<vmem_shared>> -> memref<10000x16xf32, #tpu.memory_space<vmem_shared>>
        tpu.enqueue_indirect_dma source(%arg16 : memref<80x16xf32, #tpu.memory_space<vmem>>) target(%dma_start3A_134 : memref<10000x16xf32, #tpu.memory_space<vmem_shared>>) offsets(%arg12 : memref<80xi32, #tpu.memory_space<vmem>>) semaphore(%run_scoped3A : memref<!tpu.dma_semaphore, #tpu.memory_space<semaphore_mem>>) {add = true}
        %dma_wait3A_135 = arith.constant 0 : i32
        %dma_wait3A_136 = arith.constant 0 : i32
        %dma_wait3A_137 = tpu.memref_slice %arg10[%dma_wait3A_135, %dma_wait3A_136] : memref<10000x16xf32, #tpu.memory_space<vmem_shared>> -> memref<10000x16xf32, #tpu.memory_space<vmem_shared>>
        tpu.wait_indirect_dma semaphore(%run_scoped3A : memref<!tpu.dma_semaphore, #tpu.memory_space<semaphore_mem>>) src(%arg16 : memref<80x16xf32, #tpu.memory_space<vmem>>) dst(%dma_wait3A_137 : memref<10000x16xf32, #tpu.memory_space<vmem_shared>>)
        tpu.yield
      }) : () -> ()
      %dma_wait3A_121 = arith.constant 0 : i32
      %dma_wait3A_122 = arith.constant 0 : i32
      %dma_wait3A_123 = tpu.memref_slice %arg4[%dma_wait3A_121, %dma_wait3A_122] : memref<10000x64xf32, #tpu.memory_space<hbm>> -> memref<10000x64xf32, #tpu.memory_space<hbm>>
      tpu.wait_indirect_dma semaphore(%arg20 : memref<!tpu.dma_semaphore, #tpu.memory_space<semaphore_mem>>) src(%dma_wait3A_123 : memref<10000x64xf32, #tpu.memory_space<hbm>>) dst(%arg17 : memref<80x64xf32, #tpu.memory_space<vmem>>)
      %scan3A_124 = arith.constant 0 : i32
      %scan3A_125 = arith.constant 0 : i32
      %scan3A_126 = arith.constant 80 : i32
      %scan3A_127 = arith.addi %scan3A_125, %scan3A_126 : i32
      %scan3A_128 = arith.constant 1 : i32
      %scan3A_129 = scf.for %scan3A_132 = %scan3A_125 to %scan3A_127 step %scan3A_128 iter_args(%scan3A_133 = %scan3A_124) -> (i32)  : i32 {
        %get3A = arith.index_cast %scan3A_132 : i32 to index
        %get3A_134 = arith.constant 0 : index
        %get3A_135 = tpu.vector_load %arg16[%get3A, %get3A_134] {strides = array<i32>} : memref<80x16xf32, #tpu.memory_space<vmem>>, vector<1x16xf32>,
        %get3A_136 = vector.shape_cast %get3A_135 : vector<1x16xf32> to vector<16xf32>
        %slice3A = vector.extract_strided_slice %get3A_136 {offsets = [0], sizes = [1], strides = [1]} : vector<16xf32> to vector<1xf32>
        %squeeze3A = vector.extract %slice3A[0] : f32 from vector<1xf32>
        %get3A_137 = arith.index_cast %scan3A_132 : i32 to index
        %get3A_138 = arith.constant 0 : index
        %get3A_139 = tpu.vector_load %arg17[%get3A_137, %get3A_138] {strides = array<i32>} : memref<80x64xf32, #tpu.memory_space<vmem>>, vector<1x16xf32>,
        %get3A_140 = vector.shape_cast %get3A_139 : vector<1x16xf32> to vector<16xf32>
        %mul3A_141 = vector.broadcast %squeeze3A : f32 to vector<16xf32>
        %mul3A_142 = arith.mulf %get3A_140, %mul3A_141 : vector<16xf32>
        %swap3A = arith.index_cast %scan3A_132 : i32 to index
        %swap3A_143 = arith.constant 0 : index
        %swap3A_144 = tpu.vector_load %arg17[%swap3A, %swap3A_143] {strides = array<i32>} : memref<80x64xf32, #tpu.memory_space<vmem>>, vector<1x16xf32>,
        %swap3A_145 = vector.shape_cast %swap3A_144 : vector<1x16xf32> to vector<16xf32>
        %swap3A_146 = vector.shape_cast %mul3A_142 : vector<16xf32> to vector<1x16xf32>
        tpu.vector_store %arg17[%swap3A, %swap3A_143], %swap3A_146 {strides = array<i32>} : memref<80x64xf32, #tpu.memory_space<vmem>>, vector<1x16xf32>,
        %slice3A_147 = vector.extract_strided_slice %get3A_136 {offsets = [0], sizes = [1], strides = [1]} : vector<16xf32> to vector<1xf32>
        %squeeze3A_148 = vector.extract %slice3A_147[0] : f32 from vector<1xf32>
        %get3A_149 = arith.index_cast %scan3A_132 : i32 to index
        %get3A_150 = arith.constant 16 : index
        %get3A_151 = tpu.vector_load %arg17[%get3A_149, %get3A_150] {strides = array<i32>} : memref<80x64xf32, #tpu.memory_space<vmem>>, vector<1x16xf32>,
        %get3A_152 = vector.shape_cast %get3A_151 : vector<1x16xf32> to vector<16xf32>
        %mul3A_153 = vector.broadcast %squeeze3A_148 : f32 to vector<16xf32>
        %mul3A_154 = arith.mulf %get3A_152, %mul3A_153 : vector<16xf32>
        %swap3A_155 = arith.index_cast %scan3A_132 : i32 to index
        %swap3A_156 = arith.constant 16 : index
        %swap3A_157 = tpu.vector_load %arg17[%swap3A_155, %swap3A_156] {strides = array<i32>} : memref<80x64xf32, #tpu.memory_space<vmem>>, vector<1x16xf32>,
        %swap3A_158 = vector.shape_cast %swap3A_157 : vector<1x16xf32> to vector<16xf32>
        %swap3A_159 = vector.shape_cast %mul3A_154 : vector<16xf32> to vector<1x16xf32>
        tpu.vector_store %arg17[%swap3A_155, %swap3A_156], %swap3A_159 {strides = array<i32>} : memref<80x64xf32, #tpu.memory_space<vmem>>, vector<1x16xf32>,
        %slice3A_160 = vector.extract_strided_slice %get3A_136 {offsets = [0], sizes = [1], strides = [1]} : vector<16xf32> to vector<1xf32>
        %squeeze3A_161 = vector.extract %slice3A_160[0] : f32 from vector<1xf32>
        %get3A_162 = arith.index_cast %scan3A_132 : i32 to index
        %get3A_163 = arith.constant 32 : index
        %get3A_164 = tpu.vector_load %arg17[%get3A_162, %get3A_163] {strides = array<i32>} : memref<80x64xf32, #tpu.memory_space<vmem>>, vector<1x16xf32>,
        %get3A_165 = vector.shape_cast %get3A_164 : vector<1x16xf32> to vector<16xf32>
        %mul3A_166 = vector.broadcast %squeeze3A_161 : f32 to vector<16xf32>
        %mul3A_167 = arith.mulf %get3A_165, %mul3A_166 : vector<16xf32>
        %swap3A_168 = arith.index_cast %scan3A_132 : i32 to index
        %swap3A_169 = arith.constant 32 : index
        %swap3A_170 = tpu.vector_load %arg17[%swap3A_168, %swap3A_169] {strides = array<i32>} : memref<80x64xf32, #tpu.memory_space<vmem>>, vector<1x16xf32>,
        %swap3A_171 = vector.shape_cast %swap3A_170 : vector<1x16xf32> to vector<16xf32>
        %swap3A_172 = vector.shape_cast %mul3A_167 : vector<16xf32> to vector<1x16xf32>
        tpu.vector_store %arg17[%swap3A_168, %swap3A_169], %swap3A_172 {strides = array<i32>} : memref<80x64xf32, #tpu.memory_space<vmem>>, vector<1x16xf32>,
        %slice3A_173 = vector.extract_strided_slice %get3A_136 {offsets = [0], sizes = [1], strides = [1]} : vector<16xf32> to vector<1xf32>
        %squeeze3A_174 = vector.extract %slice3A_173[0] : f32 from vector<1xf32>
        %get3A_175 = arith.index_cast %scan3A_132 : i32 to index
        %get3A_176 = arith.constant 48 : index
        %get3A_177 = tpu.vector_load %arg17[%get3A_175, %get3A_176] {strides = array<i32>} : memref<80x64xf32, #tpu.memory_space<vmem>>, vector<1x16xf32>,
        %get3A_178 = vector.shape_cast %get3A_177 : vector<1x16xf32> to vector<16xf32>
        %mul3A_179 = vector.broadcast %squeeze3A_174 : f32 to vector<16xf32>
        %mul3A_180 = arith.mulf %get3A_178, %mul3A_179 : vector<16xf32>
        %swap3A_181 = arith.index_cast %scan3A_132 : i32 to index
        %swap3A_182 = arith.constant 48 : index
        %swap3A_183 = tpu.vector_load %arg17[%swap3A_181, %swap3A_182] {strides = array<i32>} : memref<80x64xf32, #tpu.memory_space<vmem>>, vector<1x16xf32>,
        %swap3A_184 = vector.shape_cast %swap3A_183 : vector<1x16xf32> to vector<16xf32>
        %swap3A_185 = vector.shape_cast %mul3A_180 : vector<16xf32> to vector<1x16xf32>
        tpu.vector_store %arg17[%swap3A_181, %swap3A_182], %swap3A_185 {strides = array<i32>} : memref<80x64xf32, #tpu.memory_space<vmem>>, vector<1x16xf32>,
        %scan3A_186 = arith.constant 0 : i32
        scf.yield %scan3A_186 : i32
      }
      %scan3A_130 = arith.constant 80 : i32
      "tpu.region"() ({
        %run_scoped3A = tpu.sem_alloc : memref<!tpu.dma_semaphore, #tpu.memory_space<semaphore_mem>>
        %dma_start3A_132 = arith.constant 0 : i32
        %dma_start3A_133 = arith.constant 0 : i32
        %dma_start3A_134 = tpu.memref_slice %arg9[%dma_start3A_132, %dma_start3A_133] : memref<10000x64xf32, #tpu.memory_space<vmem_shared>> -> memref<10000x64xf32, #tpu.memory_space<vmem_shared>>
        tpu.enqueue_indirect_dma source(%arg17 : memref<80x64xf32, #tpu.memory_space<vmem>>) target(%dma_start3A_134 : memref<10000x64xf32, #tpu.memory_space<vmem_shared>>) offsets(%arg12 : memref<80xi32, #tpu.memory_space<vmem>>) semaphore(%run_scoped3A : memref<!tpu.dma_semaphore, #tpu.memory_space<semaphore_mem>>) {add = true}
        %dma_wait3A_135 = arith.constant 0 : i32
        %dma_wait3A_136 = arith.constant 0 : i32
        %dma_wait3A_137 = tpu.memref_slice %arg9[%dma_wait3A_135, %dma_wait3A_136] : memref<10000x64xf32, #tpu.memory_space<vmem_shared>> -> memref<10000x64xf32, #tpu.memory_space<vmem_shared>>
        tpu.wait_indirect_dma semaphore(%run_scoped3A : memref<!tpu.dma_semaphore, #tpu.memory_space<semaphore_mem>>) src(%arg17 : memref<80x64xf32, #tpu.memory_space<vmem>>) dst(%dma_wait3A_137 : memref<10000x64xf32, #tpu.memory_space<vmem_shared>>)
        tpu.yield
      }) : () -> ()
      %scan3A_131 = arith.constant 0 : i32
      scf.yield %scan3A_131 : i32
    }
    %scan3A_83 = arith.constant 125 : i32
    %barrier3A_84 = arith.constant 0 : index
    tpu.barrier barrier_id(%barrier3A_84)
    %mul3A_85 = arith.constant 10000 : i32
    %mul3A_86 = arith.muli %arg0, %mul3A_85 : i32
    %mul3A_87 = arith.constant 625 : i32
    %mul3A_88 = arith.muli %arg1, %mul3A_87 : i32
    %add3A_89 = arith.addi %mul3A_86, %mul3A_88 : i32
    %mul3A_90 = arith.constant 625 : i32
    %mul3A_91 = arith.muli %arg1, %mul3A_90 : i32
    "tpu.region"() ({
      %run_scoped3A = tpu.sem_alloc : memref<!tpu.dma_semaphore, #tpu.memory_space<semaphore_mem>>
      %dma_start3A = arith.constant 0 : i32
      %dma_start3A_94 = tpu.memref_slice %arg7[%add3A_89, %dma_start3A] : memref<20000x64xf32, #tpu.memory_space<hbm>> -> memref<625x64xf32, #tpu.memory_space<hbm>>
      %dma_start3A_95 = arith.constant 0 : i32
      %dma_start3A_96 = tpu.memref_slice %arg9[%mul3A_91, %dma_start3A_95] : memref<10000x64xf32, #tpu.memory_space<vmem_shared>> -> memref<625x64xf32, #tpu.memory_space<vmem_shared>>
      tpu.enqueue_dma source(%dma_start3A_96 : memref<625x64xf32, #tpu.memory_space<vmem_shared>>) target(%dma_start3A_94 : memref<625x64xf32, #tpu.memory_space<hbm>>) target_semaphore(%run_scoped3A : memref<!tpu.dma_semaphore, #tpu.memory_space<semaphore_mem>>)
      %dma_wait3A = arith.constant 0 : i32
      %dma_wait3A_97 = tpu.memref_slice %arg7[%add3A_89, %dma_wait3A] : memref<20000x64xf32, #tpu.memory_space<hbm>> -> memref<625x64xf32, #tpu.memory_space<hbm>>
      %dma_wait3A_98 = arith.constant 0 : i32
      %dma_wait3A_99 = tpu.memref_slice %arg9[%mul3A_91, %dma_wait3A_98] : memref<10000x64xf32, #tpu.memory_space<vmem_shared>> -> memref<625x64xf32, #tpu.memory_space<vmem_shared>>
      tpu.wait_dma2 semaphore(%run_scoped3A : memref<!tpu.dma_semaphore, #tpu.memory_space<semaphore_mem>>) src(%dma_wait3A_99 : memref<625x64xf32, #tpu.memory_space<vmem_shared>>) dst(%dma_wait3A_97 : memref<625x64xf32, #tpu.memory_space<hbm>>)
      tpu.yield
    }) : () -> ()
    %mul3A_92 = arith.constant 625 : i32
    %mul3A_93 = arith.muli %arg1, %mul3A_92 : i32
    "tpu.region"() ({
      %run_scoped3A = tpu.sem_alloc : memref<!tpu.dma_semaphore, #tpu.memory_space<semaphore_mem>>
      %dma_start3A = arith.constant 0 : i32
      %dma_start3A_94 = tpu.memref_slice %arg8[%add3A_89, %dma_start3A] : memref<20000x16xf32, #tpu.memory_space<hbm>> -> memref<625x16xf32, #tpu.memory_space<hbm>>
      %dma_start3A_95 = arith.constant 0 : i32
      %dma_start3A_96 = tpu.memref_slice %arg10[%mul3A_93, %dma_start3A_95] : memref<10000x16xf32, #tpu.memory_space<vmem_shared>> -> memref<625x16xf32, #tpu.memory_space<vmem_shared>>
      tpu.enqueue_dma source(%dma_start3A_96 : memref<625x16xf32, #tpu.memory_space<vmem_shared>>) target(%dma_start3A_94 : memref<625x16xf32, #tpu.memory_space<hbm>>) target_semaphore(%run_scoped3A : memref<!tpu.dma_semaphore, #tpu.memory_space<semaphore_mem>>)
      %dma_wait3A = arith.constant 0 : i32
      %dma_wait3A_97 = tpu.memref_slice %arg8[%add3A_89, %dma_wait3A] : memref<20000x16xf32, #tpu.memory_space<hbm>> -> memref<625x16xf32, #tpu.memory_space<hbm>>
      %dma_wait3A_98 = arith.constant 0 : i32
      %dma_wait3A_99 = tpu.memref_slice %arg10[%mul3A_93, %dma_wait3A_98] : memref<10000x16xf32, #tpu.memory_space<vmem_shared>> -> memref<625x16xf32, #tpu.memory_space<vmem_shared>>
      tpu.wait_dma2 semaphore(%run_scoped3A : memref<!tpu.dma_semaphore, #tpu.memory_space<semaphore_mem>>) src(%dma_wait3A_99 : memref<625x16xf32, #tpu.memory_space<vmem_shared>>) dst(%dma_wait3A_97 : memref<625x16xf32, #tpu.memory_space<hbm>>)
      tpu.yield
    }) : () -> ()
    return
  }
}

module attributes {stable_mosaic.version = 14 : i64} {
  func.func @_tc1_body(%arg0: i32, %arg1: memref<1000x128xf32, #tpu.memory_space<vmem>>, %arg2: memref<128x320xf32, #tpu.memory_space<vmem>>, %arg3: memref<320x16xf32, #tpu.memory_space<vmem>>, %arg4: memref<320x16xf32, #tpu.memory_space<vmem>>, %arg5: memref<2x1000x160xf32, #tpu.memory_space<vmem>>, %arg6: memref<1000x16xf32, #tpu.memory_space<vmem>>, %arg7: memref<1000x16xf32, #tpu.memory_space<vmem>>) attributes {dimension_semantics = [#tpu.dimension_semantics<arbitrary>], iteration_bounds = array<i64: 10>, scalar_prefetch = 0 : i64, scratch_operands = 0 : i64, tpu.core_type = #tpu.core_type<tc>, window_params = [{transform_indices = @transform_0, window_bounds = array<i64: 1000, 128>}, {pipeline_mode = #tpu.pipeline_mode<synchronous>, transform_indices = @transform_1, window_bounds = array<i64: 128, 320>}, {pipeline_mode = #tpu.pipeline_mode<synchronous>, transform_indices = @transform_2, window_bounds = array<i64: 320, 16>}, {pipeline_mode = #tpu.pipeline_mode<synchronous>, transform_indices = @transform_3, window_bounds = array<i64: 320, 16>}, {transform_indices = @transform_4, window_bounds = array<i64: 2, 1000, 160>}, {transform_indices = @transform_5, window_bounds = array<i64: 1000, 16>}, {transform_indices = @transform_6, window_bounds = array<i64: 1000, 16>}]} {
    %get3A = arith.constant 0 : index
    %get3A_0 = arith.constant 0 : index
    %get3A_1 = vector.load %arg1[%get3A, %get3A_0] : memref<1000x128xf32, #tpu.memory_space<vmem>>, vector<1000x128xf32>
    %get3A_2 = arith.constant 0 : index
    %get3A_3 = arith.constant 0 : index
    %get3A_4 = vector.load %arg2[%get3A_2, %get3A_3] : memref<128x320xf32, #tpu.memory_space<vmem>>, vector<128x320xf32>
    %dot_general3A = arith.constant dense<0.000000e+00> : vector<1000x320xf32>
    %dot_general3A_5 = tpu.matmul %get3A_1, %get3A_4, %dot_general3A {dimension_numbers = #tpu.dot_dimension_numbers<[1], [0], [0], [1], [0, 0, 1, 1], [], []>, transpose_lhs_hint = false} : vector<1000x128xf32>, vector<128x320xf32>, vector<1000x320xf32> -> vector<1000x320xf32>
    %slice3A = vector.extract_strided_slice %dot_general3A_5 {offsets = [0, 0], sizes = [1000, 160], strides = [1, 1]} : vector<1000x320xf32> to vector<1000x160xf32>
    %swap3A = arith.constant 0 : index
    %swap3A_6 = arith.constant 0 : index
    %swap3A_7 = arith.constant 0 : index
    %swap3A_8 = vector.load %arg5[%swap3A, %swap3A_6, %swap3A_7] : memref<2x1000x160xf32, #tpu.memory_space<vmem>>, vector<1x1000x160xf32>
    %swap3A_9 = vector.shape_cast %swap3A_8 : vector<1x1000x160xf32> to vector<1000x160xf32>
    %swap3A_10 = vector.shape_cast %slice3A : vector<1000x160xf32> to vector<1x1000x160xf32>
    tpu.vector_store %arg5[%swap3A, %swap3A_6, %swap3A_7], %swap3A_10 {strides = array<i32>} : memref<2x1000x160xf32, #tpu.memory_space<vmem>>, vector<1x1000x160xf32>,
    %slice3A_11 = vector.extract_strided_slice %dot_general3A_5 {offsets = [0, 160], sizes = [1000, 160], strides = [1, 1]} : vector<1000x320xf32> to vector<1000x160xf32>
    %swap3A_12 = arith.constant 1 : index
    %swap3A_13 = arith.constant 0 : index
    %swap3A_14 = arith.constant 0 : index
    %swap3A_15 = vector.load %arg5[%swap3A_12, %swap3A_13, %swap3A_14] : memref<2x1000x160xf32, #tpu.memory_space<vmem>>, vector<1x1000x160xf32>
    %swap3A_16 = vector.shape_cast %swap3A_15 : vector<1x1000x160xf32> to vector<1000x160xf32>
    %swap3A_17 = vector.shape_cast %slice3A_11 : vector<1000x160xf32> to vector<1x1000x160xf32>
    tpu.vector_store %arg5[%swap3A_12, %swap3A_13, %swap3A_14], %swap3A_17 {strides = array<i32>} : memref<2x1000x160xf32, #tpu.memory_space<vmem>>, vector<1x1000x160xf32>,
    %get3A_18 = arith.constant 0 : index
    %get3A_19 = arith.constant 0 : index
    %get3A_20 = vector.load %arg3[%get3A_18, %get3A_19] : memref<320x16xf32, #tpu.memory_space<vmem>>, vector<320x16xf32>
    %dot_general3A_21 = arith.constant dense<0.000000e+00> : vector<1000x16xf32>
    %dot_general3A_22 = tpu.matmul %dot_general3A_5, %get3A_20, %dot_general3A_21 {dimension_numbers = #tpu.dot_dimension_numbers<[1], [0], [0], [1], [0, 0, 1, 1], [], []>, transpose_lhs_hint = false} : vector<1000x320xf32>, vector<320x16xf32>, vector<1000x16xf32> -> vector<1000x16xf32>
    %swap3A_23 = arith.constant 0 : index
    %swap3A_24 = arith.constant 0 : index
    %swap3A_25 = vector.load %arg6[%swap3A_23, %swap3A_24] : memref<1000x16xf32, #tpu.memory_space<vmem>>, vector<1000x16xf32>
    tpu.vector_store %arg6[%swap3A_23, %swap3A_24], %dot_general3A_22 {strides = array<i32>} : memref<1000x16xf32, #tpu.memory_space<vmem>>, vector<1000x16xf32>,
    %get3A_26 = arith.constant 0 : index
    %get3A_27 = arith.constant 0 : index
    %get3A_28 = vector.load %arg4[%get3A_26, %get3A_27] : memref<320x16xf32, #tpu.memory_space<vmem>>, vector<320x16xf32>
    %dot_general3A_29 = arith.constant dense<0.000000e+00> : vector<1000x16xf32>
    %dot_general3A_30 = tpu.matmul %dot_general3A_5, %get3A_28, %dot_general3A_29 {dimension_numbers = #tpu.dot_dimension_numbers<[1], [0], [0], [1], [0, 0, 1, 1], [], []>, transpose_lhs_hint = false} : vector<1000x320xf32>, vector<320x16xf32>, vector<1000x16xf32> -> vector<1000x16xf32>
    %swap3A_31 = arith.constant 0 : index
    %swap3A_32 = arith.constant 0 : index
    %swap3A_33 = vector.load %arg7[%swap3A_31, %swap3A_32] : memref<1000x16xf32, #tpu.memory_space<vmem>>, vector<1000x16xf32>
    tpu.vector_store %arg7[%swap3A_31, %swap3A_32], %dot_general3A_30 {strides = array<i32>} : memref<1000x16xf32, #tpu.memory_space<vmem>>, vector<1000x16xf32>,
    return
  }
  func.func @transform_0(%arg0: i32) -> (i32, i32) {
    %c0_i32 = arith.constant 0 : i32
    %c0_i32_0 = arith.constant 0 : i32
    return %arg0, %c0_i32 : i32, i32
  }
  func.func @transform_1(%arg0: i32) -> (i32, i32) {
    %c0_i32 = arith.constant 0 : i32
    %c0_i32_0 = arith.constant 0 : i32
    %c0_i32_1 = arith.constant 0 : i32
    return %c0_i32, %c0_i32_0 : i32, i32
  }
  func.func @transform_2(%arg0: i32) -> (i32, i32) {
    %c0_i32 = arith.constant 0 : i32
    %c0_i32_0 = arith.constant 0 : i32
    %c0_i32_1 = arith.constant 0 : i32
    return %c0_i32, %c0_i32_0 : i32, i32
  }
  func.func @transform_3(%arg0: i32) -> (i32, i32) {
    %c0_i32 = arith.constant 0 : i32
    %c0_i32_0 = arith.constant 0 : i32
    %c0_i32_1 = arith.constant 0 : i32
    return %c0_i32, %c0_i32_0 : i32, i32
  }
  func.func @transform_4(%arg0: i32) -> (i32, i32, i32) {
    %c0_i32 = arith.constant 0 : i32
    %c0_i32_0 = arith.constant 0 : i32
    %c0_i32_1 = arith.constant 0 : i32
    return %c0_i32, %arg0, %c0_i32_0 : i32, i32, i32
  }
  func.func @transform_5(%arg0: i32) -> (i32, i32) {
    %c0_i32 = arith.constant 0 : i32
    %c0_i32_0 = arith.constant 0 : i32
    return %arg0, %c0_i32 : i32, i32
  }
  func.func @transform_6(%arg0: i32) -> (i32, i32) {
    %c0_i32 = arith.constant 0 : i32
    %c0_i32_0 = arith.constant 0 : i32
    return %arg0, %c0_i32 : i32, i32
  }
}

module attributes {stable_mosaic.version = 14 : i64} {
  func.func @_tc2_body(%arg0: i32, %arg1: memref<1000x160xf32, #tpu.memory_space<vmem>>, %arg2: memref<1000x160xf32, #tpu.memory_space<vmem>>, %arg3: memref<1000x16xf32, #tpu.memory_space<vmem>>, %arg4: memref<1000x16xf32, #tpu.memory_space<vmem>>, %arg5: memref<1000x16xf32, #tpu.memory_space<vmem>>, %arg6: memref<1000x160xf32, #tpu.memory_space<vmem>>, %arg7: memref<1000x160xf32, #tpu.memory_space<vmem>>, %arg8: memref<320x64xf32, #tpu.memory_space<vmem>>, %arg9: memref<64x16xf32, #tpu.memory_space<vmem>>, %arg10: memref<64x16xf32, #tpu.memory_space<vmem>>, %arg11: memref<1x320xf32, #tpu.memory_space<vmem>>, %arg12: memref<1000x64xf32, #tpu.memory_space<vmem>>, %arg13: memref<1000x16xf32, #tpu.memory_space<vmem>>, %arg14: memref<1000x16xf32, #tpu.memory_space<vmem>>) attributes {dimension_semantics = [#tpu.dimension_semantics<arbitrary>], iteration_bounds = array<i64: 10>, scalar_prefetch = 0 : i64, scratch_operands = 0 : i64, tpu.core_type = #tpu.core_type<tc>, window_params = [{transform_indices = @transform_0, window_bounds = array<i64: 1000, 160>}, {transform_indices = @transform_1, window_bounds = array<i64: 1000, 160>}, {transform_indices = @transform_2, window_bounds = array<i64: 1000, 16>}, {transform_indices = @transform_3, window_bounds = array<i64: 1000, 16>}, {transform_indices = @transform_4, window_bounds = array<i64: 1000, 16>}, {transform_indices = @transform_5, window_bounds = array<i64: 1000, 160>}, {transform_indices = @transform_6, window_bounds = array<i64: 1000, 160>}, {pipeline_mode = #tpu.pipeline_mode<synchronous>, transform_indices = @transform_7, window_bounds = array<i64: 320, 64>}, {pipeline_mode = #tpu.pipeline_mode<synchronous>, transform_indices = @transform_8, window_bounds = array<i64: 64, 16>}, {pipeline_mode = #tpu.pipeline_mode<synchronous>, transform_indices = @transform_9, window_bounds = array<i64: 64, 16>}, {pipeline_mode = #tpu.pipeline_mode<synchronous>, transform_indices = @transform_10, window_bounds = array<i64: 1, 320>}, {transform_indices = @transform_11, window_bounds = array<i64: 1000, 64>}, {transform_indices = @transform_12, window_bounds = array<i64: 1000, 16>}, {transform_indices = @transform_13, window_bounds = array<i64: 1000, 16>}]} {
    %get3A = arith.constant 0 : index
    %get3A_0 = arith.constant 0 : index
    %get3A_1 = vector.load %arg4[%get3A, %get3A_0] : memref<1000x16xf32, #tpu.memory_space<vmem>>, vector<1000x16xf32>
    %get3A_2 = arith.constant 0 : index
    %get3A_3 = arith.constant 0 : index
    %get3A_4 = vector.load %arg5[%get3A_2, %get3A_3] : memref<1000x16xf32, #tpu.memory_space<vmem>>, vector<1000x16xf32>
    %add3A = arith.addf %get3A_1, %get3A_4 : vector<1000x16xf32>
    %ge3A = arith.constant 0.000000e+00 : f32
    %ge3A_5 = vector.broadcast %ge3A : f32 to vector<1000x16xf32>
    %ge3A_6 = arith.cmpf oge, %add3A, %ge3A_5 : vector<1000x16xf32>
    %mul3A = arith.constant 2.000000e-01 : f32
    %mul3A_7 = vector.broadcast %mul3A : f32 to vector<1000x16xf32>
    %mul3A_8 = arith.mulf %mul3A_7, %add3A : vector<1000x16xf32>
    %select_n3A = arith.select %ge3A_6, %add3A, %mul3A_8 : vector<1000x16xi1>, vector<1000x16xf32>
    %exp3A = math.exp %select_n3A : vector<1000x16xf32>
    %get3A_9 = arith.constant 0 : index
    %get3A_10 = arith.constant 0 : index
    %get3A_11 = vector.load %arg3[%get3A_9, %get3A_10] : memref<1000x16xf32, #tpu.memory_space<vmem>>, vector<1000x16xf32>
    %add3A_12 = arith.addf %get3A_11, %exp3A : vector<1000x16xf32>
    %get3A_13 = arith.constant 0 : index
    %get3A_14 = arith.constant 0 : index
    %get3A_15 = vector.load %arg1[%get3A_13, %get3A_14] : memref<1000x160xf32, #tpu.memory_space<vmem>>, vector<1000x160xf32>
    %slice3A = vector.extract_strided_slice %exp3A {offsets = [0, 0], sizes = [1000, 1], strides = [1, 1]} : vector<1000x16xf32> to vector<1000x1xf32>
    %broadcast_in_dim3A = vector.shape_cast %slice3A : vector<1000x1xf32> to vector<1000x1xf32>
    %broadcast_in_dim3A_16 = vector.broadcast %broadcast_in_dim3A : vector<1000x1xf32> to vector<1000x64xf32>
    %slice3A_17 = vector.extract_strided_slice %exp3A {offsets = [0, 1], sizes = [1000, 1], strides = [1, 1]} : vector<1000x16xf32> to vector<1000x1xf32>
    %broadcast_in_dim3A_18 = vector.shape_cast %slice3A_17 : vector<1000x1xf32> to vector<1000x1xf32>
    %broadcast_in_dim3A_19 = vector.broadcast %broadcast_in_dim3A_18 : vector<1000x1xf32> to vector<1000x64xf32>
    %slice3A_20 = vector.extract_strided_slice %exp3A {offsets = [0, 2], sizes = [1000, 1], strides = [1, 1]} : vector<1000x16xf32> to vector<1000x1xf32>
    %broadcast_in_dim3A_21 = vector.shape_cast %slice3A_20 : vector<1000x1xf32> to vector<1000x1xf32>
    %broadcast_in_dim3A_22 = vector.broadcast %broadcast_in_dim3A_21 : vector<1000x1xf32> to vector<1000x32xf32>
    %concatenate3A = tpu.concatenate %broadcast_in_dim3A_16, %broadcast_in_dim3A_19, %broadcast_in_dim3A_22 in 1 : vector<1000x64xf32>, vector<1000x64xf32>, vector<1000x32xf32> -> vector<1000x160xf32>
    %get3A_23 = arith.constant 0 : index
    %get3A_24 = arith.constant 0 : index
    %get3A_25 = vector.load %arg6[%get3A_23, %get3A_24] : memref<1000x160xf32, #tpu.memory_space<vmem>>, vector<1000x160xf32>
    %mul3A_26 = arith.mulf %concatenate3A, %get3A_25 : vector<1000x160xf32>
    %add3A_27 = arith.addf %get3A_15, %mul3A_26 : vector<1000x160xf32>
    %slice3A_28 = vector.extract_strided_slice %add3A_12 {offsets = [0, 0], sizes = [1000, 1], strides = [1, 1]} : vector<1000x16xf32> to vector<1000x1xf32>
    %broadcast_in_dim3A_29 = vector.shape_cast %slice3A_28 : vector<1000x1xf32> to vector<1000x1xf32>
    %broadcast_in_dim3A_30 = vector.broadcast %broadcast_in_dim3A_29 : vector<1000x1xf32> to vector<1000x64xf32>
    %slice3A_31 = vector.extract_strided_slice %add3A_12 {offsets = [0, 1], sizes = [1000, 1], strides = [1, 1]} : vector<1000x16xf32> to vector<1000x1xf32>
    %broadcast_in_dim3A_32 = vector.shape_cast %slice3A_31 : vector<1000x1xf32> to vector<1000x1xf32>
    %broadcast_in_dim3A_33 = vector.broadcast %broadcast_in_dim3A_32 : vector<1000x1xf32> to vector<1000x64xf32>
    %slice3A_34 = vector.extract_strided_slice %add3A_12 {offsets = [0, 2], sizes = [1000, 1], strides = [1, 1]} : vector<1000x16xf32> to vector<1000x1xf32>
    %broadcast_in_dim3A_35 = vector.shape_cast %slice3A_34 : vector<1000x1xf32> to vector<1000x1xf32>
    %broadcast_in_dim3A_36 = vector.broadcast %broadcast_in_dim3A_35 : vector<1000x1xf32> to vector<1000x32xf32>
    %concatenate3A_37 = tpu.concatenate %broadcast_in_dim3A_30, %broadcast_in_dim3A_33, %broadcast_in_dim3A_36 in 1 : vector<1000x64xf32>, vector<1000x64xf32>, vector<1000x32xf32> -> vector<1000x160xf32>
    %div3A = arith.divf %add3A_27, %concatenate3A_37 : vector<1000x160xf32>
    %get3A_38 = arith.constant 0 : index
    %get3A_39 = arith.constant 0 : index
    %get3A_40 = vector.load %arg2[%get3A_38, %get3A_39] : memref<1000x160xf32, #tpu.memory_space<vmem>>, vector<1000x160xf32>
    %slice3A_41 = vector.extract_strided_slice %exp3A {offsets = [0, 2], sizes = [1000, 1], strides = [1, 1]} : vector<1000x16xf32> to vector<1000x1xf32>
    %broadcast_in_dim3A_42 = vector.shape_cast %slice3A_41 : vector<1000x1xf32> to vector<1000x1xf32>
    %broadcast_in_dim3A_43 = vector.broadcast %broadcast_in_dim3A_42 : vector<1000x1xf32> to vector<1000x32xf32>
    %slice3A_44 = vector.extract_strided_slice %exp3A {offsets = [0, 3], sizes = [1000, 1], strides = [1, 1]} : vector<1000x16xf32> to vector<1000x1xf32>
    %broadcast_in_dim3A_45 = vector.shape_cast %slice3A_44 : vector<1000x1xf32> to vector<1000x1xf32>
    %broadcast_in_dim3A_46 = vector.broadcast %broadcast_in_dim3A_45 : vector<1000x1xf32> to vector<1000x64xf32>
    %slice3A_47 = vector.extract_strided_slice %exp3A {offsets = [0, 4], sizes = [1000, 1], strides = [1, 1]} : vector<1000x16xf32> to vector<1000x1xf32>
    %broadcast_in_dim3A_48 = vector.shape_cast %slice3A_47 : vector<1000x1xf32> to vector<1000x1xf32>
    %broadcast_in_dim3A_49 = vector.broadcast %broadcast_in_dim3A_48 : vector<1000x1xf32> to vector<1000x64xf32>
    %concatenate3A_50 = tpu.concatenate %broadcast_in_dim3A_43, %broadcast_in_dim3A_46, %broadcast_in_dim3A_49 in 1 : vector<1000x32xf32>, vector<1000x64xf32>, vector<1000x64xf32> -> vector<1000x160xf32>
    %get3A_51 = arith.constant 0 : index
    %get3A_52 = arith.constant 0 : index
    %get3A_53 = vector.load %arg7[%get3A_51, %get3A_52] : memref<1000x160xf32, #tpu.memory_space<vmem>>, vector<1000x160xf32>
    %mul3A_54 = arith.mulf %concatenate3A_50, %get3A_53 : vector<1000x160xf32>
    %add3A_55 = arith.addf %get3A_40, %mul3A_54 : vector<1000x160xf32>
    %slice3A_56 = vector.extract_strided_slice %add3A_12 {offsets = [0, 2], sizes = [1000, 1], strides = [1, 1]} : vector<1000x16xf32> to vector<1000x1xf32>
    %broadcast_in_dim3A_57 = vector.shape_cast %slice3A_56 : vector<1000x1xf32> to vector<1000x1xf32>
    %broadcast_in_dim3A_58 = vector.broadcast %broadcast_in_dim3A_57 : vector<1000x1xf32> to vector<1000x32xf32>
    %slice3A_59 = vector.extract_strided_slice %add3A_12 {offsets = [0, 3], sizes = [1000, 1], strides = [1, 1]} : vector<1000x16xf32> to vector<1000x1xf32>
    %broadcast_in_dim3A_60 = vector.shape_cast %slice3A_59 : vector<1000x1xf32> to vector<1000x1xf32>
    %broadcast_in_dim3A_61 = vector.broadcast %broadcast_in_dim3A_60 : vector<1000x1xf32> to vector<1000x64xf32>
    %slice3A_62 = vector.extract_strided_slice %add3A_12 {offsets = [0, 4], sizes = [1000, 1], strides = [1, 1]} : vector<1000x16xf32> to vector<1000x1xf32>
    %broadcast_in_dim3A_63 = vector.shape_cast %slice3A_62 : vector<1000x1xf32> to vector<1000x1xf32>
    %broadcast_in_dim3A_64 = vector.broadcast %broadcast_in_dim3A_63 : vector<1000x1xf32> to vector<1000x64xf32>
    %concatenate3A_65 = tpu.concatenate %broadcast_in_dim3A_58, %broadcast_in_dim3A_61, %broadcast_in_dim3A_64 in 1 : vector<1000x32xf32>, vector<1000x64xf32>, vector<1000x64xf32> -> vector<1000x160xf32>
    %div3A_66 = arith.divf %add3A_55, %concatenate3A_65 : vector<1000x160xf32>
    %concatenate3A_67 = tpu.concatenate %div3A, %div3A_66 in 1 : vector<1000x160xf32>, vector<1000x160xf32> -> vector<1000x320xf32>
    %get3A_68 = arith.constant 0 : index
    %get3A_69 = arith.constant 0 : index
    %get3A_70 = vector.load %arg11[%get3A_68, %get3A_69] : memref<1x320xf32, #tpu.memory_space<vmem>>, vector<1x320xf32>
    %add3A_71 = vector.broadcast %get3A_70 : vector<1x320xf32> to vector<1000x320xf32>
    %add3A_72 = arith.addf %concatenate3A_67, %add3A_71 : vector<1000x320xf32>
    %max3A = arith.constant 0.000000e+00 : f32
    %max3A_73 = vector.broadcast %max3A : f32 to vector<1000x320xf32>
    %max3A_74 = arith.maximumf %add3A_72, %max3A_73 : vector<1000x320xf32>
    %get3A_75 = arith.constant 0 : index
    %get3A_76 = arith.constant 0 : index
    %get3A_77 = vector.load %arg8[%get3A_75, %get3A_76] : memref<320x64xf32, #tpu.memory_space<vmem>>, vector<320x64xf32>
    %dot_general3A = arith.constant dense<0.000000e+00> : vector<1000x64xf32>
    %dot_general3A_78 = tpu.matmul %max3A_74, %get3A_77, %dot_general3A {dimension_numbers = #tpu.dot_dimension_numbers<[1], [0], [0], [1], [0, 0, 1, 1], [], []>, transpose_lhs_hint = false} : vector<1000x320xf32>, vector<320x64xf32>, vector<1000x64xf32> -> vector<1000x64xf32>
    %swap3A = arith.constant 0 : index
    %swap3A_79 = arith.constant 0 : index
    %swap3A_80 = vector.load %arg12[%swap3A, %swap3A_79] : memref<1000x64xf32, #tpu.memory_space<vmem>>, vector<1000x64xf32>
    tpu.vector_store %arg12[%swap3A, %swap3A_79], %dot_general3A_78 {strides = array<i32>} : memref<1000x64xf32, #tpu.memory_space<vmem>>, vector<1000x64xf32>,
    %get3A_81 = arith.constant 0 : index
    %get3A_82 = arith.constant 0 : index
    %get3A_83 = vector.load %arg9[%get3A_81, %get3A_82] : memref<64x16xf32, #tpu.memory_space<vmem>>, vector<64x16xf32>
    %dot_general3A_84 = arith.constant dense<0.000000e+00> : vector<1000x16xf32>
    %dot_general3A_85 = tpu.matmul %dot_general3A_78, %get3A_83, %dot_general3A_84 {dimension_numbers = #tpu.dot_dimension_numbers<[1], [0], [0], [1], [0, 0, 1, 1], [], []>, transpose_lhs_hint = false} : vector<1000x64xf32>, vector<64x16xf32>, vector<1000x16xf32> -> vector<1000x16xf32>
    %swap3A_86 = arith.constant 0 : index
    %swap3A_87 = arith.constant 0 : index
    %swap3A_88 = vector.load %arg13[%swap3A_86, %swap3A_87] : memref<1000x16xf32, #tpu.memory_space<vmem>>, vector<1000x16xf32>
    tpu.vector_store %arg13[%swap3A_86, %swap3A_87], %dot_general3A_85 {strides = array<i32>} : memref<1000x16xf32, #tpu.memory_space<vmem>>, vector<1000x16xf32>,
    %get3A_89 = arith.constant 0 : index
    %get3A_90 = arith.constant 0 : index
    %get3A_91 = vector.load %arg10[%get3A_89, %get3A_90] : memref<64x16xf32, #tpu.memory_space<vmem>>, vector<64x16xf32>
    %dot_general3A_92 = arith.constant dense<0.000000e+00> : vector<1000x16xf32>
    %dot_general3A_93 = tpu.matmul %dot_general3A_78, %get3A_91, %dot_general3A_92 {dimension_numbers = #tpu.dot_dimension_numbers<[1], [0], [0], [1], [0, 0, 1, 1], [], []>, transpose_lhs_hint = false} : vector<1000x64xf32>, vector<64x16xf32>, vector<1000x16xf32> -> vector<1000x16xf32>
    %swap3A_94 = arith.constant 0 : index
    %swap3A_95 = arith.constant 0 : index
    %swap3A_96 = vector.load %arg14[%swap3A_94, %swap3A_95] : memref<1000x16xf32, #tpu.memory_space<vmem>>, vector<1000x16xf32>
    tpu.vector_store %arg14[%swap3A_94, %swap3A_95], %dot_general3A_93 {strides = array<i32>} : memref<1000x16xf32, #tpu.memory_space<vmem>>, vector<1000x16xf32>,
    return
  }
  func.func @transform_0(%arg0: i32) -> (i32, i32) {
    %c0_i32 = arith.constant 0 : i32
    %c0_i32_0 = arith.constant 0 : i32
    return %arg0, %c0_i32 : i32, i32
  }
  func.func @transform_1(%arg0: i32) -> (i32, i32) {
    %add3A = arith.constant 10 : i32
    %add3A_0 = arith.addi %add3A, %arg0 : i32
    %c0_i32 = arith.constant 0 : i32
    %c0_i32_1 = arith.constant 0 : i32
    return %add3A_0, %c0_i32 : i32, i32
  }
  func.func @transform_2(%arg0: i32) -> (i32, i32) {
    %c0_i32 = arith.constant 0 : i32
    %c0_i32_0 = arith.constant 0 : i32
    return %arg0, %c0_i32 : i32, i32
  }
  func.func @transform_3(%arg0: i32) -> (i32, i32) {
    %c0_i32 = arith.constant 0 : i32
    %c0_i32_0 = arith.constant 0 : i32
    return %arg0, %c0_i32 : i32, i32
  }
  func.func @transform_4(%arg0: i32) -> (i32, i32) {
    %c0_i32 = arith.constant 0 : i32
    %c0_i32_0 = arith.constant 0 : i32
    return %arg0, %c0_i32 : i32, i32
  }
  func.func @transform_5(%arg0: i32) -> (i32, i32) {
    %c0_i32 = arith.constant 0 : i32
    %c0_i32_0 = arith.constant 0 : i32
    return %arg0, %c0_i32 : i32, i32
  }
  func.func @transform_6(%arg0: i32) -> (i32, i32) {
    %add3A = arith.constant 10 : i32
    %add3A_0 = arith.addi %add3A, %arg0 : i32
    %c0_i32 = arith.constant 0 : i32
    %c0_i32_1 = arith.constant 0 : i32
    return %add3A_0, %c0_i32 : i32, i32
  }
  func.func @transform_7(%arg0: i32) -> (i32, i32) {
    %c0_i32 = arith.constant 0 : i32
    %c0_i32_0 = arith.constant 0 : i32
    %c0_i32_1 = arith.constant 0 : i32
    return %c0_i32, %c0_i32_0 : i32, i32
  }
  func.func @transform_8(%arg0: i32) -> (i32, i32) {
    %c0_i32 = arith.constant 0 : i32
    %c0_i32_0 = arith.constant 0 : i32
    %c0_i32_1 = arith.constant 0 : i32
    return %c0_i32, %c0_i32_0 : i32, i32
  }
  func.func @transform_9(%arg0: i32) -> (i32, i32) {
    %c0_i32 = arith.constant 0 : i32
    %c0_i32_0 = arith.constant 0 : i32
    %c0_i32_1 = arith.constant 0 : i32
    return %c0_i32, %c0_i32_0 : i32, i32
  }
  func.func @transform_10(%arg0: i32) -> (i32, i32) {
    %c0_i32 = arith.constant 0 : i32
    %c0_i32_0 = arith.constant 0 : i32
    %c0_i32_1 = arith.constant 0 : i32
    return %c0_i32, %c0_i32_0 : i32, i32
  }
  func.func @transform_11(%arg0: i32) -> (i32, i32) {
    %c0_i32 = arith.constant 0 : i32
    %c0_i32_0 = arith.constant 0 : i32
    return %arg0, %c0_i32 : i32, i32
  }
  func.func @transform_12(%arg0: i32) -> (i32, i32) {
    %c0_i32 = arith.constant 0 : i32
    %c0_i32_0 = arith.constant 0 : i32
    return %arg0, %c0_i32 : i32, i32
  }
  func.func @transform_13(%arg0: i32) -> (i32, i32) {
    %c0_i32 = arith.constant 0 : i32
    %c0_i32_0 = arith.constant 0 : i32
    return %arg0, %c0_i32 : i32, i32
  }
}

module attributes {stable_mosaic.version = 14 : i64} {
  func.func @_tc3_body(%arg0: i32, %arg1: memref<1000x64xf32, #tpu.memory_space<vmem>>, %arg2: memref<1000x64xf32, #tpu.memory_space<vmem>>, %arg3: memref<1000x16xf32, #tpu.memory_space<vmem>>, %arg4: memref<1000x16xf32, #tpu.memory_space<vmem>>, %arg5: memref<1000x16xf32, #tpu.memory_space<vmem>>, %arg6: memref<1000x16xf32, #tpu.memory_space<vmem>>, %arg7: memref<1000x64xf32, #tpu.memory_space<vmem>>, %arg8: memref<1x64xf32, #tpu.memory_space<vmem>>, %arg9: memref<1000x64xf32, #tpu.memory_space<vmem>>) attributes {dimension_semantics = [#tpu.dimension_semantics<arbitrary>], iteration_bounds = array<i64: 10>, scalar_prefetch = 0 : i64, scratch_operands = 0 : i64, tpu.core_type = #tpu.core_type<tc>, window_params = [{transform_indices = @transform_0, window_bounds = array<i64: 1000, 64>}, {transform_indices = @transform_1, window_bounds = array<i64: 1000, 64>}, {transform_indices = @transform_2, window_bounds = array<i64: 1000, 16>}, {transform_indices = @transform_3, window_bounds = array<i64: 1000, 16>}, {transform_indices = @transform_4, window_bounds = array<i64: 1000, 16>}, {transform_indices = @transform_5, window_bounds = array<i64: 1000, 16>}, {transform_indices = @transform_6, window_bounds = array<i64: 1000, 64>}, {pipeline_mode = #tpu.pipeline_mode<synchronous>, transform_indices = @transform_7, window_bounds = array<i64: 1, 64>}, {transform_indices = @transform_8, window_bounds = array<i64: 1000, 64>}]} {
    %get3A = arith.constant 0 : index
    %get3A_0 = arith.constant 0 : index
    %get3A_1 = vector.load %arg5[%get3A, %get3A_0] : memref<1000x16xf32, #tpu.memory_space<vmem>>, vector<1000x16xf32>
    %get3A_2 = arith.constant 0 : index
    %get3A_3 = arith.constant 0 : index
    %get3A_4 = vector.load %arg6[%get3A_2, %get3A_3] : memref<1000x16xf32, #tpu.memory_space<vmem>>, vector<1000x16xf32>
    %add3A = arith.addf %get3A_1, %get3A_4 : vector<1000x16xf32>
    %ge3A = arith.constant 0.000000e+00 : f32
    %ge3A_5 = vector.broadcast %ge3A : f32 to vector<1000x16xf32>
    %ge3A_6 = arith.cmpf oge, %add3A, %ge3A_5 : vector<1000x16xf32>
    %mul3A = arith.constant 2.000000e-01 : f32
    %mul3A_7 = vector.broadcast %mul3A : f32 to vector<1000x16xf32>
    %mul3A_8 = arith.mulf %mul3A_7, %add3A : vector<1000x16xf32>
    %select_n3A = arith.select %ge3A_6, %add3A, %mul3A_8 : vector<1000x16xi1>, vector<1000x16xf32>
    %exp3A = math.exp %select_n3A : vector<1000x16xf32>
    %slice3A = vector.extract_strided_slice %exp3A {offsets = [0, 0], sizes = [1000, 1], strides = [1, 1]} : vector<1000x16xf32> to vector<1000x1xf32>
    %get3A_9 = arith.constant 0 : index
    %get3A_10 = arith.constant 0 : index
    %get3A_11 = vector.load %arg1[%get3A_9, %get3A_10] : memref<1000x64xf32, #tpu.memory_space<vmem>>, vector<1000x64xf32>
    %get3A_12 = arith.constant 0 : index
    %get3A_13 = arith.constant 0 : index
    %get3A_14 = vector.load %arg2[%get3A_12, %get3A_13] : memref<1000x64xf32, #tpu.memory_space<vmem>>, vector<1000x64xf32>
    %add3A_15 = arith.addf %get3A_11, %get3A_14 : vector<1000x64xf32>
    %get3A_16 = arith.constant 0 : index
    %get3A_17 = arith.constant 0 : index
    %get3A_18 = vector.load %arg7[%get3A_16, %get3A_17] : memref<1000x64xf32, #tpu.memory_space<vmem>>, vector<1000x64xf32>
    %mul3A_19 = vector.broadcast %slice3A : vector<1000x1xf32> to vector<1000x64xf32>
    %mul3A_20 = arith.mulf %mul3A_19, %get3A_18 : vector<1000x64xf32>
    %add3A_21 = arith.addf %add3A_15, %mul3A_20 : vector<1000x64xf32>
    %get3A_22 = arith.constant 0 : index
    %get3A_23 = arith.constant 0 : index
    %get3A_24 = vector.load %arg3[%get3A_22, %get3A_23] : memref<1000x16xf32, #tpu.memory_space<vmem>>, vector<1000x1xf32>
    %get3A_25 = arith.constant 0 : index
    %get3A_26 = arith.constant 0 : index
    %get3A_27 = vector.load %arg4[%get3A_25, %get3A_26] : memref<1000x16xf32, #tpu.memory_space<vmem>>, vector<1000x1xf32>
    %add3A_28 = arith.addf %get3A_24, %get3A_27 : vector<1000x1xf32>
    %add3A_29 = arith.addf %add3A_28, %slice3A : vector<1000x1xf32>
    %div3A = vector.broadcast %add3A_29 : vector<1000x1xf32> to vector<1000x64xf32>
    %div3A_30 = arith.divf %add3A_21, %div3A : vector<1000x64xf32>
    %get3A_31 = arith.constant 0 : index
    %get3A_32 = arith.constant 0 : index
    %get3A_33 = vector.load %arg8[%get3A_31, %get3A_32] : memref<1x64xf32, #tpu.memory_space<vmem>>, vector<1x64xf32>
    %add3A_34 = vector.broadcast %get3A_33 : vector<1x64xf32> to vector<1000x64xf32>
    %add3A_35 = arith.addf %div3A_30, %add3A_34 : vector<1000x64xf32>
    %max3A = arith.constant 0.000000e+00 : f32
    %max3A_36 = vector.broadcast %max3A : f32 to vector<1000x64xf32>
    %max3A_37 = arith.maximumf %add3A_35, %max3A_36 : vector<1000x64xf32>
    %swap3A = arith.constant 0 : index
    %swap3A_38 = arith.constant 0 : index
    %swap3A_39 = vector.load %arg9[%swap3A, %swap3A_38] : memref<1000x64xf32, #tpu.memory_space<vmem>>, vector<1000x64xf32>
    tpu.vector_store %arg9[%swap3A, %swap3A_38], %max3A_37 {strides = array<i32>} : memref<1000x64xf32, #tpu.memory_space<vmem>>, vector<1000x64xf32>,
    return
  }
  func.func @transform_0(%arg0: i32) -> (i32, i32) {
    %c0_i32 = arith.constant 0 : i32
    %c0_i32_0 = arith.constant 0 : i32
    return %arg0, %c0_i32 : i32, i32
  }
  func.func @transform_1(%arg0: i32) -> (i32, i32) {
    %add3A = arith.constant 10 : i32
    %add3A_0 = arith.addi %add3A, %arg0 : i32
    %c0_i32 = arith.constant 0 : i32
    %c0_i32_1 = arith.constant 0 : i32
    return %add3A_0, %c0_i32 : i32, i32
  }
  func.func @transform_2(%arg0: i32) -> (i32, i32) {
    %c0_i32 = arith.constant 0 : i32
    %c0_i32_0 = arith.constant 0 : i32
    return %arg0, %c0_i32 : i32, i32
  }
  func.func @transform_3(%arg0: i32) -> (i32, i32) {
    %add3A = arith.constant 10 : i32
    %add3A_0 = arith.addi %add3A, %arg0 : i32
    %c0_i32 = arith.constant 0 : i32
    %c0_i32_1 = arith.constant 0 : i32
    return %add3A_0, %c0_i32 : i32, i32
  }
  func.func @transform_4(%arg0: i32) -> (i32, i32) {
    %c0_i32 = arith.constant 0 : i32
    %c0_i32_0 = arith.constant 0 : i32
    return %arg0, %c0_i32 : i32, i32
  }
  func.func @transform_5(%arg0: i32) -> (i32, i32) {
    %c0_i32 = arith.constant 0 : i32
    %c0_i32_0 = arith.constant 0 : i32
    return %arg0, %c0_i32 : i32, i32
  }
  func.func @transform_6(%arg0: i32) -> (i32, i32) {
    %c0_i32 = arith.constant 0 : i32
    %c0_i32_0 = arith.constant 0 : i32
    return %arg0, %c0_i32 : i32, i32
  }
  func.func @transform_7(%arg0: i32) -> (i32, i32) {
    %c0_i32 = arith.constant 0 : i32
    %c0_i32_0 = arith.constant 0 : i32
    %c0_i32_1 = arith.constant 0 : i32
    return %c0_i32, %c0_i32_0 : i32, i32
  }
  func.func @transform_8(%arg0: i32) -> (i32, i32) {
    %c0_i32 = arith.constant 0 : i32
    %c0_i32_0 = arith.constant 0 : i32
    return %arg0, %c0_i32 : i32, i32
  }
}

</mosaic_0001>

<sc_bundles>
// kernel: kernel.10.cloned.1.call-start
scs
__scs_entry_jumppad:
0x0: {  	(pc) =	sbr.rel $0x88, $3  }
0x1: {  	(tag) =	ssettag $0x0;
	lr =	simm.s32 $0x1  }
0x2: {  	[smem:$0x3F97] =	sst lr;
	_ =	strace $0xD0000000  }
0x3: {  	_ = 	snop  }
0x4: {  	_ = 	snop  }
0x5: {  	_ = 	snop  }
0x6: {  	_ = 	snop  }
0x7: {  	_ = 	snop  }
__scs_overlays_trampoline_lowered:
0x8: {  	[smem:$0x3FA6] =	sst s0  }
0x9: {  	[smem:$0x3FA7] =	sst s1  }
0xa: {  	[smem:$0x3FA8] =	sst s2  }
0xb: {  	[smem:$0x3FA9] =	sst s3  }
0xc: {  	[smem:$0x3FAA] =	sst s4  }
0xd: {  	[smem:$0x3FAB] =	sst s5  }
0xe: {  	[smem:$0x3FAC] =	sst s6  }
0xf: {  	[smem:$0x3FAD] =	sst s7  }
0x10: {  	[smem:$0x3FAE] =	sst s8  }
0x11: {  	[smem:$0x3FAF] =	sst s9;
	s0 =	simm.s32 @!p0 $0x0  }
0x12: {  	s1 =	sld [smem:$0x3F95];
	s0 =	simm.s32 @p0 $0x1  }
0x13: {  	[smem:$0x3FB0] =	sst s0;
	s0 =	simm.s32 @!p1 $0x0  }
0x14: {  	s2 =	sld [smem:$0x3F94];
	s0 =	simm.s32 @p1 $0x1  }
0x15: {  	[smem:$0x3FB1] =	sst s0;
	s0 =	simm.s32 @!p2 $0x0  }
0x16: {  	s3 =	sld [smem:$0x3FDB];
	s0 =	simm.s32 @p2 $0x1  }
0x17: {  	s4 =	simm.s32 $0x1BF5;
	[smem:$0x3FB3] =	sst s0  }
0x18: {  	s0 =	sld [smem:$0x3F96];
	_ =	swait.ge [sflag:s4], $0x0  }
0x19: {  	s7 =	sld [smem:$0x3F97]  }
0x1a: {  	s8 =	sadd.s32 $0xFFFFE003, lr  }
0x1b: {  	s9 =	sadd.s32 $0xFFFFFEF7, lr;
	s5 =	simm.s32 $0xFFFFFFFF;
	p2 =	slt.u32 s8, $0xFFFFF086  }
0x1c: {  	p1 =	slt.u32 s9, $0xF7A;
	s5 =	simm.s32 @!p2 $0x0  }
0x1d: {  	s5 =	simm.s32 @p1 $0x1;
	p0 =	seq.s32 s7, s2  }
0x1e: {  	s7 =	smul.u32 @!p0 $0xF7A, s2;
	p2 =	seq.s32 @!p0 s5, $0x0  }
0x1f: {  	s9 =	smul.u32 $0xF7A, s1;
	s8 =	simm.s32 @!p0 $0x1BF5;
	p2 =	por !p2, p0  }
0x20: {  	[sflag:s8] =	ssyncset.s32 @!p0 $0xFFFFF086;
	s6 =	sadd.s32 @!p0 s3, s7;
	s7 =	simm.s32 @!p0 $0x108  }
0x21: {  	s3 =	sadd.s32 s3, s9;
	s6 =	sadd.s32 @!p0 $0x88, s6;
	s7 =	simm.s32 @p2 $0x1082  }
0x22: {  	[simem:s7], [sflag:s8] =	dma.local @!p0 [hbm:s6], $0xF7A  }
0x23: {  	s9 =	sor.u32 $0xD0000000, s2;
	s6 =	simm.s32 $0x108;
	_ =	swait.ge @!p0 [sflag:s8], $0x0  }
0x24: {  	s3 =	sadd.s32 $0x88, s3;
	s6 =	simm.s32 @!p1 $0x1082;
	[sflag:s4] =	ssyncset.s32 $0xFFFFF086  }
0x25: {  	[simem:s6], [sflag:s4] =	dma.local [hbm:s3], $0xF7A  }
0x26: {  	[smem:$0x3F97] =	sst s1;
	(tag) =	ssettag s2;
	_ =	strace s9  }
0x27: {  	s1 =	sld [smem:$0x3FA7]  }
0x28: {  	s2 =	sld [smem:$0x3FA8]  }
0x29: {  	s4 =	sld [smem:$0x3FAA]  }
0x2a: {  	p0 =	seq.s32 s5, $0x0;
	s5 =	sld [smem:$0x3FAB]  }
0x2b: {  	s6 =	sld [smem:$0x3FAC]  }
0x2c: {  	s7 =	sld [smem:$0x3FAD]  }
0x2d: {  	s3 =	simm.s32 $0x108;
	s8 =	sld [smem:$0x3FAE]  }
0x2e: {  	s3 =	simm.s32 @!p0 $0x1082;
	s9 =	sld [smem:$0x3FAF]  }
0x2f: {  	lr =	sadd.s32 s0, s3;
	s0 =	sld [smem:$0x3FA6]  }
0x30: {  	s3 =	sld [smem:$0x3FA9]  }
0x31: {  	[smem:$0x3FB2] =	sst s10  }
0x32: {  	s10 =	sld [smem:$0x3FB0];
	_ =	sdelay $0x3  }
0x33: {  	p0 =	seq.s32 s10, $0x1;
	s10 =	sld [smem:$0x3FB2];
	_ =	sdelay $0x3  }
0x34: {  	[smem:$0x3FB2] =	sst s10  }
0x35: {  	s10 =	sld [smem:$0x3FB1];
	_ =	sdelay $0x3  }
0x36: {  	p1 =	seq.s32 s10, $0x1;
	s10 =	sld [smem:$0x3FB2];
	_ =	sdelay $0x3  }
0x37: {  	[smem:$0x3FB2] =	sst s10  }
0x38: {  	s10 =	sld [smem:$0x3FB3]  }
0x39: {  	_ = 	snop;
	(pc) =	sbr.ind lr, $3  }
0x3a: {  	_ = 	snop  }
0x3b: {  	_ = 	snop  }
0x3c: {  	p2 =	seq.s32 s10, $0x1;
	s10 =	sld [smem:$0x3FB2]  }
0x3d: {  	_ =	shalt  }
0x3e: {  	_ =	shalt  }
0x3f: {  	_ =	shalt  }
0x40: {  	_ =	shalt  }
0x41: {  	_ =	shalt  }
0x42: {  	_ =	shalt  }
0x43: {  	_ =	shalt  }
0x44: {  	_ =	shalt  }
0x45: {  	_ =	shalt  }
0x46: {  	_ =	shalt  }
0x47: {  	_ =	shalt  }
0x48: {  	_ =	shalt  }
0x49: {  	_ =	shalt  }
0x4a: {  	_ =	shalt  }
0x4b: {  	_ =	shalt  }
0x4c: {  	_ =	shalt  }
0x4d: {  	_ =	shalt  }
0x4e: {  	_ =	shalt  }
0x4f: {  	_ =	shalt  }
0x50: {  	_ =	shalt  }
0x51: {  	_ =	shalt  }
0x52: {  	_ =	shalt  }
0x53: {  	_ =	shalt  }
0x54: {  	_ =	shalt  }
0x55: {  	_ =	shalt  }
0x56: {  	_ =	shalt  }
0x57: {  	_ =	shalt  }
0x58: {  	_ =	shalt  }
0x59: {  	_ =	shalt  }
0x5a: {  	_ =	shalt  }
0x5b: {  	_ =	shalt  }
0x5c: {  	_ =	shalt  }
0x5d: {  	_ =	shalt  }
0x5e: {  	_ =	shalt  }
0x5f: {  	_ =	shalt  }
0x60: {  	_ =	shalt  }
0x61: {  	_ =	shalt  }
0x62: {  	_ =	shalt  }
0x63: {  	_ =	shalt  }
0x64: {  	_ =	shalt  }
0x65: {  	_ =	shalt  }
0x66: {  	_ =	shalt  }
0x67: {  	_ =	shalt  }
0x68: {  	_ =	shalt  }
0x69: {  	_ =	shalt  }
0x6a: {  	_ =	shalt  }
0x6b: {  	_ =	shalt  }
0x6c: {  	_ =	shalt  }
0x6d: {  	_ =	shalt  }
0x6e: {  	_ =	shalt  }
0x6f: {  	_ =	shalt  }
0x70: {  	_ =	shalt  }
0x71: {  	_ =	shalt  }
0x72: {  	_ =	shalt  }
0x73: {  	_ =	shalt  }
0x74: {  	_ =	shalt  }
0x75: {  	_ =	shalt  }
0x76: {  	_ =	shalt  }
0x77: {  	_ =	shalt  }
0x78: {  	_ =	shalt  }
0x79: {  	_ =	shalt  }
0x7a: {  	_ =	shalt  }
0x7b: {  	_ =	shalt  }
0x7c: {  	_ =	shalt  }
0x7d: {  	_ =	shalt  }
0x7e: {  	_ =	shalt  }
0x7f: {  	_ =	shalt  }
0x80: {  	_ =	shalt  }
0x81: {  	_ =	shalt  }
0x82: {  	_ =	shalt  }
0x83: {  	_ =	shalt  }
0x84: {  	_ =	shalt  }
0x85: {  	_ =	shalt  }
0x86: {  	_ =	shalt  }
0x87: {  	_ =	shalt  }
.Lfunc_end0:
.L_simem_size_0:
called_computation.1_lowered:
.L_overlay_start_0:
0x88: {  	s2 =	sld [smem:$0x3FD9]  }
0x89: {  	s3 =	sld [smem:$0x3FFE];
	_ =	sdelay $0x1  }
0x8a: {  	s1 =	srdreg.scid  }
0x8b: {  	s0 =	sand.u32 $0x1, s1  }
0x8c: {  	s17 =	sshll.u32 s0, $0xA;
	s2 =	sadd.s32 s3, s2  }
0x8d: {  	s2 =	sadd.s32 s2, s17  }
0x8e: {  	[smem:$0x3FBE] =	sst s2  }
0x8f: {  	_ = 	snop  }
0x90: {  	s2 =	sld [smem:$0x3FD0];
	(tm) =	ssettm $0x1  }
0x91: {  	s18 =	sld [smem:$0x3FFB];
	_ =	sdelay $0x3  }
0x92: {  	_ =	strace s18  }
0x93: {  	s3 =	sld [smem:$0x3FFC];
	_ =	sdelay $0x3  }
0x94: {  	_ =	strace s3  }
0x95: {  	s3 =	sld [smem:$0x3FFD];
	_ =	sdelay $0x3  }
0x96: {  	_ =	strace s3  }
0x97: {  	_ =	strace $0x8FFFFFFF  }
0x98: {  	s19 =	sld [smem:$0x3FDB];
	_ =	sdelay $0x1  }
0x99: {  	s4 =	simm.s32 $_scs_section_size  }
0x9a: {  	s5 =	simm.s32 $_size__tile_overlayer_lowered;
	s6 =	simm.s32 $_tile_overlayer_lowered  }
0x9b: {  	s22 =	simm.s32 $0x1BFF;
	s21 =	sshll.u32 s6, $0x1;
	s3 =	sadd.s32 s4, s19  }
0x9c: {  	s7 =	simm.s32 $0x0;
	s20 =	sshll.u32 s5, $0x1;
	s5 =	sadd.s32 s21, s3  }
0x9d: {  	[timem:s7], [sflag:s22] =	dma.local [hbm:s5], s20  }
0x9e: {  	_ =	swait.ge [sflag:s22], s20  }
0x9f: {  	s4 =	ssub.s32 $0x0, s20;
	[sflag:s22] =	ssyncset.done $0x0  }
0xa0: {  	[sflag:s22] =	ssyncadd.s32 s4;
	_ =	sdelay $0x1  }
0xa1: {  	s23 =	simm.s32 $0x1B8B  }
0xa2: {  	_ =	swait.ge [sflag:s23], $0x1  }
0xa3: {  	[sflag:s23] =	ssyncset.done $0x0  }
0xa4: {  	s25 =	simm.s32 $0x1B8E;
	s24 =	sld [smem:$0x3FFE];
	[sflag:s23] =	ssyncadd.s32 $0xFFFFFFFF  }
0xa5: {  	s26 =	simm.s32 $execute0_lowered;
	[smem:$0x3FD2] =	sst s25  }
0xa6: {  	s5 =	sshll.u32 s26, $0x1;
	_ =	strace $0x80000049;
	[dreg:$0x1] =	wrdreg $0xFFFFFFFF  }
0xa7: {  	s28 =	simm.s32 $_size_execute0_lowered;
	s3 =	sadd.s32 s3, s5;
	[dreg:$0x0] =	wrdreg $0x0  }
0xa8: {  	s5 =	sshll.u32 s28, $0x1;
	[dreg:$0x2] =	wrdreg s3  }
0xa9: {  	[dreg:$0x3] =	wrdreg s5  }
0xaa: {  	[dreg:$0x4] =	wrdreg $0xC0  }
0xab: {  	_ =	task [dreg:s7], $0x5FFFF  }
0xac: {  	[dreg:$0x1] =	wrdreg $0xFFFFFFFF  }
0xad: {  	[dreg:$0x0] =	wrdreg $0x60  }
0xae: {  	[dreg:$0x2] =	wrdreg s24  }
0xaf: {  	[dreg:$0x3] =	wrdreg s2  }
0xb0: {  	[dreg:$0x4] =	wrdreg $0x0  }
0xb1: {  	[dreg:$0x5] =	wrdreg $0x9C400  }
0xb2: {  	[dreg:$0x6] =	wrdreg $0x9  }
0xb3: {  	_ =	task.clear_ibuf [dreg:s7], $0x7FFFF;
	_ =	strace $0x90000049  }
0xb4: {  	s29 =	simm.s32 $0x9;
	_ =	strace $0x8000004B  }
0xb5: {  	_ =	swait.ge [sflag:s29], $0x1  }
0xb6: {  	[sflag:s29] =	ssyncadd.s32 $0xFFFFFFFF  }
0xb7: {  	_ =	strace $0x9000004B  }
0xb8: {  	_ =	sfence  }
0xb9: {  	s30 =	sld [smem:$0x0];
	_ =	sdelay $0x2  }
0xba: {  	s31 =	sshll.u32 s1, $0xD;
	s1 =	sshrl.u32 s1, $0x2  }
0xbb: {  	s3 =	sand.u32 $0x4000, s31;
	s1 =	sadd.s32 s1, s30  }
0xbc: {  	s0 =	sor.u32 s3, s0;
	s1 =	sshll.u32 s1, $0x11  }
0xbd: {  	s0 =	sor.u32 s1, s0  }
0xbe: {  	s0 =	sadd.s32 $0x8F2B, s0  }
0xbf: {  	[sflag:s0] =	ssyncadd.remote.s32 $0x1  }
0xc0: {  	_ =	sfence.sel $0xFFFF  }
0xc1: {  	[dreg:$0x0] =	wrdreg $0xFFFFFFFF;
	(pc) =	sbr.abs _section_cstart, $3  }
0xc2: {  	[dreg:$0x1] =	wrdreg $0xFFFFFFFF  }
0xc3: {  	_ =	task.clear_ibuf [dreg:s7], $0x2FFFF;
	_ =	strace $0x9FFFFFFF  }
0xc4: {  	(tm) =	ssettm $0x7FFFFFFF  }
0xc5: {  	_ =	shalt  }
tec
execute0_lowered:
.L_overlay_start_1:
0x0: {  	(tag) =	ssettag $0x1  }
0x1: {  	s0 =	rddreg [dreg:$0x0]  }
0x2: {  	s1 =	rddreg [dreg:$0x1]  }
0x3: {  	s3 =	rddreg [dreg:$0x2]  }
0x4: {  	s4 =	rddreg [dreg:$0x3];
	s2 =	srdreg.scid  }
0x5: {  	s18 =	stileid.u32;
	s5 =	simm.s32 $0x0;
	s31 =	simm.s32 $0xD2F0  }
0x6: {  	s2 =	sand.u32 $0x1, s2;
	s12 =	smul.u32 $0x271, s18;
	[smem:$0x7FF] =	sst s5  }
0x7: {  	s6 =	sadd.s32 $0xBE00, s0;
	s7 =	sadd.s32 $0x2000, s0;
	s13 =	smul.u32 $0x27100, s18  }
0x8: {  	s8 =	sadd.s32 $0x15C00, s0;
	s15 =	smul.u32 $0x9C40, s18;
	s18 =	sshll.u32 s18, $0x1  }
0x9: {  	s9 =	smul.u32 $0x2710, s2;
	_ =	strace $0x8000004A;
	s14 =	ssub.s32 $0x2, s2  }
0xa: {  	s2 =	sor.u32 s2, s18;
	s18 =	simm.s32 $0x2;
	s17 =	sshrl.u32 s13, $0x2  }
0xb: {  	s19 =	sshrl.u32 s15, $0x2;
	s20 =	sadd.s32 $0x50, s12;
	s24 =	sadd.s32 $0xF0, s12  }
0xc: {  	s26 =	sadd.s32 $0x140, s12;
	s10 =	sadd.s32 s12, s9;
	s9 =	sadd.s32 $0x1AC00, s0  }
0xd: {  	s21 =	sshll.u32 s20, $0x6;
	s13 =	sshll.u32 s20, $0x4;
	s25 =	sshll.u32 s24, $0x6  }
0xe: {  	s28 =	sshll.u32 s24, $0x4;
	s29 =	sshll.u32 s26, $0x6;
	s20 =	sadd.s32 $0x190, s12  }
0xf: {  	s11 =	sshll.u32 s10, $0x3;
	s10 =	sshll.u32 s10, $0x1;
	s15 =	sadd.s32 s21, s3  }
0x10: {  	s13 =	sadd.s32 s13, s4;
	s21 =	sshll.u32 s20, $0x6;
	s16 =	sadd.s32 s11, s0  }
0x11: {  	s0 =	sadd.s32 s10, s0;
	s11 =	sshrl.u32 s14, $0x1;
	[dreg:$0x5] =	wrdreg s15  }
0x12: {  	s10 =	sadd.s32 s17, s3;
	s17 =	sadd.s32 $0xA0, s12;
	[dreg:$0x6] =	wrdreg s13  }
0x13: {  	s15 =	sadd.s32 s29, s3;
	s14 =	ssub.s32 s14, s11;
	s11 =	sadd.s32 s19, s4  }
0x14: {  	s22 =	sshll.u32 s17, $0x6;
	s23 =	sshll.u32 s17, $0x4;
	[dreg:$0xb] =	wrdreg s15  }
0x15: {  	s19 =	sshll.u32 s26, $0x4;
	s29 =	sadd.s32 $0x1FC00, s16;
	s0 =	sadd.s32 $0x46E00, s0  }
0x16: {  	s16 =	simm.s32 $0xC8F0;
	s17 =	simm.s32 $0x1;
	s13 =	sadd.s32 s22, s3  }
0x17: {  	s15 =	sadd.s32 s19, s4;
	s22 =	sadd.s32 $0x1E0, s12;
	[dreg:$0x13] =	wrdreg s29  }
0x18: {  	s12 =	sadd.s32 $0x230, s12;
	[dreg:$0x14] =	wrdreg s0;
	s30 =	smax.u32 s14, $0x1  }
0x19: {  	s0 =	simm.s32 $0x4;
	s14 =	simm.s32 $0x50;
	[dreg:$0x7] =	wrdreg s13  }
0x1a: {  	s19 =	simm.s32 $0x3;
	s13 =	sadd.s32 s23, s4;
	[dreg:$0xc] =	wrdreg s15  }
0x1b: {  	s15 =	sadd.s32 s21, s3;
	s23 =	sshll.u32 s22, $0x6;
	[dreg:$0x8] =	wrdreg s13  }
0x1c: {  	s26 =	sshll.u32 s12, $0x6;
	s13 =	sadd.s32 s25, s3;
	[dreg:$0xd] =	wrdreg s15  }
0x1d: {  	s12 =	sshll.u32 s12, $0x4;
	s24 =	sadd.s32 s23, s3;
	[dreg:$0x9] =	wrdreg s13  }
0x1e: {  	s25 =	sshll.u32 s22, $0x4;
	s12 =	sadd.s32 s12, s4;
	[dreg:$0xf] =	wrdreg s24  }
0x1f: {  	s15 =	simm.s32 $0xC3F0;
	s13 =	sadd.s32 s28, s4;
	[dreg:$0x12] =	wrdreg s12  }
0x20: {  	s28 =	sadd.s32 s26, s3;
	[dreg:$0xa] =	wrdreg s13;
	s13 =	sshll.u32 s20, $0x4  }
0x21: {  	s26 =	smul.u32 $0x2710, s2;
	[dreg:$0x11] =	wrdreg s28;
	s13 =	sadd.s32 s13, s4  }
0x22: {  	s2 =	simm.s32 $0xCDF0;
	[dreg:$0xe] =	wrdreg s13;
	s13 =	sadd.s32 s25, s4  }
0x23: {  	v0 =	vimm.f32 $0.0e+00;
	s12 =	simm.s32 $0xC350;
	[dreg:$0x10] =	wrdreg s13;
	s13 =	simm.s32 $0xC3A0  }
.LBB2_1:
0x24: {  	s20 =	simm.s32 $0x0  }
.LBB2_2:
0x25: {  	p0 =	sne.s32 s20, $0x4F00  }
.Ltmp0:
0x26: {  	s21 =	sshra.s32 s20, $0x2;
	(pc) =	sbr.rel @p0 .LBB2_2-.Ltmp0, $4  }
0x27: {  	[tilespmem:s21+$0xD2F0] =	vst v0  }
0x28: {  	[tilespmem:s21+$0xD300] =	vst v0  }
0x29: {  	[tilespmem:s21+$0xD310] =	vst v0  }
0x2a: {  	s20 =	sadd.s32 $0x100, s20;
	[tilespmem:s21+$0xD320] =	vst v0  }
0x2b: {  	s20 =	simm.s32 $0x40;
	s21 =	simm.s32 $0x0  }
.LBB2_4:
0x2c: {  	p0 =	sne.s32 s20, $0x13C0;
	[tilespmem:s21+$0xCDF0] =	vst v0;
	s21 =	smov.u32 s20;
	s20 =	sadd.s32 $0x40, s20  }
.Ltmp1:
0x2d: {  	(pc) =	sbr.rel @p0 .LBB2_4-.Ltmp1, $2  }
0x2e: {  	_ =	sdelay $0x2  }
0x2f: {  	s21 =	sshra.s32 s21, $0x2  }
0x30: {  	[tilespmem:s21+$0xCDF0] =	vst v0  }
0x31: {  	[spmem:s10] =	stream.linear.scatter [tilespmem:s31], [sflag:$0x4], $0x1400, $0x38;
	[tilespmem:$0xE6F0] =	vst v63  }
0x32: {  	_ =	swait.ge [sflag:s0], $0x1400  }
0x33: {  	[sflag:s0] =	ssyncset.done $0x0  }
0x34: {  	[sflag:s0] =	ssyncadd.s32 $0xFFFFEC00  }
0x35: {  	[spmem:s11] =	stream.linear.scatter [tilespmem:s2], [sflag:$0x4], $0x500, $0x38;
	[tilespmem:$0xE6F0] =	vst v63  }
0x36: {  	_ =	swait.ge [sflag:s0], $0x500  }
0x37: {  	[sflag:s0] =	ssyncset.done $0x0  }
0x38: {  	s20 =	rddreg [dreg:$0x5];
	[sflag:s0] =	ssyncadd.s32 $0xFFFFFB00  }
0x39: {  	[spmem:s20] =	stream.linear.scatter [tilespmem:s31], [sflag:$0x4], $0x1400, $0x38;
	[tilespmem:$0xE6F0] =	vst v63  }
0x3a: {  	_ =	swait.ge [sflag:s0], $0x1400  }
0x3b: {  	[sflag:s0] =	ssyncset.done $0x0  }
0x3c: {  	s22 =	rddreg [dreg:$0x6];
	[sflag:s0] =	ssyncadd.s32 $0xFFFFEC00  }
0x3d: {  	[spmem:s22] =	stream.linear.scatter [tilespmem:s2], [sflag:$0x4], $0x500, $0x38;
	[tilespmem:$0xE6F0] =	vst v63  }
0x3e: {  	_ =	swait.ge [sflag:s0], $0x500  }
0x3f: {  	[sflag:s0] =	ssyncset.done $0x0  }
0x40: {  	s23 =	rddreg [dreg:$0x7];
	[sflag:s0] =	ssyncadd.s32 $0xFFFFFB00  }
0x41: {  	[spmem:s23] =	stream.linear.scatter [tilespmem:s31], [sflag:$0x4], $0x1400, $0x38;
	[tilespmem:$0xE6F0] =	vst v63  }
0x42: {  	_ =	swait.ge [sflag:s0], $0x1400  }
0x43: {  	[sflag:s0] =	ssyncset.done $0x0  }
0x44: {  	s24 =	rddreg [dreg:$0x8];
	[sflag:s0] =	ssyncadd.s32 $0xFFFFEC00  }
0x45: {  	[spmem:s24] =	stream.linear.scatter [tilespmem:s2], [sflag:$0x4], $0x500, $0x38;
	[tilespmem:$0xE6F0] =	vst v63  }
0x46: {  	_ =	swait.ge [sflag:s0], $0x500  }
0x47: {  	[sflag:s0] =	ssyncset.done $0x0  }
0x48: {  	s25 =	rddreg [dreg:$0x9];
	[sflag:s0] =	ssyncadd.s32 $0xFFFFFB00  }
0x49: {  	[spmem:s25] =	stream.linear.scatter [tilespmem:s31], [sflag:$0x4], $0x1400, $0x38;
	[tilespmem:$0xE6F0] =	vst v63  }
0x4a: {  	_ =	swait.ge [sflag:s0], $0x1400  }
0x4b: {  	[sflag:s0] =	ssyncset.done $0x0  }
0x4c: {  	s28 =	rddreg [dreg:$0xa];
	[sflag:s0] =	ssyncadd.s32 $0xFFFFEC00  }
0x4d: {  	[spmem:s28] =	stream.linear.scatter [tilespmem:s2], [sflag:$0x4], $0x500, $0x38;
	[tilespmem:$0xE6F0] =	vst v63  }
0x4e: {  	_ =	swait.ge [sflag:s0], $0x500  }
0x4f: {  	[sflag:s0] =	ssyncset.done $0x0  }
0x50: {  	s29 =	rddreg [dreg:$0xb];
	[sflag:s0] =	ssyncadd.s32 $0xFFFFFB00  }
0x51: {  	[spmem:s29] =	stream.linear.scatter [tilespmem:s31], [sflag:$0x4], $0x1400, $0x38;
	[tilespmem:$0xE6F0] =	vst v63  }
0x52: {  	_ =	swait.ge [sflag:s0], $0x1400  }
0x53: {  	[sflag:s0] =	ssyncset.done $0x0  }
0x54: {  	s21 =	rddreg [dreg:$0xc];
	[sflag:s0] =	ssyncadd.s32 $0xFFFFEC00  }
0x55: {  	[spmem:s21] =	stream.linear.scatter [tilespmem:s2], [sflag:$0x4], $0x500, $0x38;
	[tilespmem:$0xE6F0] =	vst v63  }
0x56: {  	_ =	swait.ge [sflag:s0], $0x500  }
0x57: {  	[sflag:s0] =	ssyncset.done $0x0  }
0x58: {  	s22 =	rddreg [dreg:$0xd];
	[sflag:s0] =	ssyncadd.s32 $0xFFFFFB00  }
0x59: {  	[spmem:s22] =	stream.linear.scatter [tilespmem:s31], [sflag:$0x4], $0x1400, $0x38;
	[tilespmem:$0xE6F0] =	vst v63  }
0x5a: {  	_ =	swait.ge [sflag:s0], $0x1400  }
0x5b: {  	[sflag:s0] =	ssyncset.done $0x0  }
0x5c: {  	s23 =	rddreg [dreg:$0xe];
	[sflag:s0] =	ssyncadd.s32 $0xFFFFEC00  }
0x5d: {  	[spmem:s23] =	stream.linear.scatter [tilespmem:s2], [sflag:$0x4], $0x500, $0x38;
	[tilespmem:$0xE6F0] =	vst v63  }
0x5e: {  	_ =	swait.ge [sflag:s0], $0x500  }
0x5f: {  	[sflag:s0] =	ssyncset.done $0x0  }
0x60: {  	s24 =	rddreg [dreg:$0xf];
	[sflag:s0] =	ssyncadd.s32 $0xFFFFFB00  }
0x61: {  	[spmem:s24] =	stream.linear.scatter [tilespmem:s31], [sflag:$0x4], $0x1400, $0x38;
	[tilespmem:$0xE6F0] =	vst v63  }
0x62: {  	_ =	swait.ge [sflag:s0], $0x1400  }
0x63: {  	[sflag:s0] =	ssyncset.done $0x0  }
0x64: {  	s25 =	rddreg [dreg:$0x10];
	[sflag:s0] =	ssyncadd.s32 $0xFFFFEC00  }
0x65: {  	[spmem:s25] =	stream.linear.scatter [tilespmem:s2], [sflag:$0x4], $0x500, $0x38;
	[tilespmem:$0xE6F0] =	vst v63  }
0x66: {  	_ =	swait.ge [sflag:s0], $0x500  }
0x67: {  	[sflag:s0] =	ssyncset.done $0x0  }
0x68: {  	s28 =	rddreg [dreg:$0x11];
	[sflag:s0] =	ssyncadd.s32 $0xFFFFFB00  }
0x69: {  	[spmem:s28] =	stream.linear.scatter [tilespmem:s31], [sflag:$0x4], $0x1040, $0x38;
	[tilespmem:$0xE6F0] =	vst v63  }
0x6a: {  	_ =	swait.ge [sflag:s0], $0x1040  }
0x6b: {  	[sflag:s0] =	ssyncset.done $0x0  }
0x6c: {  	s29 =	rddreg [dreg:$0x12];
	[sflag:s0] =	ssyncadd.s32 $0xFFFFEFC0  }
0x6d: {  	[spmem:s29] =	stream.linear.scatter [tilespmem:s2], [sflag:$0x4], $0x410, $0x38;
	[tilespmem:$0xE6F0] =	vst v63  }
0x6e: {  	_ =	swait.ge [sflag:s0], $0x410  }
0x6f: {  	[sflag:s0] =	ssyncset.done $0x0  }
0x70: {  	[sflag:s0] =	ssyncadd.s32 $0xFFFFFBF0  }
0x71: {  	s20 =	simm.s32 $0x0;
	s21 =	simm.s32 $0x0;
	[bflag:$0x0] =	sbarrier.arrive $0xFFFF  }
.LBB2_6:
0x72: {  	s22 =	smul.u32 $0x50, s21;
	_ =	sdelay $0x1  }
0x73: {  	s22 =	sadd.s32 s26, s22  }
0x74: {  	s22 =	sshrl.u32 s22, $0x3  }
0x75: {  	s23 =	sadd.s32 s6, s22  }
0x76: {  	[tilespmem:s12], [sflag:$0x4] =	stream.linear.gather [hbm4b:s23+s20], $0x50, $0x38;
	[tilespmem:$0xE6F0] =	vst v63  }
0x77: {  	_ =	swait.ge [sflag:s0], $0x50  }
0x78: {  	[sflag:s0] =	ssyncset.done $0x0  }
0x79: {  	s22 =	sadd.s32 s7, s22;
	[sflag:s0] =	ssyncadd.s32 $0xFFFFFFB0  }
0x7a: {  	[tilespmem:s13], [sflag:$0x4] =	stream.linear.gather [hbm4b:s22+s20], $0x50, $0x38;
	[tilespmem:$0xE6F0] =	vst v63  }
0x7b: {  	_ =	swait.ge [sflag:s0], $0x50  }
0x7c: {  	[sflag:s0] =	ssyncset.done $0x0  }
0x7d: {  	[sflag:s0] =	ssyncadd.s32 $0xFFFFFFB0  }
0x7e: {  	[tilespmem:s15], [sflag:$0x1] =	stream.indirect.gather [hbm4b:s8+s14], $0x10, s12, s14, $0xb8;
	[tilespmem:$0xE6F0] =	vst v63  }
0x7f: {  	_ = 	snop  }
0x80: {  	[tilespmem:s16], [sflag:$0x2] =	stream.indirect.gather [hbm4b:s9+s14], $0x10, s13, s14, $0xb8;
	[tilespmem:$0xE6F0] =	vst v63  }
0x81: {  	_ = 	snop  }
0x82: {  	[tilespmem:s31], [sflag:$0x3] =	stream.indirect.gather [hbm4b:s1+s14], $0x40, s12, s14, $0xb8;
	[tilespmem:$0xE6F0] =	vst v63  }
0x83: {  	_ =	swait.ge [sflag:s17], $0x500  }
0x84: {  	[sflag:s17] =	ssyncset.done $0x0  }
0x85: {  	[sflag:s17] =	ssyncadd.s32 $0xFFFFFB00  }
0x86: {  	_ =	swait.ge [sflag:s18], $0x500  }
0x87: {  	[sflag:s18] =	ssyncset.done $0x0  }
0x88: {  	s22 =	simm.s32 $0x0;
	[sflag:s18] =	ssyncadd.s32 $0xFFFFFB00  }
0x89: {  	v1 =	vld [tilespmem:s22+$0xC3F0]  }
0x8a: {  	v2 =	vld [tilespmem:s22+$0xC8F0];
	_ =	sdelay $0x4  }
0x8b: {  	v1 =	vadd.f32 v2, v1;
	_ =	sdelay $0x1  }
0x8c: {  	s23 =	simm.s32 $0x10;
	v2 =	vmul.f32 $2.000000030e-01, v1  }
0x8d: {  	v3 =	vld [tilespmem:s23+$0xC3F0];
	vm0 =	vge.f32 v1, $0.0e+00  }
0x8e: {  	v4 =	vld [tilespmem:s23+$0xC8F0];
	v1 =	vsel vm0, v1, v2  }
0x8f: {  	s24 =	simm.s32 $0x20;
	v1 =	vmul.f32 $1.442695020e+00, v1  }
0x90: {  	v2 =	vld [tilespmem:s24+$0xC3F0]  }
0x91: {  	(erf) = vpow2.f32 v1;
	v1 =	vld [tilespmem:s24+$0xC8F0];
	_ =	sdelay $0x1  }
0x92: {  	v3 =	vadd.f32 v4, v3;
	_ =	sdelay $0x1  }
0x93: {  	v4 =	vmul.f32 $2.000000030e-01, v3  }
0x94: {  	vm14 =	vge.f32 v3, $0.0e+00;
	v5 =	vadd.f32 v1, v2  }
0x95: {  	v1 =	vsel vm14, v3, v4  }
0x96: {  	s25 =	simm.s32 $0x30;
	v2 =	vmul.f32 $1.442695020e+00, v1;
	v3 =	vmul.f32 $2.000000030e-01, v5  }
0x97: {  	v1 =	vld [tilespmem:s25+$0xC3F0]  }
0x98: {  	(erf) = vpow2.f32 v2;
	v2 =	vld [tilespmem:s25+$0xC8F0]  }
0x99: {  	vm15 =	vge.f32 v5, $0.0e+00  }
0x9a: {  	s28 =	simm.s32 $0x100;
	v4 =	vsel vm15, v5, v3;
	v3 =	vpop (erf)  }
.LBB2_7:
0x9b: {  	s29 =	sshra.s32 s28, $0x2  }
0x9c: {  	v4 =	vmul.f32 $1.442695020e+00, v4;
	[tilespmem:s22+$0xCDF0] =	vst v3;
	s22 =	smov.u32 s23;
	s23 =	smov.u32 s24;
	p0 =	sne.s32 s28, $0x13C0  }
.Ltmp2:
0x9d: {  	s28 =	sadd.s32 $0x40, s28;
	v3 =	vadd.f32 v2, v1;
	v1 =	vld [tilespmem:s29+$0xC3F0];
	(pc) =	sbr.rel @p0 .LBB2_7-.Ltmp2, $4  }
0x9e: {  	s24 =	smov.u32 s25;
	s25 =	smov.u32 s29;
	v2 =	vld [tilespmem:s29+$0xC8F0];
	(erf) = vpow2.f32 v4  }
0x9f: {  	v4 =	vmul.f32 $2.000000030e-01, v3  }
0xa0: {  	vm0 =	vge.f32 v3, $0.0e+00  }
0xa1: {  	v4 =	vsel vm0, v3, v4;
	v3 =	vpop (erf)  }
0xa2: {  	_ = 	snop  }
0xa3: {  	v1 =	vadd.f32 v2, v1;
	_ =	sdelay $0x1  }
0xa4: {  	v2 =	vmul.f32 $2.000000030e-01, v1  }
0xa5: {  	vm0 =	vge.f32 v1, $0.0e+00  }
0xa6: {  	v4 =	vmul.f32 $1.442695020e+00, v4;
	v1 =	vsel vm0, v1, v2  }
0xa7: {  	v1 =	vmul.f32 $1.442695020e+00, v1  }
0xa8: {  	(erf) = vpow2.f32 v4  }
0xa9: {  	(erf) = vpow2.f32 v1;
	_ =	sdelay $0x6  }
0xaa: {  	[tilespmem:s22+$0xCDF0] =	vst v3;
	v1 =	vpop (erf)  }
0xab: {  	[tilespmem:s23+$0xCDF0] =	vst v1;
	v1 =	vpop (erf)  }
0xac: {  	[tilespmem:s24+$0xCDF0] =	vst v1;
	v1 =	vpop (erf)  }
0xad: {  	[tilespmem:s25+$0xCDF0] =	vst v1  }
0xae: {  	[spmem:s4] =	stream.indirect.scatter.add.f32 [tilespmem:s2], [sflag:$0x4], $0x10, s13, s14, $0xb8;
	[tilespmem:$0xE6F0] =	vst v63  }
0xaf: {  	_ =	swait.ge [sflag:s0], $0x500  }
0xb0: {  	[sflag:s0] =	ssyncset.done $0x0  }
0xb1: {  	[sflag:s0] =	ssyncadd.s32 $0xFFFFFB00  }
0xb2: {  	_ =	swait.ge [sflag:s19], $0x1400  }
0xb3: {  	[sflag:s19] =	ssyncset.done $0x0  }
0xb4: {  	s22 =	simm.s32 $0xD310;
	[sflag:s19] =	ssyncadd.s32 $0xFFFFEC00  }
0xb5: {  	v1 =	vld [tilespmem:s22+$0xFFFFFFF0]  }
0xb6: {  	s29 =	simm.s32 $0x0;
	v3 =	vld [tilespmem:s22+$0x10]  }
0xb7: {  	v5 =	vld.msk [tilespmem:s29+$0xCDF0 ss:$0x0], $0xffff  }
0xb8: {  	v2 =	vld [tilespmem:s22+$0xFFFFFFE0]  }
0xb9: {  	v6 =	vld [tilespmem:s22+$0x0];
	_ =	sdelay $0x3  }
0xba: {  	v2 =	vmul.f32 v5, v2;
	v4 =	vmul.f32 v3, v5  }
0xbb: {  	s23 =	simm.s32 $0x40;
	s24 =	simm.s32 $0xD310;
	v3 =	vmul.f32 v1, v5;
	v1 =	vmul.f32 v6, v5  }
.LBB2_9:
0xbc: {  	p0 =	sne.s32 s23, $0x13C0  }
0xbd: {  	[tilespmem:s22+$0x10] =	vst v4;
	s24 =	sadd.s32 $0x40, s24;
	s25 =	smov.u32 s23;
	s23 =	sadd.s32 $0x40, s23  }
0xbe: {  	[tilespmem:s22+$0xFFFFFFE0] =	vst v2  }
0xbf: {  	v5 =	vld [tilespmem:s24+$0xFFFFFFF0];
	[tilespmem:s22+$0xFFFFFFF0] =	vst v3  }
0xc0: {  	s25 =	sshra.s32 s25, $0x2;
	v3 =	vld [tilespmem:s24+$0x10];
	[tilespmem:s22+$0x0] =	vst v1;
	s22 =	smov.u32 s24  }
0xc1: {  	v1 =	vld.msk [tilespmem:s25+$0xCDF0 ss:$0x0], $0xffff  }
0xc2: {  	v2 =	vld [tilespmem:s24+$0xFFFFFFE0]  }
0xc3: {  	v6 =	vld [tilespmem:s24+$0x0]  }
.Ltmp3:
0xc4: {  	(pc) =	sbr.rel @p0 .LBB2_9-.Ltmp3, $3  }
0xc5: {  	_ =	sdelay $0x1  }
0xc6: {  	v4 =	vmul.f32 v3, v1;
	v2 =	vmul.f32 v1, v2  }
0xc7: {  	v3 =	vmul.f32 v5, v1;
	v1 =	vmul.f32 v6, v1  }
0xc8: {  	[tilespmem:s22+$0x10] =	vst v4  }
0xc9: {  	[tilespmem:s22+$0xFFFFFFE0] =	vst v2;
	s21 =	sadd.s32 $0x1, s21  }
0xca: {  	[tilespmem:s22+$0xFFFFFFF0] =	vst v3;
	p0 =	sne.s32 s21, $0x7D  }
.Ltmp4:
0xcb: {  	[tilespmem:s22+$0x0] =	vst v1;
	(pc) =	sbr.rel @p0 .LBB2_6-.Ltmp4, $4  }
0xcc: {  	[spmem:s3] =	stream.indirect.scatter.add.f32 [tilespmem:s31], [sflag:$0x4], $0x40, s13, s14, $0xb8;
	[tilespmem:$0xE6F0] =	vst v63  }
0xcd: {  	_ =	swait.ge [sflag:s0], $0x1400  }
0xce: {  	[sflag:s0] =	ssyncset.done $0x0  }
0xcf: {  	[sflag:s0] =	ssyncadd.s32 $0xFFFFEC00  }
0xd0: {  	s20 =	stileid.u32  }
0xd1: {  	[bflag:$0x0] =	sbarrier.arrive $0xFFFF;
	s20 =	sshll.u32 s20, $0x6  }
0xd2: {  	s21 =	sshrl.u32 s10, $0x3;
	s22 =	rddreg [dreg:$0x13];
	s20 =	sor.u32 $0x1C04, s20  }
0xd3: {  	[hbm:s22], [sflag:s20] =	dma.local [spmem:s21], $0x1388  }
0xd4: {  	s5 =	sadd.s32 $0x1, s5;
	_ =	swait.ge [sflag:s0], $0x1388  }
0xd5: {  	s28 =	sshrl.u32 s11, $0x3;
	p0 =	sne.s32 s5, s30;
	[sflag:s0] =	ssyncset.done $0x0  }
.Ltmp5:
0xd6: {  	s29 =	rddreg [dreg:$0x14];
	[sflag:s0] =	ssyncadd.s32 $0xFFFFEC78;
	(pc) =	sbr.rel @p0 .LBB2_1-.Ltmp5, $4  }
0xd7: {  	[hbm:s29], [sflag:s20] =	dma.local [spmem:s28], $0x4E2  }
0xd8: {  	_ =	swait.ge [sflag:s0], $0x4E2  }
0xd9: {  	[sflag:s0] =	ssyncset.done $0x0  }
0xda: {  	[sflag:s0] =	ssyncadd.s32 $0xFFFFFB1E  }
0xdb: {  	_ =	sfence.sel $0x180000  }
0xdc: {  	[bflag:$0x0] =	sbarrier.arrive $0xFFFF  }
0xdd: {  	_ =	strace $0x9000004A  }
0xde: {  	s0 =	stileid.u32;
	[bflag:$0x2] =	sbarrier.arrive $0xFFFF  }
0xdf: {  	p0 =	sne.s32 s0, $0x0;
	s0 =	rddreg [dreg:$0x4]  }
0xe0: {  	s0 =	sadd.s32 @!p0 $0x100000, s0  }
0xe1: {  	[sflag:s0] =	ssyncadd.tile.s32 @!p0 $0x1;
	_ =	shalt  }
.Lfunc_end2:
_tile_overlayer_lowered:
.L_overlay_start_2:
0xe2: {  	(tag) =	ssettag $0x2  }
0xe3: {  	s0 =	rddreg [dreg:$0x0];
	s2 =	stileid.u32  }
0xe4: {  	s1 =	rddreg [dreg:$0x1];
	p0 =	sne.s32 s2, $0x0  }
0xe5: {  	s3 =	rddreg [dreg:$0x2];
	[bflag:$0x3] =	sbarrier.arrive $0xFFFF;
	s2 =	simm.s32 @!p0 $0x1C04  }
0xe6: {  	[timem:s3], [sflag:s2] =	dma.local @!p0 [hbm:s0], s1  }
0xe7: {  	s0 =	simm.s32 @!p0 $0x4  }
0xe8: {  	_ =	swait.ge @!p0 [sflag:s0], s1  }
0xe9: {  	s1 =	ssub.s32 @!p0 $0x0, s1;
	[sflag:s0] =	ssyncset.done @!p0 $0x0  }
0xea: {  	[sflag:s0] =	ssyncadd.s32 @!p0 s1  }
0xeb: {  	[bflag:$0x3] =	sbarrier.arrive $0xFFFF  }
0xec: {  	_ =	shalt  }

// kernel: kernel.7.cloned.1.call-start
scs
__scs_entry_jumppad:
0x0: {  	(pc) =	sbr.rel $0x88, $3  }
0x1: {  	(tag) =	ssettag $0x0;
	lr =	simm.s32 $0x1  }
0x2: {  	[smem:$0x3F97] =	sst lr;
	_ =	strace $0xD0000000  }
0x3: {  	_ = 	snop  }
0x4: {  	_ = 	snop  }
0x5: {  	_ = 	snop  }
0x6: {  	_ = 	snop  }
0x7: {  	_ = 	snop  }
__scs_overlays_trampoline_lowered:
0x8: {  	[smem:$0x3FA6] =	sst s0  }
0x9: {  	[smem:$0x3FA7] =	sst s1  }
0xa: {  	[smem:$0x3FA8] =	sst s2  }
0xb: {  	[smem:$0x3FA9] =	sst s3  }
0xc: {  	[smem:$0x3FAA] =	sst s4  }
0xd: {  	[smem:$0x3FAB] =	sst s5  }
0xe: {  	[smem:$0x3FAC] =	sst s6  }
0xf: {  	[smem:$0x3FAD] =	sst s7  }
0x10: {  	[smem:$0x3FAE] =	sst s8  }
0x11: {  	[smem:$0x3FAF] =	sst s9;
	s0 =	simm.s32 @!p0 $0x0  }
0x12: {  	s1 =	sld [smem:$0x3F95];
	s0 =	simm.s32 @p0 $0x1  }
0x13: {  	[smem:$0x3FB0] =	sst s0;
	s0 =	simm.s32 @!p1 $0x0  }
0x14: {  	s2 =	sld [smem:$0x3F94];
	s0 =	simm.s32 @p1 $0x1  }
0x15: {  	[smem:$0x3FB1] =	sst s0;
	s0 =	simm.s32 @!p2 $0x0  }
0x16: {  	s3 =	sld [smem:$0x3FDB];
	s0 =	simm.s32 @p2 $0x1  }
0x17: {  	s4 =	simm.s32 $0x1BF5;
	[smem:$0x3FB3] =	sst s0  }
0x18: {  	s0 =	sld [smem:$0x3F96];
	_ =	swait.ge [sflag:s4], $0x0  }
0x19: {  	s7 =	sld [smem:$0x3F97]  }
0x1a: {  	s8 =	sadd.s32 $0xFFFFE003, lr  }
0x1b: {  	s9 =	sadd.s32 $0xFFFFFEF7, lr;
	s5 =	simm.s32 $0xFFFFFFFF;
	p2 =	slt.u32 s8, $0xFFFFF086  }
0x1c: {  	p1 =	slt.u32 s9, $0xF7A;
	s5 =	simm.s32 @!p2 $0x0  }
0x1d: {  	s5 =	simm.s32 @p1 $0x1;
	p0 =	seq.s32 s7, s2  }
0x1e: {  	s7 =	smul.u32 @!p0 $0xF7A, s2;
	p2 =	seq.s32 @!p0 s5, $0x0  }
0x1f: {  	s9 =	smul.u32 $0xF7A, s1;
	s8 =	simm.s32 @!p0 $0x1BF5;
	p2 =	por !p2, p0  }
0x20: {  	[sflag:s8] =	ssyncset.s32 @!p0 $0xFFFFF086;
	s6 =	sadd.s32 @!p0 s3, s7;
	s7 =	simm.s32 @!p0 $0x108  }
0x21: {  	s3 =	sadd.s32 s3, s9;
	s6 =	sadd.s32 @!p0 $0x88, s6;
	s7 =	simm.s32 @p2 $0x1082  }
0x22: {  	[simem:s7], [sflag:s8] =	dma.local @!p0 [hbm:s6], $0xF7A  }
0x23: {  	s9 =	sor.u32 $0xD0000000, s2;
	s6 =	simm.s32 $0x108;
	_ =	swait.ge @!p0 [sflag:s8], $0x0  }
0x24: {  	s3 =	sadd.s32 $0x88, s3;
	s6 =	simm.s32 @!p1 $0x1082;
	[sflag:s4] =	ssyncset.s32 $0xFFFFF086  }
0x25: {  	[simem:s6], [sflag:s4] =	dma.local [hbm:s3], $0xF7A  }
0x26: {  	[smem:$0x3F97] =	sst s1;
	(tag) =	ssettag s2;
	_ =	strace s9  }
0x27: {  	s1 =	sld [smem:$0x3FA7]  }
0x28: {  	s2 =	sld [smem:$0x3FA8]  }
0x29: {  	s4 =	sld [smem:$0x3FAA]  }
0x2a: {  	p0 =	seq.s32 s5, $0x0;
	s5 =	sld [smem:$0x3FAB]  }
0x2b: {  	s6 =	sld [smem:$0x3FAC]  }
0x2c: {  	s7 =	sld [smem:$0x3FAD]  }
0x2d: {  	s3 =	simm.s32 $0x108;
	s8 =	sld [smem:$0x3FAE]  }
0x2e: {  	s3 =	simm.s32 @!p0 $0x1082;
	s9 =	sld [smem:$0x3FAF]  }
0x2f: {  	lr =	sadd.s32 s0, s3;
	s0 =	sld [smem:$0x3FA6]  }
0x30: {  	s3 =	sld [smem:$0x3FA9]  }
0x31: {  	[smem:$0x3FB2] =	sst s10  }
0x32: {  	s10 =	sld [smem:$0x3FB0];
	_ =	sdelay $0x3  }
0x33: {  	p0 =	seq.s32 s10, $0x1;
	s10 =	sld [smem:$0x3FB2];
	_ =	sdelay $0x3  }
0x34: {  	[smem:$0x3FB2] =	sst s10  }
0x35: {  	s10 =	sld [smem:$0x3FB1];
	_ =	sdelay $0x3  }
0x36: {  	p1 =	seq.s32 s10, $0x1;
	s10 =	sld [smem:$0x3FB2];
	_ =	sdelay $0x3  }
0x37: {  	[smem:$0x3FB2] =	sst s10  }
0x38: {  	s10 =	sld [smem:$0x3FB3]  }
0x39: {  	_ = 	snop;
	(pc) =	sbr.ind lr, $3  }
0x3a: {  	_ = 	snop  }
0x3b: {  	_ = 	snop  }
0x3c: {  	p2 =	seq.s32 s10, $0x1;
	s10 =	sld [smem:$0x3FB2]  }
0x3d: {  	_ =	shalt  }
0x3e: {  	_ =	shalt  }
0x3f: {  	_ =	shalt  }
0x40: {  	_ =	shalt  }
0x41: {  	_ =	shalt  }
0x42: {  	_ =	shalt  }
0x43: {  	_ =	shalt  }
0x44: {  	_ =	shalt  }
0x45: {  	_ =	shalt  }
0x46: {  	_ =	shalt  }
0x47: {  	_ =	shalt  }
0x48: {  	_ =	shalt  }
0x49: {  	_ =	shalt  }
0x4a: {  	_ =	shalt  }
0x4b: {  	_ =	shalt  }
0x4c: {  	_ =	shalt  }
0x4d: {  	_ =	shalt  }
0x4e: {  	_ =	shalt  }
0x4f: {  	_ =	shalt  }
0x50: {  	_ =	shalt  }
0x51: {  	_ =	shalt  }
0x52: {  	_ =	shalt  }
0x53: {  	_ =	shalt  }
0x54: {  	_ =	shalt  }
0x55: {  	_ =	shalt  }
0x56: {  	_ =	shalt  }
0x57: {  	_ =	shalt  }
0x58: {  	_ =	shalt  }
0x59: {  	_ =	shalt  }
0x5a: {  	_ =	shalt  }
0x5b: {  	_ =	shalt  }
0x5c: {  	_ =	shalt  }
0x5d: {  	_ =	shalt  }
0x5e: {  	_ =	shalt  }
0x5f: {  	_ =	shalt  }
0x60: {  	_ =	shalt  }
0x61: {  	_ =	shalt  }
0x62: {  	_ =	shalt  }
0x63: {  	_ =	shalt  }
0x64: {  	_ =	shalt  }
0x65: {  	_ =	shalt  }
0x66: {  	_ =	shalt  }
0x67: {  	_ =	shalt  }
0x68: {  	_ =	shalt  }
0x69: {  	_ =	shalt  }
0x6a: {  	_ =	shalt  }
0x6b: {  	_ =	shalt  }
0x6c: {  	_ =	shalt  }
0x6d: {  	_ =	shalt  }
0x6e: {  	_ =	shalt  }
0x6f: {  	_ =	shalt  }
0x70: {  	_ =	shalt  }
0x71: {  	_ =	shalt  }
0x72: {  	_ =	shalt  }
0x73: {  	_ =	shalt  }
0x74: {  	_ =	shalt  }
0x75: {  	_ =	shalt  }
0x76: {  	_ =	shalt  }
0x77: {  	_ =	shalt  }
0x78: {  	_ =	shalt  }
0x79: {  	_ =	shalt  }
0x7a: {  	_ =	shalt  }
0x7b: {  	_ =	shalt  }
0x7c: {  	_ =	shalt  }
0x7d: {  	_ =	shalt  }
0x7e: {  	_ =	shalt  }
0x7f: {  	_ =	shalt  }
0x80: {  	_ =	shalt  }
0x81: {  	_ =	shalt  }
0x82: {  	_ =	shalt  }
0x83: {  	_ =	shalt  }
0x84: {  	_ =	shalt  }
0x85: {  	_ =	shalt  }
0x86: {  	_ =	shalt  }
0x87: {  	_ =	shalt  }
.Lfunc_end0:
.L_simem_size_0:
called_computation_lowered:
.L_overlay_start_0:
0x88: {  	s2 =	sld [smem:$0x3FD9]  }
0x89: {  	s3 =	sld [smem:$0x3FFE];
	_ =	sdelay $0x1  }
0x8a: {  	s1 =	srdreg.scid  }
0x8b: {  	s0 =	sand.u32 $0x1, s1  }
0x8c: {  	s17 =	sshll.u32 s0, $0xA;
	s2 =	sadd.s32 s3, s2  }
0x8d: {  	s2 =	sadd.s32 s2, s17  }
0x8e: {  	[smem:$0x3FBE] =	sst s2  }
0x8f: {  	_ = 	snop  }
0x90: {  	s2 =	sld [smem:$0x3FD0];
	(tm) =	ssettm $0x1  }
0x91: {  	s18 =	sld [smem:$0x3FFB];
	_ =	sdelay $0x3  }
0x92: {  	_ =	strace s18  }
0x93: {  	s3 =	sld [smem:$0x3FFC];
	_ =	sdelay $0x3  }
0x94: {  	_ =	strace s3  }
0x95: {  	s3 =	sld [smem:$0x3FFD];
	_ =	sdelay $0x3  }
0x96: {  	_ =	strace s3  }
0x97: {  	_ =	strace $0x8FFFFFFF  }
0x98: {  	s19 =	sld [smem:$0x3FDB];
	_ =	sdelay $0x1  }
0x99: {  	s4 =	simm.s32 $_scs_section_size  }
0x9a: {  	s5 =	simm.s32 $_size__tile_overlayer_lowered;
	s6 =	simm.s32 $_tile_overlayer_lowered  }
0x9b: {  	s22 =	simm.s32 $0x1BFF;
	s21 =	sshll.u32 s6, $0x1;
	s3 =	sadd.s32 s4, s19  }
0x9c: {  	s7 =	simm.s32 $0x0;
	s20 =	sshll.u32 s5, $0x1;
	s5 =	sadd.s32 s21, s3  }
0x9d: {  	[timem:s7], [sflag:s22] =	dma.local [hbm:s5], s20  }
0x9e: {  	_ =	swait.ge [sflag:s22], s20  }
0x9f: {  	s4 =	ssub.s32 $0x0, s20;
	[sflag:s22] =	ssyncset.done $0x0  }
0xa0: {  	[sflag:s22] =	ssyncadd.s32 s4;
	_ =	sdelay $0x1  }
0xa1: {  	s23 =	simm.s32 $0x1B8B  }
0xa2: {  	_ =	swait.ge [sflag:s23], $0x1  }
0xa3: {  	[sflag:s23] =	ssyncset.done $0x0  }
0xa4: {  	s25 =	simm.s32 $0x1B8E;
	s24 =	sld [smem:$0x3FFE];
	[sflag:s23] =	ssyncadd.s32 $0xFFFFFFFF  }
0xa5: {  	s26 =	simm.s32 $execute0_lowered;
	[smem:$0x3FD2] =	sst s25  }
0xa6: {  	s5 =	sshll.u32 s26, $0x1;
	_ =	strace $0x80000046;
	[dreg:$0x1] =	wrdreg $0xFFFFFFFF  }
0xa7: {  	s28 =	simm.s32 $_size_execute0_lowered;
	s3 =	sadd.s32 s3, s5;
	[dreg:$0x0] =	wrdreg $0x0  }
0xa8: {  	s5 =	sshll.u32 s28, $0x1;
	[dreg:$0x2] =	wrdreg s3  }
0xa9: {  	[dreg:$0x3] =	wrdreg s5  }
0xaa: {  	[dreg:$0x4] =	wrdreg $0xC0  }
0xab: {  	_ =	task [dreg:s7], $0x5FFFF  }
0xac: {  	[dreg:$0x1] =	wrdreg $0xFFFFFFFF  }
0xad: {  	[dreg:$0x0] =	wrdreg $0x60  }
0xae: {  	[dreg:$0x2] =	wrdreg s24  }
0xaf: {  	[dreg:$0x3] =	wrdreg s2  }
0xb0: {  	[dreg:$0x4] =	wrdreg $0x0  }
0xb1: {  	[dreg:$0x5] =	wrdreg $0x186A00  }
0xb2: {  	[dreg:$0x6] =	wrdreg $0x9  }
0xb3: {  	_ =	task.clear_ibuf [dreg:s7], $0x7FFFF;
	_ =	strace $0x90000046  }
0xb4: {  	s29 =	simm.s32 $0x9;
	_ =	strace $0x80000048  }
0xb5: {  	_ =	swait.ge [sflag:s29], $0x1  }
0xb6: {  	[sflag:s29] =	ssyncadd.s32 $0xFFFFFFFF  }
0xb7: {  	_ =	strace $0x90000048  }
0xb8: {  	_ =	sfence  }
0xb9: {  	s30 =	sld [smem:$0x0];
	_ =	sdelay $0x2  }
0xba: {  	s31 =	sshll.u32 s1, $0xD;
	s1 =	sshrl.u32 s1, $0x2  }
0xbb: {  	s3 =	sand.u32 $0x4000, s31;
	s1 =	sadd.s32 s1, s30  }
0xbc: {  	s0 =	sor.u32 s3, s0;
	s1 =	sshll.u32 s1, $0x11  }
0xbd: {  	s0 =	sor.u32 s1, s0  }
0xbe: {  	s0 =	sadd.s32 $0x8F2B, s0  }
0xbf: {  	[sflag:s0] =	ssyncadd.remote.s32 $0x1  }
0xc0: {  	_ =	sfence.sel $0xFFFF  }
0xc1: {  	[dreg:$0x0] =	wrdreg $0xFFFFFFFF;
	(pc) =	sbr.abs _section_cstart, $3  }
0xc2: {  	[dreg:$0x1] =	wrdreg $0xFFFFFFFF  }
0xc3: {  	_ =	task.clear_ibuf [dreg:s7], $0x2FFFF;
	_ =	strace $0x9FFFFFFF  }
0xc4: {  	(tm) =	ssettm $0x7FFFFFFF  }
0xc5: {  	_ =	shalt  }
tec
execute0_lowered:
.L_overlay_start_1:
0x0: {  	(tag) =	ssettag $0x1  }
0x1: {  	s0 =	rddreg [dreg:$0x0]  }
0x2: {  	s1 =	rddreg [dreg:$0x1]  }
0x3: {  	s2 =	srdreg.scid;
	s20 =	stileid.u32  }
0x4: {  	s3 =	rddreg [dreg:$0x2];
	s12 =	smul.u32 $0x271, s20  }
0x5: {  	s4 =	rddreg [dreg:$0x3];
	s5 =	simm.s32 $0x0;
	s11 =	smul.u32 $0x2710, s20  }
0x6: {  	s31 =	simm.s32 $0x1BDA0;
	s2 =	sand.u32 $0x1, s2;
	s14 =	smul.u32 $0x61A80, s20  }
0x7: {  	[smem:$0x7FF] =	sst s5;
	s8 =	sadd.s32 $0x105400, s0;
	s30 =	smul.u32 $0x4E20, s20  }
0x8: {  	s9 =	sadd.s32 $0x100400, s0;
	s20 =	simm.s32 $0x1AE50;
	s6 =	smul.u32 $0x2710, s2  }
0x9: {  	_ =	strace $0x80000047;
	s15 =	ssub.s32 $0x2, s2;
	p0 =	sne.s32 s2, $0x0  }
0xa: {  	s29 =	sshrl.u32 s11, $0x3;
	s16 =	sadd.s32 $0x50, s12;
	s17 =	sshrl.u32 s15, $0x1  }
0xb: {  	s18 =	sshrl.u32 s14, $0x2;
	s11 =	sadd.s32 s11, s4;
	s22 =	sadd.s32 $0x19000, s14  }
0xc: {  	s25 =	sadd.s32 $0x25800, s14;
	s26 =	sadd.s32 $0x32000, s14;
	s7 =	sadd.s32 s12, s6  }
0xd: {  	s6 =	sadd.s32 $0xBE00, s0;
	s19 =	smul.u32 $0x280, s16;
	s15 =	ssub.s32 s15, s17  }
0xe: {  	s16 =	sshll.u32 s16, $0x4;
	s23 =	sshrl.u32 s22, $0x2;
	s12 =	sshll.u32 s12, $0x4  }
0xf: {  	s10 =	smul.u32 $0x14, s7;
	s7 =	sadd.s32 $0x2000, s0;
	s16 =	sadd.s32 s16, s4  }
0x10: {  	s24 =	sadd.s32 s23, s3;
	s12 =	sadd.s32 s4, s12;
	[dreg:$0x6] =	wrdreg s16  }
0x11: {  	s21 =	sshrl.u32 s19, $0x2;
	[dreg:$0x7] =	wrdreg s24;
	s28 =	sadd.s32 $0xA00, s12  }
0x12: {  	s16 =	sshrl.u32 s25, $0x2;
	s23 =	sadd.s32 $0x1400, s12;
	[dreg:$0x8] =	wrdreg s28  }
0x13: {  	s19 =	sadd.s32 $0x3E800, s14;
	s24 =	sadd.s32 $0x1900, s12;
	[dreg:$0xf] =	wrdreg s23  }
0x14: {  	s25 =	sadd.s32 $0x1E00, s12;
	s13 =	sadd.s32 s10, s0;
	[dreg:$0x10] =	wrdreg s24  }
0x15: {  	s0 =	sadd.s32 s29, s0;
	s17 =	sadd.s32 s21, s3;
	[dreg:$0x11] =	wrdreg s25  }
0x16: {  	s10 =	sadd.s32 s18, s3;
	s16 =	sadd.s32 s16, s3;
	[dreg:$0x5] =	wrdreg s17  }
0x17: {  	s29 =	sadd.s32 $0xF00, s12;
	s21 =	sadd.s32 $0x4B000, s14;
	[dreg:$0x9] =	wrdreg s16  }
0x18: {  	s14 =	sadd.s32 $0x57800, s14;
	s17 =	sshrl.u32 s26, $0x2;
	[dreg:$0xa] =	wrdreg s29  }
0x19: {  	s16 =	sshrl.u32 s19, $0x2;
	s2 =	sshrl.u32 s21, $0x2;
	s22 =	sshrl.u32 s14, $0x2  }
0x1a: {  	s26 =	sadd.s32 $0x2300, s12;
	s28 =	sadd.s32 $0x16C000, s13;
	s0 =	sadd.s32 $0x167000, s0  }
0x1b: {  	s29 =	smax.u32 s15, $0x1;
	s12 =	simm.s32 $0x1ADB0;
	[dreg:$0x12] =	wrdreg s26  }
0x1c: {  	s13 =	simm.s32 $0x1AE00;
	s14 =	simm.s32 $0x50;
	[dreg:$0x13] =	wrdreg s28  }
0x1d: {  	s15 =	simm.s32 $0x1AEA0;
	s19 =	simm.s32 $0x3;
	[dreg:$0x14] =	wrdreg s0  }
.Ltmp0:
0x1e: {  	s18 =	sadd.s32 s17, s3;
	[dreg:$0x15] =	wrdreg s29;
	(pc) =	sbr.rel .LBB2_1-.Ltmp0, $4  }
0x1f: {  	s16 =	sadd.s32 s16, s3;
	s2 =	sadd.s32 s2, s3;
	[dreg:$0xb] =	wrdreg s18  }
0x20: {  	s0 =	simm.s32 $0x1B8A0;
	s17 =	simm.s32 $0x1;
	[dreg:$0xc] =	wrdreg s16  }
0x21: {  	[dreg:$0xd] =	wrdreg s2;
	s2 =	sadd.s32 s22, s3;
	s16 =	simm.s32 $0x1B3A0  }
0x22: {  	v0 =	vimm.f32 $0.0e+00;
	s18 =	simm.s32 $0x2;
	[dreg:$0xe] =	wrdreg s2;
	s2 =	simm.s32 $0x4  }
.LBB2_16:
0x23: {  	s21 =	stileid.u32  }
0x24: {  	[bflag:$0x0] =	sbarrier.arrive $0xFFFF;
	s21 =	sshll.u32 s21, $0x6  }
0x25: {  	s22 =	sshrl.u32 s10, $0x3;
	s23 =	rddreg [dreg:$0x13];
	s21 =	sor.u32 $0x1C04, s21  }
0x26: {  	[hbm:s23], [sflag:s21] =	dma.local [spmem:s22], $0x30D4  }
0x27: {  	_ =	swait.ge [sflag:s2], $0x30D4  }
0x28: {  	[sflag:s2] =	ssyncset.done $0x0  }
0x29: {  	s22 =	sshrl.u32 @!p0 s11, $0x3;
	s23 =	rddreg [dreg:$0x14];
	[sflag:s2] =	ssyncadd.s32 $0xFFFFCF2C  }
0x2a: {  	[hbm:s23], [sflag:s21] =	dma.local @!p0 [spmem:s22], $0x4E2  }
0x2b: {  	s21 =	simm.s32 @!p0 $0x4  }
0x2c: {  	_ =	swait.ge @!p0 [sflag:s21], $0x4E2  }
0x2d: {  	s5 =	sadd.s32 $0x1, s5;
	s29 =	rddreg [dreg:$0x15]  }
0x2e: {  	p1 =	sne.s32 s5, s29  }
.Ltmp1:
0x2f: {  	_ = 	snop;
	(pc) =	sbr.rel @!p1 .LBB2_17-.Ltmp1, $3  }
0x30: {  	_ =	sdelay $0x1  }
0x31: {  	[sflag:s21] =	ssyncset.done @!p0 $0x0  }
0x32: {  	[sflag:s21] =	ssyncadd.s32 @!p0 $0xFFFFFB1E  }
.LBB2_1:
0x33: {  	s21 =	simm.s32 $0x0;
	s22 =	simm.s32 $0x280  }
.LBB2_2:
0x34: {  	p1 =	sne.s32 s22, $0xC580;
	[tilespmem:s21+$0x1BE30] =	vst v0  }
0x35: {  	[tilespmem:s21+$0x1BDA0] =	vst v0  }
0x36: {  	[tilespmem:s21+$0x1BDB0] =	vst v0  }
0x37: {  	[tilespmem:s21+$0x1BDC0] =	vst v0  }
0x38: {  	[tilespmem:s21+$0x1BDD0] =	vst v0  }
.Ltmp2:
0x39: {  	[tilespmem:s21+$0x1BDE0] =	vst v0;
	(pc) =	sbr.rel @p1 .LBB2_2-.Ltmp2, $4  }
0x3a: {  	[tilespmem:s21+$0x1BDF0] =	vst v0  }
0x3b: {  	[tilespmem:s21+$0x1BE00] =	vst v0  }
0x3c: {  	[tilespmem:s21+$0x1BE10] =	vst v0  }
0x3d: {  	[tilespmem:s21+$0x1BE20] =	vst v0;
	s21 =	sshra.s32 s22, $0x2;
	s22 =	sadd.s32 $0x280, s22  }
0x3e: {  	[tilespmem:s21+$0x1BE30] =	vst v0  }
0x3f: {  	[tilespmem:s21+$0x1BDA0] =	vst v0  }
0x40: {  	[tilespmem:s21+$0x1BDB0] =	vst v0  }
0x41: {  	[tilespmem:s21+$0x1BDC0] =	vst v0  }
0x42: {  	[tilespmem:s21+$0x1BDD0] =	vst v0  }
0x43: {  	[tilespmem:s21+$0x1BDE0] =	vst v0  }
0x44: {  	[tilespmem:s21+$0x1BDF0] =	vst v0  }
0x45: {  	[tilespmem:s21+$0x1BE00] =	vst v0  }
0x46: {  	[tilespmem:s21+$0x1BE10] =	vst v0  }
0x47: {  	[tilespmem:s21+$0x1BE20] =	vst v0;
	s21 =	simm.s32 $0x40;
	s22 =	simm.s32 $0x0  }
.LBB2_4:
0x48: {  	p1 =	sne.s32 s21, $0x13C0;
	[tilespmem:s22+$0x1B8A0] =	vst v0;
	s22 =	smov.u32 s21;
	s21 =	sadd.s32 $0x40, s21  }
.Ltmp3:
0x49: {  	(pc) =	sbr.rel @p1 .LBB2_4-.Ltmp3, $2  }
0x4a: {  	_ =	sdelay $0x2  }
0x4b: {  	s22 =	sshra.s32 s22, $0x2  }
0x4c: {  	[tilespmem:s22+$0x1B8A0] =	vst v0  }
0x4d: {  	[spmem:s10] =	stream.linear.scatter [tilespmem:s31], [sflag:$0x4], $0x3200, $0x38;
	[tilespmem:$0x1EFA0] =	vst v63  }
0x4e: {  	_ =	swait.ge [sflag:s2], $0x3200  }
0x4f: {  	[sflag:s2] =	ssyncset.done $0x0  }
0x50: {  	[sflag:s2] =	ssyncadd.s32 $0xFFFFCE00  }
0x51: {  	[spmem:s11] =	stream.linear.scatter [tilespmem:s0], [sflag:$0x4], $0x500, $0x38;
	[tilespmem:$0x1EFA0] =	vst v63  }
0x52: {  	_ =	swait.ge [sflag:s2], $0x500  }
0x53: {  	[sflag:s2] =	ssyncset.done $0x0  }
0x54: {  	s21 =	rddreg [dreg:$0x5];
	[sflag:s2] =	ssyncadd.s32 $0xFFFFFB00  }
0x55: {  	[spmem:s21] =	stream.linear.scatter [tilespmem:s31], [sflag:$0x4], $0x3200, $0x38;
	[tilespmem:$0x1EFA0] =	vst v63  }
0x56: {  	_ =	swait.ge [sflag:s2], $0x3200  }
0x57: {  	[sflag:s2] =	ssyncset.done $0x0  }
0x58: {  	s23 =	rddreg [dreg:$0x6];
	[sflag:s2] =	ssyncadd.s32 $0xFFFFCE00  }
0x59: {  	[spmem:s23] =	stream.linear.scatter [tilespmem:s0], [sflag:$0x4], $0x500, $0x38;
	[tilespmem:$0x1EFA0] =	vst v63  }
0x5a: {  	_ =	swait.ge [sflag:s2], $0x500  }
0x5b: {  	[sflag:s2] =	ssyncset.done $0x0  }
0x5c: {  	s24 =	rddreg [dreg:$0x7];
	[sflag:s2] =	ssyncadd.s32 $0xFFFFFB00  }
0x5d: {  	[spmem:s24] =	stream.linear.scatter [tilespmem:s31], [sflag:$0x4], $0x3200, $0x38;
	[tilespmem:$0x1EFA0] =	vst v63  }
0x5e: {  	_ =	swait.ge [sflag:s2], $0x3200  }
0x5f: {  	[sflag:s2] =	ssyncset.done $0x0  }
0x60: {  	s25 =	rddreg [dreg:$0x8];
	[sflag:s2] =	ssyncadd.s32 $0xFFFFCE00  }
0x61: {  	[spmem:s25] =	stream.linear.scatter [tilespmem:s0], [sflag:$0x4], $0x500, $0x38;
	[tilespmem:$0x1EFA0] =	vst v63  }
0x62: {  	_ =	swait.ge [sflag:s2], $0x500  }
0x63: {  	[sflag:s2] =	ssyncset.done $0x0  }
0x64: {  	s26 =	rddreg [dreg:$0x9];
	[sflag:s2] =	ssyncadd.s32 $0xFFFFFB00  }
0x65: {  	[spmem:s26] =	stream.linear.scatter [tilespmem:s31], [sflag:$0x4], $0x3200, $0x38;
	[tilespmem:$0x1EFA0] =	vst v63  }
0x66: {  	_ =	swait.ge [sflag:s2], $0x3200  }
0x67: {  	[sflag:s2] =	ssyncset.done $0x0  }
0x68: {  	s28 =	rddreg [dreg:$0xa];
	[sflag:s2] =	ssyncadd.s32 $0xFFFFCE00  }
0x69: {  	[spmem:s28] =	stream.linear.scatter [tilespmem:s0], [sflag:$0x4], $0x500, $0x38;
	[tilespmem:$0x1EFA0] =	vst v63  }
0x6a: {  	_ =	swait.ge [sflag:s2], $0x500  }
0x6b: {  	[sflag:s2] =	ssyncset.done $0x0  }
0x6c: {  	s29 =	rddreg [dreg:$0xb];
	[sflag:s2] =	ssyncadd.s32 $0xFFFFFB00  }
0x6d: {  	[spmem:s29] =	stream.linear.scatter [tilespmem:s31], [sflag:$0x4], $0x3200, $0x38;
	[tilespmem:$0x1EFA0] =	vst v63  }
0x6e: {  	_ =	swait.ge [sflag:s2], $0x3200  }
0x6f: {  	[sflag:s2] =	ssyncset.done $0x0  }
0x70: {  	s22 =	rddreg [dreg:$0xf];
	[sflag:s2] =	ssyncadd.s32 $0xFFFFCE00  }
0x71: {  	[spmem:s22] =	stream.linear.scatter [tilespmem:s0], [sflag:$0x4], $0x500, $0x38;
	[tilespmem:$0x1EFA0] =	vst v63  }
0x72: {  	_ =	swait.ge [sflag:s2], $0x500  }
0x73: {  	[sflag:s2] =	ssyncset.done $0x0  }
0x74: {  	s23 =	rddreg [dreg:$0xc];
	[sflag:s2] =	ssyncadd.s32 $0xFFFFFB00  }
0x75: {  	[spmem:s23] =	stream.linear.scatter [tilespmem:s31], [sflag:$0x4], $0x3200, $0x38;
	[tilespmem:$0x1EFA0] =	vst v63  }
0x76: {  	_ =	swait.ge [sflag:s2], $0x3200  }
0x77: {  	[sflag:s2] =	ssyncset.done $0x0  }
0x78: {  	s24 =	rddreg [dreg:$0x10];
	[sflag:s2] =	ssyncadd.s32 $0xFFFFCE00  }
0x79: {  	[spmem:s24] =	stream.linear.scatter [tilespmem:s0], [sflag:$0x4], $0x500, $0x38;
	[tilespmem:$0x1EFA0] =	vst v63  }
0x7a: {  	_ =	swait.ge [sflag:s2], $0x500  }
0x7b: {  	[sflag:s2] =	ssyncset.done $0x0  }
0x7c: {  	s25 =	rddreg [dreg:$0xd];
	[sflag:s2] =	ssyncadd.s32 $0xFFFFFB00  }
0x7d: {  	[spmem:s25] =	stream.linear.scatter [tilespmem:s31], [sflag:$0x4], $0x3200, $0x38;
	[tilespmem:$0x1EFA0] =	vst v63  }
0x7e: {  	_ =	swait.ge [sflag:s2], $0x3200  }
0x7f: {  	[sflag:s2] =	ssyncset.done $0x0  }
0x80: {  	s26 =	rddreg [dreg:$0x11];
	[sflag:s2] =	ssyncadd.s32 $0xFFFFCE00  }
0x81: {  	[spmem:s26] =	stream.linear.scatter [tilespmem:s0], [sflag:$0x4], $0x500, $0x38;
	[tilespmem:$0x1EFA0] =	vst v63  }
0x82: {  	_ =	swait.ge [sflag:s2], $0x500  }
0x83: {  	[sflag:s2] =	ssyncset.done $0x0  }
0x84: {  	s28 =	rddreg [dreg:$0xe];
	[sflag:s2] =	ssyncadd.s32 $0xFFFFFB00  }
0x85: {  	[spmem:s28] =	stream.linear.scatter [tilespmem:s31], [sflag:$0x4], $0x28A0, $0x38;
	[tilespmem:$0x1EFA0] =	vst v63  }
0x86: {  	_ =	swait.ge [sflag:s2], $0x28A0  }
0x87: {  	[sflag:s2] =	ssyncset.done $0x0  }
0x88: {  	s29 =	rddreg [dreg:$0x12];
	[sflag:s2] =	ssyncadd.s32 $0xFFFFD760  }
0x89: {  	[spmem:s29] =	stream.linear.scatter [tilespmem:s0], [sflag:$0x4], $0x410, $0x38;
	[tilespmem:$0x1EFA0] =	vst v63  }
.Ltmp4:
0x8a: {  	_ =	swait.ge [sflag:s2], $0x410;
	(pc) =	sbr.rel @p0 .LBB2_11-.Ltmp4, $4  }
0x8b: {  	[sflag:s2] =	ssyncset.done $0x0  }
0x8c: {  	[sflag:s2] =	ssyncadd.s32 $0xFFFFFBF0  }
0x8d: {  	[bflag:$0x0] =	sbarrier.arrive $0xFFFF  }
0x8e: {  	s21 =	simm.s32 $0x0;
	s22 =	simm.s32 $0x0;
	s23 =	simm.s32 $0x0  }
.LBB2_6:
0x8f: {  	s22 =	smul.u32 $0x50, s23;
	_ =	sdelay $0x1  }
0x90: {  	s22 =	sadd.s32 s30, s22  }
0x91: {  	s22 =	sshrl.u32 s22, $0x3  }
0x92: {  	s24 =	sadd.s32 s6, s22  }
0x93: {  	[tilespmem:s12], [sflag:$0x4] =	stream.linear.gather [hbm4b:s24+s21], $0x50, $0x38;
	[tilespmem:$0x1EFA0] =	vst v63  }
0x94: {  	_ =	swait.ge [sflag:s2], $0x50  }
0x95: {  	[sflag:s2] =	ssyncset.done $0x0  }
0x96: {  	s22 =	sadd.s32 s7, s22;
	[sflag:s2] =	ssyncadd.s32 $0xFFFFFFB0  }
0x97: {  	[tilespmem:s13], [sflag:$0x4] =	stream.linear.gather [hbm4b:s22+s21], $0x50, $0x38;
	[tilespmem:$0x1EFA0] =	vst v63  }
0x98: {  	_ =	swait.ge [sflag:s2], $0x50  }
0x99: {  	[sflag:s2] =	ssyncset.done $0x0  }
0x9a: {  	[sflag:s2] =	ssyncadd.s32 $0xFFFFFFB0  }
0x9b: {  	[tilespmem:s15], [sflag:$0x1] =	stream.indirect.gather [hbm4b:s1+s14], $0x10, s12, s14, $0xb8;
	[tilespmem:$0x1EFA0] =	vst v63  }
0x9c: {  	_ = 	snop  }
0x9d: {  	[tilespmem:s16], [sflag:$0x2] =	stream.indirect.gather [hbm4b:s9+s14], $0x10, s13, s14, $0xb8;
	[tilespmem:$0x1EFA0] =	vst v63  }
0x9e: {  	_ = 	snop  }
0x9f: {  	[tilespmem:s31], [sflag:$0x3] =	stream.indirect.gather [hbm4b:s8+s14], $0xA0, s12, s14, $0xb8;
	[tilespmem:$0x1EFA0] =	vst v63  }
0xa0: {  	_ =	swait.ge [sflag:s17], $0x500  }
0xa1: {  	[sflag:s17] =	ssyncset.done $0x0  }
0xa2: {  	[sflag:s17] =	ssyncadd.s32 $0xFFFFFB00  }
0xa3: {  	_ =	swait.ge [sflag:s18], $0x500  }
0xa4: {  	[sflag:s18] =	ssyncset.done $0x0  }
0xa5: {  	s22 =	simm.s32 $0x0;
	[sflag:s18] =	ssyncadd.s32 $0xFFFFFB00  }
0xa6: {  	v1 =	vld [tilespmem:s22+$0x1AEA0]  }
0xa7: {  	v2 =	vld [tilespmem:s22+$0x1B3A0];
	_ =	sdelay $0x4  }
0xa8: {  	v1 =	vadd.f32 v2, v1;
	_ =	sdelay $0x1  }
0xa9: {  	s24 =	simm.s32 $0x10;
	v2 =	vmul.f32 $2.000000030e-01, v1  }
0xaa: {  	v3 =	vld [tilespmem:s24+$0x1AEA0];
	vm0 =	vge.f32 v1, $0.0e+00  }
0xab: {  	v4 =	vld [tilespmem:s24+$0x1B3A0];
	v1 =	vsel vm0, v1, v2  }
0xac: {  	s25 =	simm.s32 $0x20;
	v1 =	vmul.f32 $1.442695020e+00, v1  }
0xad: {  	v2 =	vld [tilespmem:s25+$0x1AEA0]  }
0xae: {  	(erf) = vpow2.f32 v1;
	v1 =	vld [tilespmem:s25+$0x1B3A0];
	_ =	sdelay $0x1  }
0xaf: {  	v3 =	vadd.f32 v4, v3;
	_ =	sdelay $0x1  }
0xb0: {  	v4 =	vmul.f32 $2.000000030e-01, v3  }
0xb1: {  	vm14 =	vge.f32 v3, $0.0e+00;
	v5 =	vadd.f32 v1, v2  }
0xb2: {  	v1 =	vsel vm14, v3, v4  }
0xb3: {  	s26 =	simm.s32 $0x30;
	v2 =	vmul.f32 $1.442695020e+00, v1;
	v3 =	vmul.f32 $2.000000030e-01, v5  }
0xb4: {  	v1 =	vld [tilespmem:s26+$0x1AEA0]  }
0xb5: {  	(erf) = vpow2.f32 v2;
	v2 =	vld [tilespmem:s26+$0x1B3A0]  }
0xb6: {  	vm15 =	vge.f32 v5, $0.0e+00  }
0xb7: {  	s28 =	simm.s32 $0x100;
	v4 =	vsel vm15, v5, v3;
	v3 =	vpop (erf)  }
.LBB2_7:
0xb8: {  	s29 =	sshra.s32 s28, $0x2  }
0xb9: {  	v4 =	vmul.f32 $1.442695020e+00, v4;
	[tilespmem:s22+$0x1B8A0] =	vst v3;
	s22 =	smov.u32 s24;
	s24 =	smov.u32 s25;
	p1 =	sne.s32 s28, $0x13C0  }
.Ltmp5:
0xba: {  	s28 =	sadd.s32 $0x40, s28;
	v3 =	vadd.f32 v2, v1;
	v1 =	vld [tilespmem:s29+$0x1AEA0];
	(pc) =	sbr.rel @p1 .LBB2_7-.Ltmp5, $4  }
0xbb: {  	s25 =	smov.u32 s26;
	s26 =	smov.u32 s29;
	v2 =	vld [tilespmem:s29+$0x1B3A0];
	(erf) = vpow2.f32 v4  }
0xbc: {  	v4 =	vmul.f32 $2.000000030e-01, v3  }
0xbd: {  	vm0 =	vge.f32 v3, $0.0e+00  }
0xbe: {  	v4 =	vsel vm0, v3, v4;
	v3 =	vpop (erf)  }
0xbf: {  	_ = 	snop  }
0xc0: {  	v1 =	vadd.f32 v2, v1;
	_ =	sdelay $0x1  }
0xc1: {  	v2 =	vmul.f32 $2.000000030e-01, v1  }
0xc2: {  	vm0 =	vge.f32 v1, $0.0e+00  }
0xc3: {  	v4 =	vmul.f32 $1.442695020e+00, v4;
	v1 =	vsel vm0, v1, v2  }
0xc4: {  	v1 =	vmul.f32 $1.442695020e+00, v1  }
0xc5: {  	(erf) = vpow2.f32 v4  }
0xc6: {  	(erf) = vpow2.f32 v1;
	_ =	sdelay $0x6  }
0xc7: {  	[tilespmem:s22+$0x1B8A0] =	vst v3;
	v1 =	vpop (erf)  }
0xc8: {  	[tilespmem:s24+$0x1B8A0] =	vst v1;
	v1 =	vpop (erf)  }
0xc9: {  	[tilespmem:s25+$0x1B8A0] =	vst v1;
	v1 =	vpop (erf)  }
0xca: {  	[tilespmem:s26+$0x1B8A0] =	vst v1  }
0xcb: {  	[spmem:s4] =	stream.indirect.scatter.add.f32 [tilespmem:s0], [sflag:$0x4], $0x10, s13, s14, $0xb8;
	[tilespmem:$0x1EFA0] =	vst v63  }
0xcc: {  	_ =	swait.ge [sflag:s2], $0x500  }
0xcd: {  	[sflag:s2] =	ssyncset.done $0x0  }
0xce: {  	[sflag:s2] =	ssyncadd.s32 $0xFFFFFB00  }
0xcf: {  	_ =	swait.ge [sflag:s19], $0x3200  }
0xd0: {  	[sflag:s19] =	ssyncset.done $0x0  }
0xd1: {  	s22 =	simm.s32 $0x1BDF0;
	[sflag:s19] =	ssyncadd.s32 $0xFFFFCE00  }
0xd2: {  	v1 =	vld [tilespmem:s22+$0xFFFFFFF0]  }
0xd3: {  	s29 =	simm.s32 $0x0;
	v11 =	vld [tilespmem:s22+$0x0]  }
0xd4: {  	v6 =	vld [tilespmem:s29+$0x1B8A0]  }
0xd5: {  	v8 =	vld [tilespmem:s22+$0xFFFFFFB0]  }
0xd6: {  	v9 =	vld [tilespmem:s22+$0xFFFFFFC0]  }
0xd7: {  	v14 =	vld [tilespmem:s22+$0x30]  }
0xd8: {  	v4 =	vld [tilespmem:s22+$0xFFFFFFE0]  }
0xd9: {  	v2 =	vld [tilespmem:s22+$0x10]  }
0xda: {  	v7 =	vld [tilespmem:s22+$0x40];
	v3 =	vbroadcast v6, $0x0  }
0xdb: {  	v5 =	vbroadcast v6, $0x1;
	v10 =	vbroadcast v6, $0x2;
	v6 =	vld [tilespmem:s22+$0xFFFFFFD0]  }
0xdc: {  	v13 =	vmul.f32 v3, v8;
	v9 =	vmul.f32 v9, v3;
	v8 =	vld [tilespmem:s22+$0x20]  }
0xdd: {  	s24 =	simm.s32 $0x40;
	s25 =	simm.s32 $0x1BDF0;
	v12 =	vmul.f32 v11, v5;
	v11 =	vmul.f32 v14, v10  }
.LBB2_9:
0xde: {  	p1 =	sne.s32 s24, $0x13C0  }
0xdf: {  	[tilespmem:s22+$0xFFFFFFB0] =	vst v13;
	v4 =	vmul.f32 v4, v3;
	v7 =	vmul.f32 v7, v10;
	s25 =	sadd.s32 $0xA0, s25;
	s26 =	smov.u32 s24;
	s24 =	sadd.s32 $0x40, s24  }
0xe0: {  	v2 =	vmul.f32 v2, v5;
	v3 =	vmul.f32 v6, v3;
	[tilespmem:s22+$0x0] =	vst v12  }
0xe1: {  	v1 =	vmul.f32 v1, v5;
	[tilespmem:s22+$0xFFFFFFE0] =	vst v4;
	v4 =	vmul.f32 v8, v5  }
0xe2: {  	[tilespmem:s22+$0xFFFFFFC0] =	vst v9  }
0xe3: {  	[tilespmem:s22+$0x30] =	vst v11  }
0xe4: {  	[tilespmem:s22+$0xFFFFFFF0] =	vst v1  }
0xe5: {  	v1 =	vld [tilespmem:s25+$0xFFFFFFF0];
	[tilespmem:s22+$0x10] =	vst v2  }
0xe6: {  	v11 =	vld [tilespmem:s25+$0x0];
	[tilespmem:s22+$0x20] =	vst v4  }
0xe7: {  	v9 =	vld [tilespmem:s25+$0xFFFFFFB0];
	[tilespmem:s22+$0x40] =	vst v7  }
0xe8: {  	s26 =	sshra.s32 s26, $0x2;
	v4 =	vld [tilespmem:s25+$0xFFFFFFE0];
	[tilespmem:s22+$0xFFFFFFD0] =	vst v3;
	s22 =	smov.u32 s25  }
0xe9: {  	v10 =	vld [tilespmem:s26+$0x1B8A0]  }
0xea: {  	v2 =	vld [tilespmem:s25+$0x10]  }
0xeb: {  	v12 =	vld [tilespmem:s25+$0xFFFFFFC0]  }
0xec: {  	v14 =	vld [tilespmem:s25+$0x30]  }
.Ltmp6:
0xed: {  	v7 =	vld [tilespmem:s25+$0x40];
	(pc) =	sbr.rel @p1 .LBB2_9-.Ltmp6, $4  }
0xee: {  	v3 =	vbroadcast v10, $0x0;
	v6 =	vld [tilespmem:s25+$0xFFFFFFD0];
	v5 =	vbroadcast v10, $0x1  }
0xef: {  	v10 =	vbroadcast v10, $0x2;
	v8 =	vld [tilespmem:s25+$0x20]  }
0xf0: {  	v13 =	vmul.f32 v3, v9;
	v9 =	vmul.f32 v12, v3  }
0xf1: {  	v12 =	vmul.f32 v11, v5;
	v11 =	vmul.f32 v14, v10  }
0xf2: {  	[tilespmem:s22+$0xFFFFFFB0] =	vst v13  }
0xf3: {  	[tilespmem:s22+$0xFFFFFFC0] =	vst v9  }
0xf4: {  	v4 =	vmul.f32 v4, v3;
	[tilespmem:s22+$0x0] =	vst v12  }
0xf5: {  	v1 =	vmul.f32 v1, v5;
	[tilespmem:s22+$0x30] =	vst v11  }
0xf6: {  	v2 =	vmul.f32 v2, v5;
	[tilespmem:s22+$0xFFFFFFE0] =	vst v4  }
0xf7: {  	v63 =	vmul.f32 v8, v5;
	[tilespmem:s22+$0xFFFFFFF0] =	vst v1  }
0xf8: {  	v1 =	vmul.f32 v7, v10;
	[tilespmem:s22+$0x10] =	vst v2  }
0xf9: {  	v2 =	vmul.f32 v6, v3;
	[tilespmem:s22+$0x20] =	vst v63  }
0xfa: {  	s23 =	sadd.s32 $0x1, s23;
	[tilespmem:s22+$0x40] =	vst v1  }
0xfb: {  	p1 =	seq.s32 s23, $0xFA;
	[tilespmem:s22+$0xFFFFFFD0] =	vst v2  }
0xfc: {  	[spmem:s3] =	stream.indirect.scatter.add.f32 [tilespmem:s31], [sflag:$0x4], $0xA0, s13, s14, $0xb8;
	[tilespmem:$0x1EFA0] =	vst v63  }
.Ltmp7:
0xfd: {  	_ = 	snop;
	(pc) =	sbr.rel @!p1 .LBB2_6-.Ltmp7, $4  }
.Ltmp8:
0xfe: {  	_ = 	snop;
	(pc) =	sbr.rel @p1 .LBB2_16-.Ltmp8, $4  }
0xff: {  	_ =	swait.ge [sflag:s2], $0x3200  }
0x100: {  	[sflag:s2] =	ssyncset.done $0x0  }
0x101: {  	[sflag:s2] =	ssyncadd.s32 $0xFFFFCE00  }
0x102: {  	_ = 	snop  }
.LBB2_11:
0x103: {  	s23 =	smul.u32 $0x50, s22;
	_ =	sdelay $0x1  }
0x104: {  	s23 =	sadd.s32 s30, s23  }
0x105: {  	s23 =	sshrl.u32 s23, $0x3  }
0x106: {  	s24 =	sadd.s32 s6, s23  }
0x107: {  	[tilespmem:s12], [sflag:$0x4] =	stream.linear.gather [hbm4b:s24+s21], $0x50, $0x38;
	[tilespmem:$0x1EFA0] =	vst v63  }
0x108: {  	_ =	swait.ge [sflag:s2], $0x50  }
0x109: {  	[sflag:s2] =	ssyncset.done $0x0  }
0x10a: {  	s23 =	sadd.s32 s7, s23;
	[sflag:s2] =	ssyncadd.s32 $0xFFFFFFB0  }
0x10b: {  	[tilespmem:s13], [sflag:$0x4] =	stream.linear.gather [hbm4b:s23+s21], $0x50, $0x38;
	[tilespmem:$0x1EFA0] =	vst v63  }
0x10c: {  	_ =	swait.ge [sflag:s2], $0x50  }
0x10d: {  	[sflag:s2] =	ssyncset.done $0x0  }
0x10e: {  	[sflag:s2] =	ssyncadd.s32 $0xFFFFFFB0  }
0x10f: {  	v1 =	vld [tilespmem:$0x1ADB0]  }
0x110: {  	v2 =	vld [tilespmem:$0x1ADC0]  }
0x111: {  	v3 =	vld [tilespmem:$0x1ADD0]  }
0x112: {  	v4 =	vld [tilespmem:$0x1ADE0]  }
0x113: {  	v5 =	vld [tilespmem:$0x1ADF0]  }
0x114: {  	v1 =	vadd.s32 $0x2710, v1  }
0x115: {  	[tilespmem:$0x1AE50] =	vst v1;
	v1 =	vadd.s32 $0x2710, v2  }
0x116: {  	[tilespmem:$0x1AE60] =	vst v1;
	v1 =	vadd.s32 $0x2710, v3  }
0x117: {  	[tilespmem:$0x1AE70] =	vst v1;
	v1 =	vadd.s32 $0x2710, v4  }
0x118: {  	[tilespmem:$0x1AE80] =	vst v1;
	v1 =	vadd.s32 $0x2710, v5  }
0x119: {  	[tilespmem:$0x1AE90] =	vst v1  }
0x11a: {  	[tilespmem:s15], [sflag:$0x1] =	stream.indirect.gather [hbm4b:s1+s14], $0x10, s12, s14, $0xb8;
	[tilespmem:$0x1EFA0] =	vst v63  }
0x11b: {  	_ = 	snop  }
0x11c: {  	[tilespmem:s16], [sflag:$0x2] =	stream.indirect.gather [hbm4b:s9+s14], $0x10, s13, s14, $0xb8;
	[tilespmem:$0x1EFA0] =	vst v63  }
0x11d: {  	_ = 	snop  }
0x11e: {  	[tilespmem:s31], [sflag:$0x3] =	stream.indirect.gather [hbm4b:s8+s14], $0xA0, s20, s14, $0xb8;
	[tilespmem:$0x1EFA0] =	vst v63  }
0x11f: {  	_ =	swait.ge [sflag:s17], $0x500  }
0x120: {  	[sflag:s17] =	ssyncset.done $0x0  }
0x121: {  	[sflag:s17] =	ssyncadd.s32 $0xFFFFFB00  }
0x122: {  	_ =	swait.ge [sflag:s18], $0x500  }
0x123: {  	[sflag:s18] =	ssyncset.done $0x0  }
0x124: {  	s23 =	simm.s32 $0x0;
	[sflag:s18] =	ssyncadd.s32 $0xFFFFFB00  }
0x125: {  	v1 =	vld [tilespmem:s23+$0x1AEA0]  }
0x126: {  	v2 =	vld [tilespmem:s23+$0x1B3A0];
	_ =	sdelay $0x4  }
0x127: {  	v1 =	vadd.f32 v2, v1;
	_ =	sdelay $0x1  }
0x128: {  	s24 =	simm.s32 $0x10;
	v2 =	vmul.f32 $2.000000030e-01, v1  }
0x129: {  	v3 =	vld [tilespmem:s24+$0x1AEA0];
	vm0 =	vge.f32 v1, $0.0e+00  }
0x12a: {  	v4 =	vld [tilespmem:s24+$0x1B3A0];
	v1 =	vsel vm0, v1, v2  }
0x12b: {  	s25 =	simm.s32 $0x20;
	v1 =	vmul.f32 $1.442695020e+00, v1  }
0x12c: {  	v2 =	vld [tilespmem:s25+$0x1AEA0]  }
0x12d: {  	(erf) = vpow2.f32 v1;
	v1 =	vld [tilespmem:s25+$0x1B3A0];
	_ =	sdelay $0x1  }
0x12e: {  	v3 =	vadd.f32 v4, v3;
	_ =	sdelay $0x1  }
0x12f: {  	v4 =	vmul.f32 $2.000000030e-01, v3  }
0x130: {  	vm14 =	vge.f32 v3, $0.0e+00;
	v5 =	vadd.f32 v1, v2  }
0x131: {  	v1 =	vsel vm14, v3, v4  }
0x132: {  	s26 =	simm.s32 $0x30;
	v2 =	vmul.f32 $1.442695020e+00, v1;
	v3 =	vmul.f32 $2.000000030e-01, v5  }
0x133: {  	v1 =	vld [tilespmem:s26+$0x1AEA0]  }
0x134: {  	(erf) = vpow2.f32 v2;
	v2 =	vld [tilespmem:s26+$0x1B3A0]  }
0x135: {  	vm15 =	vge.f32 v5, $0.0e+00  }
0x136: {  	s28 =	simm.s32 $0x100;
	v4 =	vsel vm15, v5, v3;
	v3 =	vpop (erf)  }
.LBB2_12:
0x137: {  	s29 =	sshra.s32 s28, $0x2  }
0x138: {  	v4 =	vmul.f32 $1.442695020e+00, v4;
	[tilespmem:s23+$0x1B8A0] =	vst v3;
	s23 =	smov.u32 s24;
	s24 =	smov.u32 s25;
	p1 =	sne.s32 s28, $0x13C0  }
.Ltmp9:
0x139: {  	s28 =	sadd.s32 $0x40, s28;
	v3 =	vadd.f32 v2, v1;
	v1 =	vld [tilespmem:s29+$0x1AEA0];
	(pc) =	sbr.rel @p1 .LBB2_12-.Ltmp9, $4  }
0x13a: {  	s25 =	smov.u32 s26;
	s26 =	smov.u32 s29;
	v2 =	vld [tilespmem:s29+$0x1B3A0];
	(erf) = vpow2.f32 v4  }
0x13b: {  	v4 =	vmul.f32 $2.000000030e-01, v3  }
0x13c: {  	vm0 =	vge.f32 v3, $0.0e+00  }
0x13d: {  	v4 =	vsel vm0, v3, v4;
	v3 =	vpop (erf)  }
0x13e: {  	_ = 	snop  }
0x13f: {  	v1 =	vadd.f32 v2, v1;
	_ =	sdelay $0x1  }
0x140: {  	v2 =	vmul.f32 $2.000000030e-01, v1  }
0x141: {  	vm0 =	vge.f32 v1, $0.0e+00  }
0x142: {  	v4 =	vmul.f32 $1.442695020e+00, v4;
	v1 =	vsel vm0, v1, v2  }
0x143: {  	v1 =	vmul.f32 $1.442695020e+00, v1  }
0x144: {  	(erf) = vpow2.f32 v4  }
0x145: {  	(erf) = vpow2.f32 v1;
	_ =	sdelay $0x6  }
0x146: {  	[tilespmem:s23+$0x1B8A0] =	vst v3;
	v1 =	vpop (erf)  }
0x147: {  	[tilespmem:s24+$0x1B8A0] =	vst v1;
	v1 =	vpop (erf)  }
0x148: {  	[tilespmem:s25+$0x1B8A0] =	vst v1;
	v1 =	vpop (erf)  }
0x149: {  	[tilespmem:s26+$0x1B8A0] =	vst v1  }
0x14a: {  	_ =	swait.ge [sflag:s19], $0x3200  }
0x14b: {  	[sflag:s19] =	ssyncset.done $0x0  }
0x14c: {  	s23 =	simm.s32 $0x1BDF0;
	[sflag:s19] =	ssyncadd.s32 $0xFFFFCE00  }
0x14d: {  	v1 =	vld [tilespmem:s23+$0xFFFFFFF0]  }
0x14e: {  	s29 =	simm.s32 $0x0;
	v8 =	vld [tilespmem:s23+$0xFFFFFFB0]  }
0x14f: {  	v4 =	vld [tilespmem:s29+$0x1B8A0]  }
0x150: {  	v9 =	vld [tilespmem:s23+$0xFFFFFFC0]  }
0x151: {  	v10 =	vld [tilespmem:s23+$0x10]  }
0x152: {  	v13 =	vld [tilespmem:s23+$0xFFFFFFE0]  }
0x153: {  	v3 =	vld [tilespmem:s23+$0x0]  }
0x154: {  	v2 =	vld [tilespmem:s23+$0xFFFFFFD0]  }
0x155: {  	v7 =	vld [tilespmem:s23+$0x30];
	v11 =	vbroadcast v4, $0x2  }
0x156: {  	v5 =	vld [tilespmem:s23+$0x20];
	v6 =	vbroadcast v4, $0x3;
	v4 =	vbroadcast v4, $0x4  }
0x157: {  	v12 =	vmul.f32 v11, v8;
	v11 =	vmul.f32 v9, v11;
	v8 =	vld [tilespmem:s23+$0x40]  }
0x158: {  	s24 =	simm.s32 $0x40;
	s25 =	simm.s32 $0x1BDF0;
	v9 =	vmul.f32 v13, v6;
	v10 =	vmul.f32 v10, v4  }
.LBB2_14:
0x159: {  	p1 =	sne.s32 s24, $0x13C0  }
0x15a: {  	[tilespmem:s23+$0xFFFFFFB0] =	vst v12;
	v3 =	vmul.f32 v3, v6;
	v7 =	vmul.f32 v7, v4;
	s25 =	sadd.s32 $0xA0, s25;
	s26 =	smov.u32 s24;
	s24 =	sadd.s32 $0x40, s24  }
0x15b: {  	v1 =	vmul.f32 v1, v6;
	[tilespmem:s23+$0xFFFFFFC0] =	vst v11;
	v5 =	vmul.f32 v5, v4  }
0x15c: {  	v2 =	vmul.f32 v2, v6;
	[tilespmem:s23+$0x0] =	vst v3;
	v4 =	vmul.f32 v8, v4  }
0x15d: {  	[tilespmem:s23+$0x10] =	vst v10  }
0x15e: {  	[tilespmem:s23+$0xFFFFFFE0] =	vst v9  }
0x15f: {  	[tilespmem:s23+$0xFFFFFFF0] =	vst v1  }
0x160: {  	v1 =	vld [tilespmem:s25+$0xFFFFFFF0];
	[tilespmem:s23+$0xFFFFFFD0] =	vst v2  }
0x161: {  	v3 =	vld [tilespmem:s25+$0x0];
	[tilespmem:s23+$0x40] =	vst v4  }
0x162: {  	v9 =	vld [tilespmem:s25+$0xFFFFFFB0];
	[tilespmem:s23+$0x30] =	vst v7  }
0x163: {  	s26 =	sshra.s32 s26, $0x2;
	v10 =	vld [tilespmem:s25+$0xFFFFFFC0];
	[tilespmem:s23+$0x20] =	vst v5;
	s23 =	smov.u32 s25  }
0x164: {  	v4 =	vld [tilespmem:s26+$0x1B8A0]  }
0x165: {  	v2 =	vld [tilespmem:s25+$0xFFFFFFD0]  }
0x166: {  	v13 =	vld [tilespmem:s25+$0x10]  }
0x167: {  	v14 =	vld [tilespmem:s25+$0xFFFFFFE0]  }
.Ltmp10:
0x168: {  	v7 =	vld [tilespmem:s25+$0x30];
	(pc) =	sbr.rel @p1 .LBB2_14-.Ltmp10, $4  }
0x169: {  	v11 =	vbroadcast v4, $0x2;
	v6 =	vbroadcast v4, $0x3;
	v5 =	vld [tilespmem:s25+$0x20]  }
0x16a: {  	v4 =	vbroadcast v4, $0x4;
	v8 =	vld [tilespmem:s25+$0x40]  }
0x16b: {  	v12 =	vmul.f32 v11, v9;
	v11 =	vmul.f32 v10, v11  }
0x16c: {  	v10 =	vmul.f32 v13, v4;
	v9 =	vmul.f32 v14, v6  }
0x16d: {  	[tilespmem:s23+$0xFFFFFFB0] =	vst v12  }
0x16e: {  	[tilespmem:s23+$0xFFFFFFC0] =	vst v11  }
0x16f: {  	v3 =	vmul.f32 v3, v6;
	[tilespmem:s23+$0x10] =	vst v10  }
0x170: {  	v1 =	vmul.f32 v1, v6;
	[tilespmem:s23+$0xFFFFFFE0] =	vst v9  }
0x171: {  	v2 =	vmul.f32 v2, v6;
	[tilespmem:s23+$0x0] =	vst v3  }
0x172: {  	v3 =	vmul.f32 v8, v4;
	[tilespmem:s23+$0xFFFFFFF0] =	vst v1  }
0x173: {  	v1 =	vmul.f32 v7, v4;
	[tilespmem:s23+$0xFFFFFFD0] =	vst v2  }
0x174: {  	v2 =	vmul.f32 v5, v4;
	[tilespmem:s23+$0x40] =	vst v3  }
0x175: {  	s22 =	sadd.s32 $0x1, s22;
	[tilespmem:s23+$0x30] =	vst v1  }
0x176: {  	p1 =	sne.s32 s22, $0xFA;
	[tilespmem:s23+$0x20] =	vst v2  }
0x177: {  	[spmem:s3] =	stream.indirect.scatter.add.f32 [tilespmem:s31], [sflag:$0x4], $0xA0, s13, s14, $0xb8;
	[tilespmem:$0x1EFA0] =	vst v63  }
.Ltmp11:
0x178: {  	_ = 	snop;
	(pc) =	sbr.rel @p1 .LBB2_11-.Ltmp11, $4  }
.Ltmp12:
0x179: {  	_ = 	snop;
	(pc) =	sbr.rel @!p1 .LBB2_16-.Ltmp12, $4  }
0x17a: {  	_ =	swait.ge [sflag:s2], $0x3200  }
0x17b: {  	[sflag:s2] =	ssyncset.done $0x0  }
0x17c: {  	[sflag:s2] =	ssyncadd.s32 $0xFFFFCE00  }
0x17d: {  	_ = 	snop  }
.LBB2_17:
0x17e: {  	_ =	sfence.sel $0x180000  }
0x17f: {  	[bflag:$0x0] =	sbarrier.arrive $0xFFFF  }
0x180: {  	_ =	strace $0x90000047  }
0x181: {  	s0 =	stileid.u32;
	[bflag:$0x2] =	sbarrier.arrive $0xFFFF  }
0x182: {  	p0 =	sne.s32 s0, $0x0;
	s0 =	rddreg [dreg:$0x4]  }
0x183: {  	s0 =	sadd.s32 @!p0 $0x100000, s0  }
0x184: {  	[sflag:s0] =	ssyncadd.tile.s32 @!p0 $0x1;
	_ =	shalt  }
.Lfunc_end2:
_tile_overlayer_lowered:
.L_overlay_start_2:
0x185: {  	(tag) =	ssettag $0x2  }
0x186: {  	s0 =	rddreg [dreg:$0x0];
	s2 =	stileid.u32  }
0x187: {  	s1 =	rddreg [dreg:$0x1];
	p0 =	sne.s32 s2, $0x0  }
0x188: {  	s3 =	rddreg [dreg:$0x2];
	[bflag:$0x3] =	sbarrier.arrive $0xFFFF;
	s2 =	simm.s32 @!p0 $0x1C04  }
0x189: {  	[timem:s3], [sflag:s2] =	dma.local @!p0 [hbm:s0], s1  }
0x18a: {  	s0 =	simm.s32 @!p0 $0x4  }
0x18b: {  	_ =	swait.ge @!p0 [sflag:s0], s1  }
0x18c: {  	s1 =	ssub.s32 @!p0 $0x0, s1;
	[sflag:s0] =	ssyncset.done @!p0 $0x0  }
0x18d: {  	[sflag:s0] =	ssyncadd.s32 @!p0 s1  }
0x18e: {  	[bflag:$0x3] =	sbarrier.arrive $0xFFFF  }
0x18f: {  	_ =	shalt  }

</sc_bundles>
